<compile_context>
chip_gen: v7x
topology: tpu7x:2x2x1
jax: 0.10.2.dev20260603
libtpu: 0.0.44.dev20260713+nightly
codegen_flags: <defaults>
</compile_context>

<pallas_src>
import functools

import jax
import jax.numpy as jnp
from jax import lax
from jax.experimental import pallas as pl
from jax.experimental.pallas import tpu as pltpu
from jax.experimental.pallas import tpu_sc as plsc

_B, _N_PER_B, _F, _H = 10, 1000, 128, 128
_N = _B * _N_PER_B
_E = 320000
_NC = 2
_NS = 16
_NW = _NC * _NS
_EPW = _E // _NW
_CH = 80
_CPW = _EPW // _CH
_NA = _N
_WT = 10
_WR = _N // _WT
_DW = 128


def _zero_init(s, zeros_hbm, acc_sh):
    @pl.when(s < _WT)
    def _():
        pltpu.sync_copy(zeros_hbm.at[pl.ds(s * _WR, _WR)],
                        acc_sh.at[pl.ds(s * _WR, _WR)])


def _writeout(c, s, acc_sh, out_hbm):
    @pl.when(s < _WT)
    def _():
        pltpu.sync_copy(acc_sh.at[pl.ds(s * _WR, _WR)],
                        out_hbm.at[c, pl.ds(s * _WR, _WR)])


def _deg_body(dst_hbm, zeros_hbm, ones_hbm, out_hbm, dst_vv, ones_v, acc_sh):
    c = lax.axis_index("c")
    s = lax.axis_index("s")
    wid = c * _NS + s
    pltpu.sync_copy(ones_hbm, ones_v)
    pltpu.sync_copy(dst_hbm.at[wid], dst_vv)
    _zero_init(s, zeros_hbm, acc_sh)
    plsc.subcore_barrier()

    def chunk(i, carry):
        pltpu.sync_copy(ones_v, acc_sh.at[dst_vv.at[i]], add=True)
        return carry

    lax.fori_loop(0, _CPW, chunk, 0)
    plsc.subcore_barrier()
    _writeout(c, s, acc_sh, out_hbm)


def _prop_body(h_hbm, src_hbm, dst_hbm, zeros_hbm, out_hbm,
               src_v, dst_vv, rows, acc_sh, gsem):
    c = lax.axis_index("c")
    s = lax.axis_index("s")
    wid = c * _NS + s
    base = wid * _EPW
    pltpu.sync_copy(src_hbm.at[pl.ds(base, _EPW)], src_v)
    pltpu.sync_copy(dst_hbm.at[wid], dst_vv)
    _zero_init(s, zeros_hbm, acc_sh)

    def gather(i, b):
        return pltpu.make_async_copy(
            h_hbm.at[src_v.at[pl.ds(i * _CH, _CH)]], rows[b], gsem[b])

    gather(0, 0).start()
    plsc.subcore_barrier()

    def step(j, carry):
        for b in range(2):
            i = j * 2 + b
            @pl.when(i + 1 < _CPW)
            def _():
                gather(i + 1, 1 - b).start()
            gather(i, b).wait()
            pltpu.sync_copy(rows[b], acc_sh.at[dst_vv.at[i]], add=True)
        return carry

    lax.fori_loop(0, _CPW // 2, step, 0)
    gather(_CPW - 1, 0).wait()
    pltpu.sync_copy(rows[0], acc_sh.at[dst_vv.at[_CPW - 1]], add=True)
    plsc.subcore_barrier()
    _writeout(c, s, acc_sh, out_hbm)


@functools.cache
def _sc_kernels():
    mesh = plsc.VectorSubcoreMesh(
        core_axis_name="c", subcore_axis_name="s",
        num_cores=_NC, num_subcores=_NS)
    deg = pl.kernel(
        _deg_body,
        out_type=jax.ShapeDtypeStruct((_NC, _N, _DW), jnp.float32),
        mesh=mesh,
        scratch_types=[
            pltpu.VMEM((_CPW, _CH), jnp.int32),
            pltpu.VMEM((_CH, _DW), jnp.float32),
            pltpu.VMEM_SHARED((_NA, _DW), jnp.float32),
        ],
    )
    prop = pl.kernel(
        _prop_body,
        out_type=jax.ShapeDtypeStruct((_NC, _N, _H), jnp.float32),
        mesh=mesh,
        scratch_types=[
            pltpu.VMEM((_EPW,), jnp.int32),
            pltpu.VMEM((_CPW, _CH), jnp.int32),
            [pltpu.VMEM((_CH, _H), jnp.float32)] * 2,
            pltpu.VMEM_SHARED((_NA, _H), jnp.float32),
            [pltpu.SemaphoreType.DMA] * 2,
        ],
    )
    return deg, prop



def _pre_body(x_ref, w_ref, deg_ref, h_ref, dinv_ref):
    deg = deg_ref[0, :, 0:1] + deg_ref[1, :, 0:1] + 1.0
    dinv = 1.0 / jnp.sqrt(deg)
    dinv_ref[...] = dinv
    h = jnp.dot(x_ref[...], w_ref[...], preferred_element_type=jnp.float32)
    h_ref[...] = dinv * h


def _pre_call(x2, w0, degp):
    return pl.pallas_call(
        _pre_body,
        out_shape=(jax.ShapeDtypeStruct((_N, _H), jnp.float32),
                   jax.ShapeDtypeStruct((_N, 1), jnp.float32)),
    )(x2, w0, degp)


def _block_body(p_ref, hprev_ref, dinv_ref, b_ref, g_ref, be_ref, w_ref,
                out_ref):
    dinv = dinv_ref[...]
    y = dinv * (p_ref[0] + p_ref[1] + hprev_ref[...]) + b_ref[...]
    m = jnp.mean(y, axis=0, keepdims=True)
    v = jnp.mean((y - m) * (y - m), axis=0, keepdims=True)
    yn = (y - m) / jnp.sqrt(v + 1e-5) * g_ref[...] + be_ref[...]
    r = jnp.maximum(yn, 0.0)
    h = jnp.dot(r, w_ref[...], preferred_element_type=jnp.float32)
    out_ref[...] = dinv * h


def _block_call(p, hprev, dinv, b, g, be, w_next):
    return pl.pallas_call(
        _block_body,
        out_shape=jax.ShapeDtypeStruct((_N, _H), jnp.float32),
    )(p, hprev, dinv, b.reshape(1, _H), g.reshape(1, _H), be.reshape(1, _H),
      w_next)


def _final_body(p_ref, h3_ref, dinv_ref, wc_ref, bc_ref, wcls_ref, bcls_ref,
                wr_ref, br_ref, wf_ref, bf_ref, wco_ref, bco_ref,
                logits_ref, corr_ref):
    y = dinv_ref[...] * (p_ref[0] + p_ref[1] + h3_ref[...])
    pools = [jnp.mean(y[i * _N_PER_B:(i + 1) * _N_PER_B], axis=0,
                      keepdims=True) for i in range(_B)]
    ym = jnp.concatenate(pools, axis=0)
    pooled = jnp.dot(ym, wc_ref[...],
                     preferred_element_type=jnp.float32) + bc_ref[...]
    logits_ref[...] = jnp.dot(pooled, wcls_ref[...],
                              preferred_element_type=jnp.float32) + bcls_ref[...]
    cb = jnp.dot(y, wr_ref[...],
                 preferred_element_type=jnp.float32) + br_ref[...]
    cf = jnp.maximum(
        jnp.dot(cb, wf_ref[...],
                preferred_element_type=jnp.float32) + bf_ref[...], 0.0)
    corr_ref[...] = jnp.dot(cf, wco_ref[...],
                            preferred_element_type=jnp.float32) + bco_ref[...]


def _final_call(p, h3, dinv, prm):
    return pl.pallas_call(
        _final_body,
        out_shape=(jax.ShapeDtypeStruct((_B, 12), jnp.float32),
                   jax.ShapeDtypeStruct((_N, 3), jnp.float32)),
    )(p, h3, dinv,
      prm['Wc'], prm['bc'].reshape(1, _H),
      prm['Wcls'], prm['bcls'].reshape(1, 12),
      prm['Wr'], prm['br'].reshape(1, _H),
      prm['Wf'][:_H], prm['bf'].reshape(1, _H),
      prm['Wco'], prm['bco'].reshape(1, 3))



def kernel(x, edge_index, params):
    ei = edge_index.astype(jnp.int32)
    src, dst = ei[0], ei[1]
    dst_w = dst.reshape(_NW, _CPW, _CH)
    x2 = x.reshape(_N, _F)
    zeros_h = jnp.zeros((_N, _H), jnp.float32)
    ones_d = jnp.ones((_CH, _DW), jnp.float32)
    eye = jnp.eye(_H, dtype=jnp.float32)

    deg_kernel, prop_kernel = _sc_kernels()
    degp = deg_kernel(dst_w, zeros_h, ones_d)
    h, dinv = _pre_call(x2, params['W0'], degp)
    for i in range(3):
        p = prop_kernel(h, src, dst_w, zeros_h)
        w_next = params[f'W{i + 1}'] if i < 2 else eye
        h = _block_call(p, h, dinv, params[f'b{i}'], params[f'g{i}'],
                        params[f'be{i}'], w_next)
    p = prop_kernel(h, src, dst_w, zeros_h)
    logits, corr = _final_call(p, h, dinv, params)
    return (logits, corr.reshape(_B, _N_PER_B, 3))

# --- scband reference (transcript-rebuilt; emitter-appended) ---
"""Pipeline reference for scband-dual-branch-gcn-63866163692189 (READ-ONLY COPY).

The authoritative reference and input builder live on the scoring server;
editing this copy changes nothing except your own understanding.
"""

import jax, jax.numpy as jnp
import numpy as np

B, N, F, H = 10, 1000, 128, 128
E = 320000
NC, COR = 12, 3
NUM_BLOCKS = 3


def _glorot(key, shape):
    lim = float(np.sqrt(6.0 / (shape[0] + shape[1])))
    return jax.random.uniform(key, shape, minval=-lim, maxval=lim, dtype=jnp.float32)


def setup_inputs(seed: int = 0) -> dict:
    key = jax.random.key(seed)
    ks = jax.random.split(key, 32)
    x = jax.random.normal(ks[0], (B, N, F), dtype=jnp.float32)
    edge_index = jax.random.randint(ks[1], (2, E), 0, B * N, dtype=jnp.int64)
    params = {}
    dims = [(F, H), (H, H), (H, H)]
    for i, (di, do) in enumerate(dims):
        params[f'W{i}'] = _glorot(ks[2 + i], (di, do))
        params[f'b{i}'] = jnp.zeros((do,), dtype=jnp.float32)
        params[f'g{i}'] = jnp.ones((do,), dtype=jnp.float32)
        params[f'be{i}'] = jnp.zeros((do,), dtype=jnp.float32)
    params['Wc'] = _glorot(ks[10], (H, H))
    params['bc'] = jnp.zeros((H,), dtype=jnp.float32)
    params['Wcls'] = _glorot(ks[11], (H, NC))
    params['bcls'] = jnp.zeros((NC,), dtype=jnp.float32)
    params['Wr'] = _glorot(ks[12], (H, H))
    params['br'] = jnp.zeros((H,), dtype=jnp.float32)
    params['Wf'] = _glorot(ks[13], (2 * H, H))
    params['bf'] = jnp.zeros((H,), dtype=jnp.float32)
    params['Wco'] = _glorot(ks[14], (H, COR))
    params['bco'] = jnp.zeros((COR,), dtype=jnp.float32)
    return {'x': x, 'edge_index': edge_index, 'params': params}


def _gcn_conv(x, src, dst, W, b, n):
    h = x @ W
    loop = jnp.arange(n)
    s = jnp.concatenate([src, loop])
    d = jnp.concatenate([dst, loop])
    deg = jnp.zeros((n,), dtype=h.dtype).at[d].add(1.0)
    dinv = jnp.where(deg > 0, 1.0 / jnp.sqrt(deg), 0.0)
    norm = dinv[s] * dinv[d]
    msg = h[s] * norm[:, None]
    out = jnp.zeros_like(h).at[d].add(msg)
    return out + b


def _bn(x, g, be, eps=1e-5):
    m = x.mean(axis=0)
    v = x.var(axis=0)
    return (x - m) / jnp.sqrt(v + eps) * g + be


def reference(x, edge_index, params):
    n = B * N
    src = edge_index[0]
    dst = edge_index[1]
    xf = x.reshape(n, F)
    batch_vec = jnp.repeat(jnp.arange(B), N)
    for i in range(NUM_BLOCKS):
        xf = _gcn_conv(xf, src, dst, params[f'W{i}'], params[f'b{i}'], n)
        xf = _bn(xf, params[f'g{i}'], params[f'be{i}'])
        xf = jax.nn.relu(xf)
        # dropout is identity in eval / reference mode
    class_branch = _gcn_conv(xf, src, dst, params['Wc'], params['bc'], n)
    sums = jax.ops.segment_sum(class_branch, batch_vec, num_segments=B)
    counts = jax.ops.segment_sum(jnp.ones((n,), dtype=jnp.float32), batch_vec, num_segments=B)
    pooled = sums / counts[:, None]
    pred_logits = pooled @ params['Wcls'] + params['bcls']
    corr_branch = _gcn_conv(xf, src, dst, params['Wr'], params['br'], n)
    corr_feat = jnp.concatenate([corr_branch, jnp.zeros_like(corr_branch)], axis=1)
    corr_fused = jax.nn.relu(corr_feat @ params['Wf'] + params['bf'])
    corr_out = corr_fused @ params['Wco'] + params['bco']
    pred_corrected_pose = corr_out.reshape(B, N, COR)
    return (pred_logits, pred_corrected_pose)

if __name__ == "__main__":
    import jax
    _d = setup_inputs()
    print(jax.jit(kernel)(*tuple(_d.values())))

</pallas_src>

<mosaic_0001>
#map = affine_map<(d0, d1) -> (0, 0)>
#map1 = affine_map<(d0, d1) -> (0)>
#map2 = affine_map<(d0, d1) -> (0, 0, 0)>
module attributes {stable_mosaic.version = 14 : i64} {
  func.func @_prop_body(%arg0: i32, %arg1: i32, %arg2: memref<10000x128xf32, #tpu.memory_space<hbm>>, %arg3: memref<320000xi32, #tpu.memory_space<hbm>>, %arg4: memref<32x125x80xi32, #tpu.memory_space<hbm>>, %arg5: memref<10000x128xf32, #tpu.memory_space<hbm>>, %arg6: memref<2x10000x128xf32, #tpu.memory_space<hbm>>, %arg7: memref<10000xi32, #tpu.memory_space<vmem>>, %arg8: memref<125x80xi32, #tpu.memory_space<vmem>>, %arg9: memref<80x128xf32, #tpu.memory_space<vmem>>, %arg10: memref<80x128xf32, #tpu.memory_space<vmem>>, %arg11: memref<10000x128xf32, #tpu.memory_space<vmem_shared>>, %arg12: memref<!tpu.dma_semaphore, #tpu.memory_space<semaphore_mem>>, %arg13: memref<!tpu.dma_semaphore, #tpu.memory_space<semaphore_mem>>) attributes {dimension_semantics = [#tpu.dimension_semantics<core_parallel>, #tpu.dimension_semantics<subcore_parallel>], iteration_bounds = array<i64: 2, 16>, scalar_prefetch = 0 : i64, scratch_operands = 7 : i64, tpu.core_type = #tpu.core_type<sc_vector_subcore>, window_params = [{transform_indices = #map}, {transform_indices = #map1}, {transform_indices = #map2}, {transform_indices = #map}, {transform_indices = #map2}]} {
    %mul3A = arith.constant 16 : i32
    %mul3A_0 = arith.muli %arg0, %mul3A : i32
    %add3A = arith.addi %mul3A_0, %arg1 : i32
    %mul3A_1 = arith.constant 10000 : i32
    %mul3A_2 = arith.muli %add3A, %mul3A_1 : i32
    "tpu.region"() ({
      %run_scoped3A_24 = tpu.sem_alloc : memref<!tpu.dma_semaphore, #tpu.memory_space<semaphore_mem>>
      %dma_start3A_25 = tpu.memref_slice %arg3[%mul3A_2] : memref<320000xi32, #tpu.memory_space<hbm>> -> memref<10000xi32, #tpu.memory_space<hbm>>
      %dma_start3A_26 = tpu.memref_slice %arg3[%mul3A_2] : memref<320000xi32, #tpu.memory_space<hbm>> -> memref<10000xi32, #tpu.memory_space<hbm>>
      tpu.enqueue_dma source(%dma_start3A_26 : memref<10000xi32, #tpu.memory_space<hbm>>) target(%arg7 : memref<10000xi32, #tpu.memory_space<vmem>>) target_semaphore(%run_scoped3A_24 : memref<!tpu.dma_semaphore, #tpu.memory_space<semaphore_mem>>)
      %dma_wait3A_27 = tpu.memref_slice %arg3[%mul3A_2] : memref<320000xi32, #tpu.memory_space<hbm>> -> memref<10000xi32, #tpu.memory_space<hbm>>
      %dma_wait3A_28 = tpu.memref_slice %arg3[%mul3A_2] : memref<320000xi32, #tpu.memory_space<hbm>> -> memref<10000xi32, #tpu.memory_space<hbm>>
      tpu.wait_dma2 semaphore(%run_scoped3A_24 : memref<!tpu.dma_semaphore, #tpu.memory_space<semaphore_mem>>) src(%dma_wait3A_28 : memref<10000xi32, #tpu.memory_space<hbm>>) dst(%arg7 : memref<10000xi32, #tpu.memory_space<vmem>>)
      tpu.yield
    }) : () -> ()
    "tpu.region"() ({
      %run_scoped3A_24 = tpu.sem_alloc : memref<!tpu.dma_semaphore, #tpu.memory_space<semaphore_mem>>
      %dma_start3A_25 = arith.constant 0 : i32
      %dma_start3A_26 = arith.constant 0 : i32
      %dma_start3A_27 = tpu.memref_slice %arg4[%add3A, %dma_start3A_25, %dma_start3A_26] : memref<32x125x80xi32, #tpu.memory_space<hbm>> -> memref<1x125x80xi32, #tpu.memory_space<hbm>>
      %dma_start3A_28 = tpu.memref_squeeze %dma_start3A_27 : memref<1x125x80xi32, #tpu.memory_space<hbm>> -> memref<125x80xi32, #tpu.memory_space<hbm>>
      %dma_start3A_29 = arith.constant 0 : i32
      %dma_start3A_30 = arith.constant 0 : i32
      %dma_start3A_31 = tpu.memref_slice %arg4[%add3A, %dma_start3A_29, %dma_start3A_30] : memref<32x125x80xi32, #tpu.memory_space<hbm>> -> memref<1x125x80xi32, #tpu.memory_space<hbm>>
      %dma_start3A_32 = tpu.memref_squeeze %dma_start3A_31 : memref<1x125x80xi32, #tpu.memory_space<hbm>> -> memref<125x80xi32, #tpu.memory_space<hbm>>
      tpu.enqueue_dma source(%dma_start3A_32 : memref<125x80xi32, #tpu.memory_space<hbm>>) target(%arg8 : memref<125x80xi32, #tpu.memory_space<vmem>>) target_semaphore(%run_scoped3A_24 : memref<!tpu.dma_semaphore, #tpu.memory_space<semaphore_mem>>)
      %dma_wait3A_33 = arith.constant 0 : i32
      %dma_wait3A_34 = arith.constant 0 : i32
      %dma_wait3A_35 = tpu.memref_slice %arg4[%add3A, %dma_wait3A_33, %dma_wait3A_34] : memref<32x125x80xi32, #tpu.memory_space<hbm>> -> memref<1x125x80xi32, #tpu.memory_space<hbm>>
      %dma_wait3A_36 = tpu.memref_squeeze %dma_wait3A_35 : memref<1x125x80xi32, #tpu.memory_space<hbm>> -> memref<125x80xi32, #tpu.memory_space<hbm>>
      %dma_wait3A_37 = arith.constant 0 : i32
      %dma_wait3A_38 = arith.constant 0 : i32
      %dma_wait3A_39 = tpu.memref_slice %arg4[%add3A, %dma_wait3A_37, %dma_wait3A_38] : memref<32x125x80xi32, #tpu.memory_space<hbm>> -> memref<1x125x80xi32, #tpu.memory_space<hbm>>
      %dma_wait3A_40 = tpu.memref_squeeze %dma_wait3A_39 : memref<1x125x80xi32, #tpu.memory_space<hbm>> -> memref<125x80xi32, #tpu.memory_space<hbm>>
      tpu.wait_dma2 semaphore(%run_scoped3A_24 : memref<!tpu.dma_semaphore, #tpu.memory_space<semaphore_mem>>) src(%dma_wait3A_40 : memref<125x80xi32, #tpu.memory_space<hbm>>) dst(%arg8 : memref<125x80xi32, #tpu.memory_space<vmem>>)
      tpu.yield
    }) : () -> ()
    %lt3A = arith.constant 10 : i32
    %lt3A_3 = arith.cmpi slt, %arg1, %lt3A : i32
    %convert_element_type3A = arith.extui %lt3A_3 : i1 to i32
    %cond3A = arith.constant 0 : i32
    %cond3A_4 = arith.cmpi ne, %convert_element_type3A, %cond3A : i32
    scf.if %cond3A_4 {
      %mul3A_24 = arith.constant 1000 : i32
      %mul3A_25 = arith.muli %arg1, %mul3A_24 : i32
      %mul3A_26 = arith.constant 1000 : i32
      %mul3A_27 = arith.muli %arg1, %mul3A_26 : i32
      "tpu.region"() ({
        %run_scoped3A_28 = tpu.sem_alloc : memref<!tpu.dma_semaphore, #tpu.memory_space<semaphore_mem>>
        %dma_start3A_29 = arith.constant 0 : i32
        %dma_start3A_30 = tpu.memref_slice %arg11[%mul3A_27, %dma_start3A_29] : memref<10000x128xf32, #tpu.memory_space<vmem_shared>> -> memref<1000x128xf32, #tpu.memory_space<vmem_shared>>
        %dma_start3A_31 = arith.constant 0 : i32
        %dma_start3A_32 = tpu.memref_slice %arg5[%mul3A_25, %dma_start3A_31] : memref<10000x128xf32, #tpu.memory_space<hbm>> -> memref<1000x128xf32, #tpu.memory_space<hbm>>
        tpu.enqueue_dma source(%dma_start3A_32 : memref<1000x128xf32, #tpu.memory_space<hbm>>) target(%dma_start3A_30 : memref<1000x128xf32, #tpu.memory_space<vmem_shared>>) target_semaphore(%run_scoped3A_28 : memref<!tpu.dma_semaphore, #tpu.memory_space<semaphore_mem>>)
        %dma_wait3A_33 = arith.constant 0 : i32
        %dma_wait3A_34 = tpu.memref_slice %arg11[%mul3A_27, %dma_wait3A_33] : memref<10000x128xf32, #tpu.memory_space<vmem_shared>> -> memref<1000x128xf32, #tpu.memory_space<vmem_shared>>
        %dma_wait3A_35 = arith.constant 0 : i32
        %dma_wait3A_36 = tpu.memref_slice %arg5[%mul3A_25, %dma_wait3A_35] : memref<10000x128xf32, #tpu.memory_space<hbm>> -> memref<1000x128xf32, #tpu.memory_space<hbm>>
        tpu.wait_dma2 semaphore(%run_scoped3A_28 : memref<!tpu.dma_semaphore, #tpu.memory_space<semaphore_mem>>) src(%dma_wait3A_36 : memref<1000x128xf32, #tpu.memory_space<hbm>>) dst(%dma_wait3A_34 : memref<1000x128xf32, #tpu.memory_space<vmem_shared>>)
        tpu.yield
      }) : () -> ()
    } else {
    }
    %dma_start3A = arith.constant 0 : i32
    %dma_start3A_5 = tpu.memref_slice %arg7[%dma_start3A] : memref<10000xi32, #tpu.memory_space<vmem>> -> memref<80xi32, #tpu.memory_space<vmem>>
    %dma_start3A_6 = arith.constant 0 : i32
    %dma_start3A_7 = arith.constant 0 : i32
    %dma_start3A_8 = tpu.memref_slice %arg2[%dma_start3A_6, %dma_start3A_7] : memref<10000x128xf32, #tpu.memory_space<hbm>> -> memref<10000x128xf32, #tpu.memory_space<hbm>>
    tpu.enqueue_indirect_dma source(%dma_start3A_8 : memref<10000x128xf32, #tpu.memory_space<hbm>>) target(%arg9 : memref<80x128xf32, #tpu.memory_space<vmem>>) offsets(%dma_start3A_5 : memref<80xi32, #tpu.memory_space<vmem>>) semaphore(%arg12 : memref<!tpu.dma_semaphore, #tpu.memory_space<semaphore_mem>>)
    %barrier3A = arith.constant 0 : index
    tpu.barrier barrier_id(%barrier3A)
    %scan3A = arith.constant 0 : i32
    %scan3A_9 = arith.constant 0 : i32
    %scan3A_10 = arith.constant 62 : i32
    %scan3A_11 = arith.addi %scan3A_9, %scan3A_10 : i32
    %scan3A_12 = arith.constant 1 : i32
    scf.for %scan3A_24 = %scan3A_9 to %scan3A_11 step %scan3A_12  : i32 {
      %mul3A_25 = arith.constant 2 : i32
      %mul3A_26 = arith.muli %scan3A_24, %mul3A_25 : i32
      %add3A_27 = arith.constant 0 : i32
      %add3A_28 = arith.addi %mul3A_26, %add3A_27 : i32
      %add3A_29 = arith.constant 1 : i32
      %add3A_30 = arith.addi %add3A_28, %add3A_29 : i32
      %lt3A_31 = arith.constant 125 : i32
      %lt3A_32 = arith.cmpi slt, %add3A_30, %lt3A_31 : i32
      %convert_element_type3A_33 = arith.extui %lt3A_32 : i1 to i32
      %cond3A_34 = arith.constant 0 : i32
      %cond3A_35 = arith.cmpi ne, %convert_element_type3A_33, %cond3A_34 : i32
      scf.if %cond3A_35 {
        %add3A_59 = arith.constant 1 : i32
        %add3A_60 = arith.addi %add3A_28, %add3A_59 : i32
        %mul3A_61 = arith.constant 80 : i32
        %mul3A_62 = arith.muli %add3A_60, %mul3A_61 : i32
        %dma_start3A_63 = tpu.memref_slice %arg7[%mul3A_62] : memref<10000xi32, #tpu.memory_space<vmem>> -> memref<80xi32, #tpu.memory_space<vmem>>
        %dma_start3A_64 = arith.constant 0 : i32
        %dma_start3A_65 = arith.constant 0 : i32
        %dma_start3A_66 = tpu.memref_slice %arg2[%dma_start3A_64, %dma_start3A_65] : memref<10000x128xf32, #tpu.memory_space<hbm>> -> memref<10000x128xf32, #tpu.memory_space<hbm>>
        tpu.enqueue_indirect_dma source(%dma_start3A_66 : memref<10000x128xf32, #tpu.memory_space<hbm>>) target(%arg10 : memref<80x128xf32, #tpu.memory_space<vmem>>) offsets(%dma_start3A_63 : memref<80xi32, #tpu.memory_space<vmem>>) semaphore(%arg13 : memref<!tpu.dma_semaphore, #tpu.memory_space<semaphore_mem>>)
      } else {
      }
      %mul3A_36 = arith.constant 80 : i32
      %mul3A_37 = arith.muli %add3A_28, %mul3A_36 : i32
      %dma_wait3A_38 = tpu.memref_slice %arg7[%mul3A_37] : memref<10000xi32, #tpu.memory_space<vmem>> -> memref<80xi32, #tpu.memory_space<vmem>>
      %dma_wait3A_39 = arith.constant 0 : i32
      %dma_wait3A_40 = arith.constant 0 : i32
      %dma_wait3A_41 = tpu.memref_slice %arg2[%dma_wait3A_39, %dma_wait3A_40] : memref<10000x128xf32, #tpu.memory_space<hbm>> -> memref<10000x128xf32, #tpu.memory_space<hbm>>
      tpu.wait_indirect_dma semaphore(%arg12 : memref<!tpu.dma_semaphore, #tpu.memory_space<semaphore_mem>>) src(%dma_wait3A_41 : memref<10000x128xf32, #tpu.memory_space<hbm>>) dst(%arg9 : memref<80x128xf32, #tpu.memory_space<vmem>>)
      "tpu.region"() ({
        %run_scoped3A_59 = tpu.sem_alloc : memref<!tpu.dma_semaphore, #tpu.memory_space<semaphore_mem>>
        %dma_start3A_60 = arith.constant 0 : i32
        %dma_start3A_61 = tpu.memref_slice %arg8[%add3A_28, %dma_start3A_60] : memref<125x80xi32, #tpu.memory_space<vmem>> -> memref<1x80xi32, #tpu.memory_space<vmem>>
        %dma_start3A_62 = tpu.memref_squeeze %dma_start3A_61 : memref<1x80xi32, #tpu.memory_space<vmem>> -> memref<80xi32, #tpu.memory_space<vmem>>
        %dma_start3A_63 = arith.constant 0 : i32
        %dma_start3A_64 = arith.constant 0 : i32
        %dma_start3A_65 = tpu.memref_slice %arg11[%dma_start3A_63, %dma_start3A_64] : memref<10000x128xf32, #tpu.memory_space<vmem_shared>> -> memref<10000x128xf32, #tpu.memory_space<vmem_shared>>
        tpu.enqueue_indirect_dma source(%arg9 : memref<80x128xf32, #tpu.memory_space<vmem>>) target(%dma_start3A_65 : memref<10000x128xf32, #tpu.memory_space<vmem_shared>>) offsets(%dma_start3A_62 : memref<80xi32, #tpu.memory_space<vmem>>) semaphore(%run_scoped3A_59 : memref<!tpu.dma_semaphore, #tpu.memory_space<semaphore_mem>>) {add = true}
        %dma_wait3A_66 = arith.constant 0 : i32
        %dma_wait3A_67 = tpu.memref_slice %arg8[%add3A_28, %dma_wait3A_66] : memref<125x80xi32, #tpu.memory_space<vmem>> -> memref<1x80xi32, #tpu.memory_space<vmem>>
        %dma_wait3A_68 = tpu.memref_squeeze %dma_wait3A_67 : memref<1x80xi32, #tpu.memory_space<vmem>> -> memref<80xi32, #tpu.memory_space<vmem>>
        %dma_wait3A_69 = arith.constant 0 : i32
        %dma_wait3A_70 = arith.constant 0 : i32
        %dma_wait3A_71 = tpu.memref_slice %arg11[%dma_wait3A_69, %dma_wait3A_70] : memref<10000x128xf32, #tpu.memory_space<vmem_shared>> -> memref<10000x128xf32, #tpu.memory_space<vmem_shared>>
        tpu.wait_indirect_dma semaphore(%run_scoped3A_59 : memref<!tpu.dma_semaphore, #tpu.memory_space<semaphore_mem>>) src(%arg9 : memref<80x128xf32, #tpu.memory_space<vmem>>) dst(%dma_wait3A_71 : memref<10000x128xf32, #tpu.memory_space<vmem_shared>>)
        tpu.yield
      }) : () -> ()
      %mul3A_42 = arith.constant 2 : i32
      %mul3A_43 = arith.muli %scan3A_24, %mul3A_42 : i32
      %add3A_44 = arith.constant 1 : i32
      %add3A_45 = arith.addi %mul3A_43, %add3A_44 : i32
      %add3A_46 = arith.constant 1 : i32
      %add3A_47 = arith.addi %add3A_45, %add3A_46 : i32
      %lt3A_48 = arith.constant 125 : i32
      %lt3A_49 = arith.cmpi slt, %add3A_47, %lt3A_48 : i32
      %convert_element_type3A_50 = arith.extui %lt3A_49 : i1 to i32
      %cond3A_51 = arith.constant 0 : i32
      %cond3A_52 = arith.cmpi ne, %convert_element_type3A_50, %cond3A_51 : i32
      scf.if %cond3A_52 {
        %add3A_59 = arith.constant 1 : i32
        %add3A_60 = arith.addi %add3A_45, %add3A_59 : i32
        %mul3A_61 = arith.constant 80 : i32
        %mul3A_62 = arith.muli %add3A_60, %mul3A_61 : i32
        %dma_start3A_63 = tpu.memref_slice %arg7[%mul3A_62] : memref<10000xi32, #tpu.memory_space<vmem>> -> memref<80xi32, #tpu.memory_space<vmem>>
        %dma_start3A_64 = arith.constant 0 : i32
        %dma_start3A_65 = arith.constant 0 : i32
        %dma_start3A_66 = tpu.memref_slice %arg2[%dma_start3A_64, %dma_start3A_65] : memref<10000x128xf32, #tpu.memory_space<hbm>> -> memref<10000x128xf32, #tpu.memory_space<hbm>>
        tpu.enqueue_indirect_dma source(%dma_start3A_66 : memref<10000x128xf32, #tpu.memory_space<hbm>>) target(%arg9 : memref<80x128xf32, #tpu.memory_space<vmem>>) offsets(%dma_start3A_63 : memref<80xi32, #tpu.memory_space<vmem>>) semaphore(%arg12 : memref<!tpu.dma_semaphore, #tpu.memory_space<semaphore_mem>>)
      } else {
      }
      %mul3A_53 = arith.constant 80 : i32
      %mul3A_54 = arith.muli %add3A_45, %mul3A_53 : i32
      %dma_wait3A_55 = tpu.memref_slice %arg7[%mul3A_54] : memref<10000xi32, #tpu.memory_space<vmem>> -> memref<80xi32, #tpu.memory_space<vmem>>
      %dma_wait3A_56 = arith.constant 0 : i32
      %dma_wait3A_57 = arith.constant 0 : i32
      %dma_wait3A_58 = tpu.memref_slice %arg2[%dma_wait3A_56, %dma_wait3A_57] : memref<10000x128xf32, #tpu.memory_space<hbm>> -> memref<10000x128xf32, #tpu.memory_space<hbm>>
      tpu.wait_indirect_dma semaphore(%arg13 : memref<!tpu.dma_semaphore, #tpu.memory_space<semaphore_mem>>) src(%dma_wait3A_58 : memref<10000x128xf32, #tpu.memory_space<hbm>>) dst(%arg10 : memref<80x128xf32, #tpu.memory_space<vmem>>)
      "tpu.region"() ({
        %run_scoped3A_59 = tpu.sem_alloc : memref<!tpu.dma_semaphore, #tpu.memory_space<semaphore_mem>>
        %dma_start3A_60 = arith.constant 0 : i32
        %dma_start3A_61 = tpu.memref_slice %arg8[%add3A_45, %dma_start3A_60] : memref<125x80xi32, #tpu.memory_space<vmem>> -> memref<1x80xi32, #tpu.memory_space<vmem>>
        %dma_start3A_62 = tpu.memref_squeeze %dma_start3A_61 : memref<1x80xi32, #tpu.memory_space<vmem>> -> memref<80xi32, #tpu.memory_space<vmem>>
        %dma_start3A_63 = arith.constant 0 : i32
        %dma_start3A_64 = arith.constant 0 : i32
        %dma_start3A_65 = tpu.memref_slice %arg11[%dma_start3A_63, %dma_start3A_64] : memref<10000x128xf32, #tpu.memory_space<vmem_shared>> -> memref<10000x128xf32, #tpu.memory_space<vmem_shared>>
        tpu.enqueue_indirect_dma source(%arg10 : memref<80x128xf32, #tpu.memory_space<vmem>>) target(%dma_start3A_65 : memref<10000x128xf32, #tpu.memory_space<vmem_shared>>) offsets(%dma_start3A_62 : memref<80xi32, #tpu.memory_space<vmem>>) semaphore(%run_scoped3A_59 : memref<!tpu.dma_semaphore, #tpu.memory_space<semaphore_mem>>) {add = true}
        %dma_wait3A_66 = arith.constant 0 : i32
        %dma_wait3A_67 = tpu.memref_slice %arg8[%add3A_45, %dma_wait3A_66] : memref<125x80xi32, #tpu.memory_space<vmem>> -> memref<1x80xi32, #tpu.memory_space<vmem>>
        %dma_wait3A_68 = tpu.memref_squeeze %dma_wait3A_67 : memref<1x80xi32, #tpu.memory_space<vmem>> -> memref<80xi32, #tpu.memory_space<vmem>>
        %dma_wait3A_69 = arith.constant 0 : i32
        %dma_wait3A_70 = arith.constant 0 : i32
        %dma_wait3A_71 = tpu.memref_slice %arg11[%dma_wait3A_69, %dma_wait3A_70] : memref<10000x128xf32, #tpu.memory_space<vmem_shared>> -> memref<10000x128xf32, #tpu.memory_space<vmem_shared>>
        tpu.wait_indirect_dma semaphore(%run_scoped3A_59 : memref<!tpu.dma_semaphore, #tpu.memory_space<semaphore_mem>>) src(%arg10 : memref<80x128xf32, #tpu.memory_space<vmem>>) dst(%dma_wait3A_71 : memref<10000x128xf32, #tpu.memory_space<vmem_shared>>)
        tpu.yield
      }) : () -> ()
    }
    %scan3A_13 = arith.constant 62 : i32
    %dma_wait3A = arith.constant 9920 : i32
    %dma_wait3A_14 = tpu.memref_slice %arg7[%dma_wait3A] : memref<10000xi32, #tpu.memory_space<vmem>> -> memref<80xi32, #tpu.memory_space<vmem>>
    %dma_wait3A_15 = arith.constant 0 : i32
    %dma_wait3A_16 = arith.constant 0 : i32
    %dma_wait3A_17 = tpu.memref_slice %arg2[%dma_wait3A_15, %dma_wait3A_16] : memref<10000x128xf32, #tpu.memory_space<hbm>> -> memref<10000x128xf32, #tpu.memory_space<hbm>>
    tpu.wait_indirect_dma semaphore(%arg12 : memref<!tpu.dma_semaphore, #tpu.memory_space<semaphore_mem>>) src(%dma_wait3A_17 : memref<10000x128xf32, #tpu.memory_space<hbm>>) dst(%arg9 : memref<80x128xf32, #tpu.memory_space<vmem>>)
    %run_scoped3A = arith.constant 124 : i32
    "tpu.region"() ({
      %run_scoped3A_24 = tpu.sem_alloc : memref<!tpu.dma_semaphore, #tpu.memory_space<semaphore_mem>>
      %dma_start3A_25 = arith.constant 0 : i32
      %dma_start3A_26 = tpu.memref_slice %arg8[%run_scoped3A, %dma_start3A_25] : memref<125x80xi32, #tpu.memory_space<vmem>> -> memref<1x80xi32, #tpu.memory_space<vmem>>
      %dma_start3A_27 = tpu.memref_squeeze %dma_start3A_26 : memref<1x80xi32, #tpu.memory_space<vmem>> -> memref<80xi32, #tpu.memory_space<vmem>>
      %dma_start3A_28 = arith.constant 0 : i32
      %dma_start3A_29 = arith.constant 0 : i32
      %dma_start3A_30 = tpu.memref_slice %arg11[%dma_start3A_28, %dma_start3A_29] : memref<10000x128xf32, #tpu.memory_space<vmem_shared>> -> memref<10000x128xf32, #tpu.memory_space<vmem_shared>>
      tpu.enqueue_indirect_dma source(%arg9 : memref<80x128xf32, #tpu.memory_space<vmem>>) target(%dma_start3A_30 : memref<10000x128xf32, #tpu.memory_space<vmem_shared>>) offsets(%dma_start3A_27 : memref<80xi32, #tpu.memory_space<vmem>>) semaphore(%run_scoped3A_24 : memref<!tpu.dma_semaphore, #tpu.memory_space<semaphore_mem>>) {add = true}
      %dma_wait3A_31 = arith.constant 0 : i32
      %dma_wait3A_32 = tpu.memref_slice %arg8[%run_scoped3A, %dma_wait3A_31] : memref<125x80xi32, #tpu.memory_space<vmem>> -> memref<1x80xi32, #tpu.memory_space<vmem>>
      %dma_wait3A_33 = tpu.memref_squeeze %dma_wait3A_32 : memref<1x80xi32, #tpu.memory_space<vmem>> -> memref<80xi32, #tpu.memory_space<vmem>>
      %dma_wait3A_34 = arith.constant 0 : i32
      %dma_wait3A_35 = arith.constant 0 : i32
      %dma_wait3A_36 = tpu.memref_slice %arg11[%dma_wait3A_34, %dma_wait3A_35] : memref<10000x128xf32, #tpu.memory_space<vmem_shared>> -> memref<10000x128xf32, #tpu.memory_space<vmem_shared>>
      tpu.wait_indirect_dma semaphore(%run_scoped3A_24 : memref<!tpu.dma_semaphore, #tpu.memory_space<semaphore_mem>>) src(%arg9 : memref<80x128xf32, #tpu.memory_space<vmem>>) dst(%dma_wait3A_36 : memref<10000x128xf32, #tpu.memory_space<vmem_shared>>)
      tpu.yield
    }) : () -> ()
    %barrier3A_18 = arith.constant 0 : index
    tpu.barrier barrier_id(%barrier3A_18)
    %lt3A_19 = arith.constant 10 : i32
    %lt3A_20 = arith.cmpi slt, %arg1, %lt3A_19 : i32
    %convert_element_type3A_21 = arith.extui %lt3A_20 : i1 to i32
    %cond3A_22 = arith.constant 0 : i32
    %cond3A_23 = arith.cmpi ne, %convert_element_type3A_21, %cond3A_22 : i32
    scf.if %cond3A_23 {
      %mul3A_24 = arith.constant 1000 : i32
      %mul3A_25 = arith.muli %arg1, %mul3A_24 : i32
      %mul3A_26 = arith.constant 1000 : i32
      %mul3A_27 = arith.muli %arg1, %mul3A_26 : i32
      "tpu.region"() ({
        %run_scoped3A_28 = tpu.sem_alloc : memref<!tpu.dma_semaphore, #tpu.memory_space<semaphore_mem>>
        %dma_start3A_29 = arith.constant 0 : i32
        %dma_start3A_30 = tpu.memref_slice %arg6[%arg0, %mul3A_27, %dma_start3A_29] : memref<2x10000x128xf32, #tpu.memory_space<hbm>> -> memref<1x1000x128xf32, #tpu.memory_space<hbm>>
        %dma_start3A_31 = tpu.memref_squeeze %dma_start3A_30 : memref<1x1000x128xf32, #tpu.memory_space<hbm>> -> memref<1000x128xf32, #tpu.memory_space<hbm>>
        %dma_start3A_32 = arith.constant 0 : i32
        %dma_start3A_33 = tpu.memref_slice %arg11[%mul3A_25, %dma_start3A_32] : memref<10000x128xf32, #tpu.memory_space<vmem_shared>> -> memref<1000x128xf32, #tpu.memory_space<vmem_shared>>
        tpu.enqueue_dma source(%dma_start3A_33 : memref<1000x128xf32, #tpu.memory_space<vmem_shared>>) target(%dma_start3A_31 : memref<1000x128xf32, #tpu.memory_space<hbm>>) target_semaphore(%run_scoped3A_28 : memref<!tpu.dma_semaphore, #tpu.memory_space<semaphore_mem>>)
        %dma_wait3A_34 = arith.constant 0 : i32
        %dma_wait3A_35 = tpu.memref_slice %arg6[%arg0, %mul3A_27, %dma_wait3A_34] : memref<2x10000x128xf32, #tpu.memory_space<hbm>> -> memref<1x1000x128xf32, #tpu.memory_space<hbm>>
        %dma_wait3A_36 = tpu.memref_squeeze %dma_wait3A_35 : memref<1x1000x128xf32, #tpu.memory_space<hbm>> -> memref<1000x128xf32, #tpu.memory_space<hbm>>
        %dma_wait3A_37 = arith.constant 0 : i32
        %dma_wait3A_38 = tpu.memref_slice %arg11[%mul3A_25, %dma_wait3A_37] : memref<10000x128xf32, #tpu.memory_space<vmem_shared>> -> memref<1000x128xf32, #tpu.memory_space<vmem_shared>>
        tpu.wait_dma2 semaphore(%run_scoped3A_28 : memref<!tpu.dma_semaphore, #tpu.memory_space<semaphore_mem>>) src(%dma_wait3A_38 : memref<1000x128xf32, #tpu.memory_space<vmem_shared>>) dst(%dma_wait3A_36 : memref<1000x128xf32, #tpu.memory_space<hbm>>)
        tpu.yield
      }) : () -> ()
    } else {
    }
    return
  }
}

#map = affine_map<(d0, d1) -> (0, 0)>
#map1 = affine_map<(d0, d1) -> (0)>
#map2 = affine_map<(d0, d1) -> (0, 0, 0)>
module attributes {stable_mosaic.version = 14 : i64} {
  func.func @_prop_body(%arg0: i32, %arg1: i32, %arg2: memref<10000x128xf32, #tpu.memory_space<hbm>>, %arg3: memref<320000xi32, #tpu.memory_space<hbm>>, %arg4: memref<32x125x80xi32, #tpu.memory_space<hbm>>, %arg5: memref<10000x128xf32, #tpu.memory_space<hbm>>, %arg6: memref<2x10000x128xf32, #tpu.memory_space<hbm>>, %arg7: memref<10000xi32, #tpu.memory_space<vmem>>, %arg8: memref<125x80xi32, #tpu.memory_space<vmem>>, %arg9: memref<80x128xf32, #tpu.memory_space<vmem>>, %arg10: memref<80x128xf32, #tpu.memory_space<vmem>>, %arg11: memref<10000x128xf32, #tpu.memory_space<vmem_shared>>, %arg12: memref<!tpu.dma_semaphore, #tpu.memory_space<semaphore_mem>>, %arg13: memref<!tpu.dma_semaphore, #tpu.memory_space<semaphore_mem>>) attributes {dimension_semantics = [#tpu.dimension_semantics<core_parallel>, #tpu.dimension_semantics<subcore_parallel>], iteration_bounds = array<i64: 2, 16>, scalar_prefetch = 0 : i64, scratch_operands = 7 : i64, tpu.core_type = #tpu.core_type<sc_vector_subcore>, window_params = [{transform_indices = #map}, {transform_indices = #map1}, {transform_indices = #map2}, {transform_indices = #map}, {transform_indices = #map2}]} {
    %mul3A = arith.constant 16 : i32
    %mul3A_0 = arith.muli %arg0, %mul3A : i32
    %add3A = arith.addi %mul3A_0, %arg1 : i32
    %mul3A_1 = arith.constant 10000 : i32
    %mul3A_2 = arith.muli %add3A, %mul3A_1 : i32
    "tpu.region"() ({
      %run_scoped3A_24 = tpu.sem_alloc : memref<!tpu.dma_semaphore, #tpu.memory_space<semaphore_mem>>
      %dma_start3A_25 = tpu.memref_slice %arg3[%mul3A_2] : memref<320000xi32, #tpu.memory_space<hbm>> -> memref<10000xi32, #tpu.memory_space<hbm>>
      %dma_start3A_26 = tpu.memref_slice %arg3[%mul3A_2] : memref<320000xi32, #tpu.memory_space<hbm>> -> memref<10000xi32, #tpu.memory_space<hbm>>
      tpu.enqueue_dma source(%dma_start3A_26 : memref<10000xi32, #tpu.memory_space<hbm>>) target(%arg7 : memref<10000xi32, #tpu.memory_space<vmem>>) target_semaphore(%run_scoped3A_24 : memref<!tpu.dma_semaphore, #tpu.memory_space<semaphore_mem>>)
      %dma_wait3A_27 = tpu.memref_slice %arg3[%mul3A_2] : memref<320000xi32, #tpu.memory_space<hbm>> -> memref<10000xi32, #tpu.memory_space<hbm>>
      %dma_wait3A_28 = tpu.memref_slice %arg3[%mul3A_2] : memref<320000xi32, #tpu.memory_space<hbm>> -> memref<10000xi32, #tpu.memory_space<hbm>>
      tpu.wait_dma2 semaphore(%run_scoped3A_24 : memref<!tpu.dma_semaphore, #tpu.memory_space<semaphore_mem>>) src(%dma_wait3A_28 : memref<10000xi32, #tpu.memory_space<hbm>>) dst(%arg7 : memref<10000xi32, #tpu.memory_space<vmem>>)
      tpu.yield
    }) : () -> ()
    "tpu.region"() ({
      %run_scoped3A_24 = tpu.sem_alloc : memref<!tpu.dma_semaphore, #tpu.memory_space<semaphore_mem>>
      %dma_start3A_25 = arith.constant 0 : i32
      %dma_start3A_26 = arith.constant 0 : i32
      %dma_start3A_27 = tpu.memref_slice %arg4[%add3A, %dma_start3A_25, %dma_start3A_26] : memref<32x125x80xi32, #tpu.memory_space<hbm>> -> memref<1x125x80xi32, #tpu.memory_space<hbm>>
      %dma_start3A_28 = tpu.memref_squeeze %dma_start3A_27 : memref<1x125x80xi32, #tpu.memory_space<hbm>> -> memref<125x80xi32, #tpu.memory_space<hbm>>
      %dma_start3A_29 = arith.constant 0 : i32
      %dma_start3A_30 = arith.constant 0 : i32
      %dma_start3A_31 = tpu.memref_slice %arg4[%add3A, %dma_start3A_29, %dma_start3A_30] : memref<32x125x80xi32, #tpu.memory_space<hbm>> -> memref<1x125x80xi32, #tpu.memory_space<hbm>>
      %dma_start3A_32 = tpu.memref_squeeze %dma_start3A_31 : memref<1x125x80xi32, #tpu.memory_space<hbm>> -> memref<125x80xi32, #tpu.memory_space<hbm>>
      tpu.enqueue_dma source(%dma_start3A_32 : memref<125x80xi32, #tpu.memory_space<hbm>>) target(%arg8 : memref<125x80xi32, #tpu.memory_space<vmem>>) target_semaphore(%run_scoped3A_24 : memref<!tpu.dma_semaphore, #tpu.memory_space<semaphore_mem>>)
      %dma_wait3A_33 = arith.constant 0 : i32
      %dma_wait3A_34 = arith.constant 0 : i32
      %dma_wait3A_35 = tpu.memref_slice %arg4[%add3A, %dma_wait3A_33, %dma_wait3A_34] : memref<32x125x80xi32, #tpu.memory_space<hbm>> -> memref<1x125x80xi32, #tpu.memory_space<hbm>>
      %dma_wait3A_36 = tpu.memref_squeeze %dma_wait3A_35 : memref<1x125x80xi32, #tpu.memory_space<hbm>> -> memref<125x80xi32, #tpu.memory_space<hbm>>
      %dma_wait3A_37 = arith.constant 0 : i32
      %dma_wait3A_38 = arith.constant 0 : i32
      %dma_wait3A_39 = tpu.memref_slice %arg4[%add3A, %dma_wait3A_37, %dma_wait3A_38] : memref<32x125x80xi32, #tpu.memory_space<hbm>> -> memref<1x125x80xi32, #tpu.memory_space<hbm>>
      %dma_wait3A_40 = tpu.memref_squeeze %dma_wait3A_39 : memref<1x125x80xi32, #tpu.memory_space<hbm>> -> memref<125x80xi32, #tpu.memory_space<hbm>>
      tpu.wait_dma2 semaphore(%run_scoped3A_24 : memref<!tpu.dma_semaphore, #tpu.memory_space<semaphore_mem>>) src(%dma_wait3A_40 : memref<125x80xi32, #tpu.memory_space<hbm>>) dst(%arg8 : memref<125x80xi32, #tpu.memory_space<vmem>>)
      tpu.yield
    }) : () -> ()
    %lt3A = arith.constant 10 : i32
    %lt3A_3 = arith.cmpi slt, %arg1, %lt3A : i32
    %convert_element_type3A = arith.extui %lt3A_3 : i1 to i32
    %cond3A = arith.constant 0 : i32
    %cond3A_4 = arith.cmpi ne, %convert_element_type3A, %cond3A : i32
    scf.if %cond3A_4 {
      %mul3A_24 = arith.constant 1000 : i32
      %mul3A_25 = arith.muli %arg1, %mul3A_24 : i32
      %mul3A_26 = arith.constant 1000 : i32
      %mul3A_27 = arith.muli %arg1, %mul3A_26 : i32
      "tpu.region"() ({
        %run_scoped3A_28 = tpu.sem_alloc : memref<!tpu.dma_semaphore, #tpu.memory_space<semaphore_mem>>
        %dma_start3A_29 = arith.constant 0 : i32
        %dma_start3A_30 = tpu.memref_slice %arg11[%mul3A_27, %dma_start3A_29] : memref<10000x128xf32, #tpu.memory_space<vmem_shared>> -> memref<1000x128xf32, #tpu.memory_space<vmem_shared>>
        %dma_start3A_31 = arith.constant 0 : i32
        %dma_start3A_32 = tpu.memref_slice %arg5[%mul3A_25, %dma_start3A_31] : memref<10000x128xf32, #tpu.memory_space<hbm>> -> memref<1000x128xf32, #tpu.memory_space<hbm>>
        tpu.enqueue_dma source(%dma_start3A_32 : memref<1000x128xf32, #tpu.memory_space<hbm>>) target(%dma_start3A_30 : memref<1000x128xf32, #tpu.memory_space<vmem_shared>>) target_semaphore(%run_scoped3A_28 : memref<!tpu.dma_semaphore, #tpu.memory_space<semaphore_mem>>)
        %dma_wait3A_33 = arith.constant 0 : i32
        %dma_wait3A_34 = tpu.memref_slice %arg11[%mul3A_27, %dma_wait3A_33] : memref<10000x128xf32, #tpu.memory_space<vmem_shared>> -> memref<1000x128xf32, #tpu.memory_space<vmem_shared>>
        %dma_wait3A_35 = arith.constant 0 : i32
        %dma_wait3A_36 = tpu.memref_slice %arg5[%mul3A_25, %dma_wait3A_35] : memref<10000x128xf32, #tpu.memory_space<hbm>> -> memref<1000x128xf32, #tpu.memory_space<hbm>>
        tpu.wait_dma2 semaphore(%run_scoped3A_28 : memref<!tpu.dma_semaphore, #tpu.memory_space<semaphore_mem>>) src(%dma_wait3A_36 : memref<1000x128xf32, #tpu.memory_space<hbm>>) dst(%dma_wait3A_34 : memref<1000x128xf32, #tpu.memory_space<vmem_shared>>)
        tpu.yield
      }) : () -> ()
    } else {
    }
    %dma_start3A = arith.constant 0 : i32
    %dma_start3A_5 = tpu.memref_slice %arg7[%dma_start3A] : memref<10000xi32, #tpu.memory_space<vmem>> -> memref<80xi32, #tpu.memory_space<vmem>>
    %dma_start3A_6 = arith.constant 0 : i32
    %dma_start3A_7 = arith.constant 0 : i32
    %dma_start3A_8 = tpu.memref_slice %arg2[%dma_start3A_6, %dma_start3A_7] : memref<10000x128xf32, #tpu.memory_space<hbm>> -> memref<10000x128xf32, #tpu.memory_space<hbm>>
    tpu.enqueue_indirect_dma source(%dma_start3A_8 : memref<10000x128xf32, #tpu.memory_space<hbm>>) target(%arg9 : memref<80x128xf32, #tpu.memory_space<vmem>>) offsets(%dma_start3A_5 : memref<80xi32, #tpu.memory_space<vmem>>) semaphore(%arg12 : memref<!tpu.dma_semaphore, #tpu.memory_space<semaphore_mem>>)
    %barrier3A = arith.constant 0 : index
    tpu.barrier barrier_id(%barrier3A)
    %scan3A = arith.constant 0 : i32
    %scan3A_9 = arith.constant 0 : i32
    %scan3A_10 = arith.constant 62 : i32
    %scan3A_11 = arith.addi %scan3A_9, %scan3A_10 : i32
    %scan3A_12 = arith.constant 1 : i32
    scf.for %scan3A_24 = %scan3A_9 to %scan3A_11 step %scan3A_12  : i32 {
      %mul3A_25 = arith.constant 2 : i32
      %mul3A_26 = arith.muli %scan3A_24, %mul3A_25 : i32
      %add3A_27 = arith.constant 0 : i32
      %add3A_28 = arith.addi %mul3A_26, %add3A_27 : i32
      %add3A_29 = arith.constant 1 : i32
      %add3A_30 = arith.addi %add3A_28, %add3A_29 : i32
      %lt3A_31 = arith.constant 125 : i32
      %lt3A_32 = arith.cmpi slt, %add3A_30, %lt3A_31 : i32
      %convert_element_type3A_33 = arith.extui %lt3A_32 : i1 to i32
      %cond3A_34 = arith.constant 0 : i32
      %cond3A_35 = arith.cmpi ne, %convert_element_type3A_33, %cond3A_34 : i32
      scf.if %cond3A_35 {
        %add3A_59 = arith.constant 1 : i32
        %add3A_60 = arith.addi %add3A_28, %add3A_59 : i32
        %mul3A_61 = arith.constant 80 : i32
        %mul3A_62 = arith.muli %add3A_60, %mul3A_61 : i32
        %dma_start3A_63 = tpu.memref_slice %arg7[%mul3A_62] : memref<10000xi32, #tpu.memory_space<vmem>> -> memref<80xi32, #tpu.memory_space<vmem>>
        %dma_start3A_64 = arith.constant 0 : i32
        %dma_start3A_65 = arith.constant 0 : i32
        %dma_start3A_66 = tpu.memref_slice %arg2[%dma_start3A_64, %dma_start3A_65] : memref<10000x128xf32, #tpu.memory_space<hbm>> -> memref<10000x128xf32, #tpu.memory_space<hbm>>
        tpu.enqueue_indirect_dma source(%dma_start3A_66 : memref<10000x128xf32, #tpu.memory_space<hbm>>) target(%arg10 : memref<80x128xf32, #tpu.memory_space<vmem>>) offsets(%dma_start3A_63 : memref<80xi32, #tpu.memory_space<vmem>>) semaphore(%arg13 : memref<!tpu.dma_semaphore, #tpu.memory_space<semaphore_mem>>)
      } else {
      }
      %mul3A_36 = arith.constant 80 : i32
      %mul3A_37 = arith.muli %add3A_28, %mul3A_36 : i32
      %dma_wait3A_38 = tpu.memref_slice %arg7[%mul3A_37] : memref<10000xi32, #tpu.memory_space<vmem>> -> memref<80xi32, #tpu.memory_space<vmem>>
      %dma_wait3A_39 = arith.constant 0 : i32
      %dma_wait3A_40 = arith.constant 0 : i32
      %dma_wait3A_41 = tpu.memref_slice %arg2[%dma_wait3A_39, %dma_wait3A_40] : memref<10000x128xf32, #tpu.memory_space<hbm>> -> memref<10000x128xf32, #tpu.memory_space<hbm>>
      tpu.wait_indirect_dma semaphore(%arg12 : memref<!tpu.dma_semaphore, #tpu.memory_space<semaphore_mem>>) src(%dma_wait3A_41 : memref<10000x128xf32, #tpu.memory_space<hbm>>) dst(%arg9 : memref<80x128xf32, #tpu.memory_space<vmem>>)
      "tpu.region"() ({
        %run_scoped3A_59 = tpu.sem_alloc : memref<!tpu.dma_semaphore, #tpu.memory_space<semaphore_mem>>
        %dma_start3A_60 = arith.constant 0 : i32
        %dma_start3A_61 = tpu.memref_slice %arg8[%add3A_28, %dma_start3A_60] : memref<125x80xi32, #tpu.memory_space<vmem>> -> memref<1x80xi32, #tpu.memory_space<vmem>>
        %dma_start3A_62 = tpu.memref_squeeze %dma_start3A_61 : memref<1x80xi32, #tpu.memory_space<vmem>> -> memref<80xi32, #tpu.memory_space<vmem>>
        %dma_start3A_63 = arith.constant 0 : i32
        %dma_start3A_64 = arith.constant 0 : i32
        %dma_start3A_65 = tpu.memref_slice %arg11[%dma_start3A_63, %dma_start3A_64] : memref<10000x128xf32, #tpu.memory_space<vmem_shared>> -> memref<10000x128xf32, #tpu.memory_space<vmem_shared>>
        tpu.enqueue_indirect_dma source(%arg9 : memref<80x128xf32, #tpu.memory_space<vmem>>) target(%dma_start3A_65 : memref<10000x128xf32, #tpu.memory_space<vmem_shared>>) offsets(%dma_start3A_62 : memref<80xi32, #tpu.memory_space<vmem>>) semaphore(%run_scoped3A_59 : memref<!tpu.dma_semaphore, #tpu.memory_space<semaphore_mem>>) {add = true}
        %dma_wait3A_66 = arith.constant 0 : i32
        %dma_wait3A_67 = tpu.memref_slice %arg8[%add3A_28, %dma_wait3A_66] : memref<125x80xi32, #tpu.memory_space<vmem>> -> memref<1x80xi32, #tpu.memory_space<vmem>>
        %dma_wait3A_68 = tpu.memref_squeeze %dma_wait3A_67 : memref<1x80xi32, #tpu.memory_space<vmem>> -> memref<80xi32, #tpu.memory_space<vmem>>
        %dma_wait3A_69 = arith.constant 0 : i32
        %dma_wait3A_70 = arith.constant 0 : i32
        %dma_wait3A_71 = tpu.memref_slice %arg11[%dma_wait3A_69, %dma_wait3A_70] : memref<10000x128xf32, #tpu.memory_space<vmem_shared>> -> memref<10000x128xf32, #tpu.memory_space<vmem_shared>>
        tpu.wait_indirect_dma semaphore(%run_scoped3A_59 : memref<!tpu.dma_semaphore, #tpu.memory_space<semaphore_mem>>) src(%arg9 : memref<80x128xf32, #tpu.memory_space<vmem>>) dst(%dma_wait3A_71 : memref<10000x128xf32, #tpu.memory_space<vmem_shared>>)
        tpu.yield
      }) : () -> ()
      %mul3A_42 = arith.constant 2 : i32
      %mul3A_43 = arith.muli %scan3A_24, %mul3A_42 : i32
      %add3A_44 = arith.constant 1 : i32
      %add3A_45 = arith.addi %mul3A_43, %add3A_44 : i32
      %add3A_46 = arith.constant 1 : i32
      %add3A_47 = arith.addi %add3A_45, %add3A_46 : i32
      %lt3A_48 = arith.constant 125 : i32
      %lt3A_49 = arith.cmpi slt, %add3A_47, %lt3A_48 : i32
      %convert_element_type3A_50 = arith.extui %lt3A_49 : i1 to i32
      %cond3A_51 = arith.constant 0 : i32
      %cond3A_52 = arith.cmpi ne, %convert_element_type3A_50, %cond3A_51 : i32
      scf.if %cond3A_52 {
        %add3A_59 = arith.constant 1 : i32
        %add3A_60 = arith.addi %add3A_45, %add3A_59 : i32
        %mul3A_61 = arith.constant 80 : i32
        %mul3A_62 = arith.muli %add3A_60, %mul3A_61 : i32
        %dma_start3A_63 = tpu.memref_slice %arg7[%mul3A_62] : memref<10000xi32, #tpu.memory_space<vmem>> -> memref<80xi32, #tpu.memory_space<vmem>>
        %dma_start3A_64 = arith.constant 0 : i32
        %dma_start3A_65 = arith.constant 0 : i32
        %dma_start3A_66 = tpu.memref_slice %arg2[%dma_start3A_64, %dma_start3A_65] : memref<10000x128xf32, #tpu.memory_space<hbm>> -> memref<10000x128xf32, #tpu.memory_space<hbm>>
        tpu.enqueue_indirect_dma source(%dma_start3A_66 : memref<10000x128xf32, #tpu.memory_space<hbm>>) target(%arg9 : memref<80x128xf32, #tpu.memory_space<vmem>>) offsets(%dma_start3A_63 : memref<80xi32, #tpu.memory_space<vmem>>) semaphore(%arg12 : memref<!tpu.dma_semaphore, #tpu.memory_space<semaphore_mem>>)
      } else {
      }
      %mul3A_53 = arith.constant 80 : i32
      %mul3A_54 = arith.muli %add3A_45, %mul3A_53 : i32
      %dma_wait3A_55 = tpu.memref_slice %arg7[%mul3A_54] : memref<10000xi32, #tpu.memory_space<vmem>> -> memref<80xi32, #tpu.memory_space<vmem>>
      %dma_wait3A_56 = arith.constant 0 : i32
      %dma_wait3A_57 = arith.constant 0 : i32
      %dma_wait3A_58 = tpu.memref_slice %arg2[%dma_wait3A_56, %dma_wait3A_57] : memref<10000x128xf32, #tpu.memory_space<hbm>> -> memref<10000x128xf32, #tpu.memory_space<hbm>>
      tpu.wait_indirect_dma semaphore(%arg13 : memref<!tpu.dma_semaphore, #tpu.memory_space<semaphore_mem>>) src(%dma_wait3A_58 : memref<10000x128xf32, #tpu.memory_space<hbm>>) dst(%arg10 : memref<80x128xf32, #tpu.memory_space<vmem>>)
      "tpu.region"() ({
        %run_scoped3A_59 = tpu.sem_alloc : memref<!tpu.dma_semaphore, #tpu.memory_space<semaphore_mem>>
        %dma_start3A_60 = arith.constant 0 : i32
        %dma_start3A_61 = tpu.memref_slice %arg8[%add3A_45, %dma_start3A_60] : memref<125x80xi32, #tpu.memory_space<vmem>> -> memref<1x80xi32, #tpu.memory_space<vmem>>
        %dma_start3A_62 = tpu.memref_squeeze %dma_start3A_61 : memref<1x80xi32, #tpu.memory_space<vmem>> -> memref<80xi32, #tpu.memory_space<vmem>>
        %dma_start3A_63 = arith.constant 0 : i32
        %dma_start3A_64 = arith.constant 0 : i32
        %dma_start3A_65 = tpu.memref_slice %arg11[%dma_start3A_63, %dma_start3A_64] : memref<10000x128xf32, #tpu.memory_space<vmem_shared>> -> memref<10000x128xf32, #tpu.memory_space<vmem_shared>>
        tpu.enqueue_indirect_dma source(%arg10 : memref<80x128xf32, #tpu.memory_space<vmem>>) target(%dma_start3A_65 : memref<10000x128xf32, #tpu.memory_space<vmem_shared>>) offsets(%dma_start3A_62 : memref<80xi32, #tpu.memory_space<vmem>>) semaphore(%run_scoped3A_59 : memref<!tpu.dma_semaphore, #tpu.memory_space<semaphore_mem>>) {add = true}
        %dma_wait3A_66 = arith.constant 0 : i32
        %dma_wait3A_67 = tpu.memref_slice %arg8[%add3A_45, %dma_wait3A_66] : memref<125x80xi32, #tpu.memory_space<vmem>> -> memref<1x80xi32, #tpu.memory_space<vmem>>
        %dma_wait3A_68 = tpu.memref_squeeze %dma_wait3A_67 : memref<1x80xi32, #tpu.memory_space<vmem>> -> memref<80xi32, #tpu.memory_space<vmem>>
        %dma_wait3A_69 = arith.constant 0 : i32
        %dma_wait3A_70 = arith.constant 0 : i32
        %dma_wait3A_71 = tpu.memref_slice %arg11[%dma_wait3A_69, %dma_wait3A_70] : memref<10000x128xf32, #tpu.memory_space<vmem_shared>> -> memref<10000x128xf32, #tpu.memory_space<vmem_shared>>
        tpu.wait_indirect_dma semaphore(%run_scoped3A_59 : memref<!tpu.dma_semaphore, #tpu.memory_space<semaphore_mem>>) src(%arg10 : memref<80x128xf32, #tpu.memory_space<vmem>>) dst(%dma_wait3A_71 : memref<10000x128xf32, #tpu.memory_space<vmem_shared>>)
        tpu.yield
      }) : () -> ()
    }
    %scan3A_13 = arith.constant 62 : i32
    %dma_wait3A = arith.constant 9920 : i32
    %dma_wait3A_14 = tpu.memref_slice %arg7[%dma_wait3A] : memref<10000xi32, #tpu.memory_space<vmem>> -> memref<80xi32, #tpu.memory_space<vmem>>
    %dma_wait3A_15 = arith.constant 0 : i32
    %dma_wait3A_16 = arith.constant 0 : i32
    %dma_wait3A_17 = tpu.memref_slice %arg2[%dma_wait3A_15, %dma_wait3A_16] : memref<10000x128xf32, #tpu.memory_space<hbm>> -> memref<10000x128xf32, #tpu.memory_space<hbm>>
    tpu.wait_indirect_dma semaphore(%arg12 : memref<!tpu.dma_semaphore, #tpu.memory_space<semaphore_mem>>) src(%dma_wait3A_17 : memref<10000x128xf32, #tpu.memory_space<hbm>>) dst(%arg9 : memref<80x128xf32, #tpu.memory_space<vmem>>)
    %run_scoped3A = arith.constant 124 : i32
    "tpu.region"() ({
      %run_scoped3A_24 = tpu.sem_alloc : memref<!tpu.dma_semaphore, #tpu.memory_space<semaphore_mem>>
      %dma_start3A_25 = arith.constant 0 : i32
      %dma_start3A_26 = tpu.memref_slice %arg8[%run_scoped3A, %dma_start3A_25] : memref<125x80xi32, #tpu.memory_space<vmem>> -> memref<1x80xi32, #tpu.memory_space<vmem>>
      %dma_start3A_27 = tpu.memref_squeeze %dma_start3A_26 : memref<1x80xi32, #tpu.memory_space<vmem>> -> memref<80xi32, #tpu.memory_space<vmem>>
      %dma_start3A_28 = arith.constant 0 : i32
      %dma_start3A_29 = arith.constant 0 : i32
      %dma_start3A_30 = tpu.memref_slice %arg11[%dma_start3A_28, %dma_start3A_29] : memref<10000x128xf32, #tpu.memory_space<vmem_shared>> -> memref<10000x128xf32, #tpu.memory_space<vmem_shared>>
      tpu.enqueue_indirect_dma source(%arg9 : memref<80x128xf32, #tpu.memory_space<vmem>>) target(%dma_start3A_30 : memref<10000x128xf32, #tpu.memory_space<vmem_shared>>) offsets(%dma_start3A_27 : memref<80xi32, #tpu.memory_space<vmem>>) semaphore(%run_scoped3A_24 : memref<!tpu.dma_semaphore, #tpu.memory_space<semaphore_mem>>) {add = true}
      %dma_wait3A_31 = arith.constant 0 : i32
      %dma_wait3A_32 = tpu.memref_slice %arg8[%run_scoped3A, %dma_wait3A_31] : memref<125x80xi32, #tpu.memory_space<vmem>> -> memref<1x80xi32, #tpu.memory_space<vmem>>
      %dma_wait3A_33 = tpu.memref_squeeze %dma_wait3A_32 : memref<1x80xi32, #tpu.memory_space<vmem>> -> memref<80xi32, #tpu.memory_space<vmem>>
      %dma_wait3A_34 = arith.constant 0 : i32
      %dma_wait3A_35 = arith.constant 0 : i32
      %dma_wait3A_36 = tpu.memref_slice %arg11[%dma_wait3A_34, %dma_wait3A_35] : memref<10000x128xf32, #tpu.memory_space<vmem_shared>> -> memref<10000x128xf32, #tpu.memory_space<vmem_shared>>
      tpu.wait_indirect_dma semaphore(%run_scoped3A_24 : memref<!tpu.dma_semaphore, #tpu.memory_space<semaphore_mem>>) src(%arg9 : memref<80x128xf32, #tpu.memory_space<vmem>>) dst(%dma_wait3A_36 : memref<10000x128xf32, #tpu.memory_space<vmem_shared>>)
      tpu.yield
    }) : () -> ()
    %barrier3A_18 = arith.constant 0 : index
    tpu.barrier barrier_id(%barrier3A_18)
    %lt3A_19 = arith.constant 10 : i32
    %lt3A_20 = arith.cmpi slt, %arg1, %lt3A_19 : i32
    %convert_element_type3A_21 = arith.extui %lt3A_20 : i1 to i32
    %cond3A_22 = arith.constant 0 : i32
    %cond3A_23 = arith.cmpi ne, %convert_element_type3A_21, %cond3A_22 : i32
    scf.if %cond3A_23 {
      %mul3A_24 = arith.constant 1000 : i32
      %mul3A_25 = arith.muli %arg1, %mul3A_24 : i32
      %mul3A_26 = arith.constant 1000 : i32
      %mul3A_27 = arith.muli %arg1, %mul3A_26 : i32
      "tpu.region"() ({
        %run_scoped3A_28 = tpu.sem_alloc : memref<!tpu.dma_semaphore, #tpu.memory_space<semaphore_mem>>
        %dma_start3A_29 = arith.constant 0 : i32
        %dma_start3A_30 = tpu.memref_slice %arg6[%arg0, %mul3A_27, %dma_start3A_29] : memref<2x10000x128xf32, #tpu.memory_space<hbm>> -> memref<1x1000x128xf32, #tpu.memory_space<hbm>>
        %dma_start3A_31 = tpu.memref_squeeze %dma_start3A_30 : memref<1x1000x128xf32, #tpu.memory_space<hbm>> -> memref<1000x128xf32, #tpu.memory_space<hbm>>
        %dma_start3A_32 = arith.constant 0 : i32
        %dma_start3A_33 = tpu.memref_slice %arg11[%mul3A_25, %dma_start3A_32] : memref<10000x128xf32, #tpu.memory_space<vmem_shared>> -> memref<1000x128xf32, #tpu.memory_space<vmem_shared>>
        tpu.enqueue_dma source(%dma_start3A_33 : memref<1000x128xf32, #tpu.memory_space<vmem_shared>>) target(%dma_start3A_31 : memref<1000x128xf32, #tpu.memory_space<hbm>>) target_semaphore(%run_scoped3A_28 : memref<!tpu.dma_semaphore, #tpu.memory_space<semaphore_mem>>)
        %dma_wait3A_34 = arith.constant 0 : i32
        %dma_wait3A_35 = tpu.memref_slice %arg6[%arg0, %mul3A_27, %dma_wait3A_34] : memref<2x10000x128xf32, #tpu.memory_space<hbm>> -> memref<1x1000x128xf32, #tpu.memory_space<hbm>>
        %dma_wait3A_36 = tpu.memref_squeeze %dma_wait3A_35 : memref<1x1000x128xf32, #tpu.memory_space<hbm>> -> memref<1000x128xf32, #tpu.memory_space<hbm>>
        %dma_wait3A_37 = arith.constant 0 : i32
        %dma_wait3A_38 = tpu.memref_slice %arg11[%mul3A_25, %dma_wait3A_37] : memref<10000x128xf32, #tpu.memory_space<vmem_shared>> -> memref<1000x128xf32, #tpu.memory_space<vmem_shared>>
        tpu.wait_dma2 semaphore(%run_scoped3A_28 : memref<!tpu.dma_semaphore, #tpu.memory_space<semaphore_mem>>) src(%dma_wait3A_38 : memref<1000x128xf32, #tpu.memory_space<vmem_shared>>) dst(%dma_wait3A_36 : memref<1000x128xf32, #tpu.memory_space<hbm>>)
        tpu.yield
      }) : () -> ()
    } else {
    }
    return
  }
}

#map = affine_map<(d0, d1) -> (0, 0, 0)>
#map1 = affine_map<(d0, d1) -> (0, 0)>
module attributes {stable_mosaic.version = 14 : i64} {
  func.func @_deg_body(%arg0: i32, %arg1: i32, %arg2: memref<32x125x80xi32, #tpu.memory_space<hbm>>, %arg3: memref<10000x128xf32, #tpu.memory_space<hbm>>, %arg4: memref<80x128xf32, #tpu.memory_space<hbm>>, %arg5: memref<2x10000x128xf32, #tpu.memory_space<hbm>>, %arg6: memref<125x80xi32, #tpu.memory_space<vmem>>, %arg7: memref<80x128xf32, #tpu.memory_space<vmem>>, %arg8: memref<10000x128xf32, #tpu.memory_space<vmem_shared>>) attributes {dimension_semantics = [#tpu.dimension_semantics<core_parallel>, #tpu.dimension_semantics<subcore_parallel>], iteration_bounds = array<i64: 2, 16>, scalar_prefetch = 0 : i64, scratch_operands = 3 : i64, tpu.core_type = #tpu.core_type<sc_vector_subcore>, window_params = [{transform_indices = #map}, {transform_indices = #map1}, {transform_indices = #map1}, {transform_indices = #map}]} {
    %mul3A = arith.constant 16 : i32
    %mul3A_0 = arith.muli %arg0, %mul3A : i32
    %add3A = arith.addi %mul3A_0, %arg1 : i32
    "tpu.region"() ({
      %run_scoped3A = tpu.sem_alloc : memref<!tpu.dma_semaphore, #tpu.memory_space<semaphore_mem>>
      tpu.enqueue_dma source(%arg4 : memref<80x128xf32, #tpu.memory_space<hbm>>) target(%arg7 : memref<80x128xf32, #tpu.memory_space<vmem>>) target_semaphore(%run_scoped3A : memref<!tpu.dma_semaphore, #tpu.memory_space<semaphore_mem>>)
      tpu.wait_dma2 semaphore(%run_scoped3A : memref<!tpu.dma_semaphore, #tpu.memory_space<semaphore_mem>>) src(%arg4 : memref<80x128xf32, #tpu.memory_space<hbm>>) dst(%arg7 : memref<80x128xf32, #tpu.memory_space<vmem>>)
      tpu.yield
    }) : () -> ()
    "tpu.region"() ({
      %run_scoped3A = tpu.sem_alloc : memref<!tpu.dma_semaphore, #tpu.memory_space<semaphore_mem>>
      %dma_start3A = arith.constant 0 : i32
      %dma_start3A_14 = arith.constant 0 : i32
      %dma_start3A_15 = tpu.memref_slice %arg2[%add3A, %dma_start3A, %dma_start3A_14] : memref<32x125x80xi32, #tpu.memory_space<hbm>> -> memref<1x125x80xi32, #tpu.memory_space<hbm>>
      %dma_start3A_16 = tpu.memref_squeeze %dma_start3A_15 : memref<1x125x80xi32, #tpu.memory_space<hbm>> -> memref<125x80xi32, #tpu.memory_space<hbm>>
      %dma_start3A_17 = arith.constant 0 : i32
      %dma_start3A_18 = arith.constant 0 : i32
      %dma_start3A_19 = tpu.memref_slice %arg2[%add3A, %dma_start3A_17, %dma_start3A_18] : memref<32x125x80xi32, #tpu.memory_space<hbm>> -> memref<1x125x80xi32, #tpu.memory_space<hbm>>
      %dma_start3A_20 = tpu.memref_squeeze %dma_start3A_19 : memref<1x125x80xi32, #tpu.memory_space<hbm>> -> memref<125x80xi32, #tpu.memory_space<hbm>>
      tpu.enqueue_dma source(%dma_start3A_20 : memref<125x80xi32, #tpu.memory_space<hbm>>) target(%arg6 : memref<125x80xi32, #tpu.memory_space<vmem>>) target_semaphore(%run_scoped3A : memref<!tpu.dma_semaphore, #tpu.memory_space<semaphore_mem>>)
      %dma_wait3A = arith.constant 0 : i32
      %dma_wait3A_21 = arith.constant 0 : i32
      %dma_wait3A_22 = tpu.memref_slice %arg2[%add3A, %dma_wait3A, %dma_wait3A_21] : memref<32x125x80xi32, #tpu.memory_space<hbm>> -> memref<1x125x80xi32, #tpu.memory_space<hbm>>
      %dma_wait3A_23 = tpu.memref_squeeze %dma_wait3A_22 : memref<1x125x80xi32, #tpu.memory_space<hbm>> -> memref<125x80xi32, #tpu.memory_space<hbm>>
      %dma_wait3A_24 = arith.constant 0 : i32
      %dma_wait3A_25 = arith.constant 0 : i32
      %dma_wait3A_26 = tpu.memref_slice %arg2[%add3A, %dma_wait3A_24, %dma_wait3A_25] : memref<32x125x80xi32, #tpu.memory_space<hbm>> -> memref<1x125x80xi32, #tpu.memory_space<hbm>>
      %dma_wait3A_27 = tpu.memref_squeeze %dma_wait3A_26 : memref<1x125x80xi32, #tpu.memory_space<hbm>> -> memref<125x80xi32, #tpu.memory_space<hbm>>
      tpu.wait_dma2 semaphore(%run_scoped3A : memref<!tpu.dma_semaphore, #tpu.memory_space<semaphore_mem>>) src(%dma_wait3A_27 : memref<125x80xi32, #tpu.memory_space<hbm>>) dst(%arg6 : memref<125x80xi32, #tpu.memory_space<vmem>>)
      tpu.yield
    }) : () -> ()
    %lt3A = arith.constant 10 : i32
    %lt3A_1 = arith.cmpi slt, %arg1, %lt3A : i32
    %convert_element_type3A = arith.extui %lt3A_1 : i1 to i32
    %cond3A = arith.constant 0 : i32
    %cond3A_2 = arith.cmpi ne, %convert_element_type3A, %cond3A : i32
    scf.if %cond3A_2 {
      %mul3A_14 = arith.constant 1000 : i32
      %mul3A_15 = arith.muli %arg1, %mul3A_14 : i32
      %mul3A_16 = arith.constant 1000 : i32
      %mul3A_17 = arith.muli %arg1, %mul3A_16 : i32
      "tpu.region"() ({
        %run_scoped3A = tpu.sem_alloc : memref<!tpu.dma_semaphore, #tpu.memory_space<semaphore_mem>>
        %dma_start3A = arith.constant 0 : i32
        %dma_start3A_18 = tpu.memref_slice %arg8[%mul3A_17, %dma_start3A] : memref<10000x128xf32, #tpu.memory_space<vmem_shared>> -> memref<1000x128xf32, #tpu.memory_space<vmem_shared>>
        %dma_start3A_19 = arith.constant 0 : i32
        %dma_start3A_20 = tpu.memref_slice %arg3[%mul3A_15, %dma_start3A_19] : memref<10000x128xf32, #tpu.memory_space<hbm>> -> memref<1000x128xf32, #tpu.memory_space<hbm>>
        tpu.enqueue_dma source(%dma_start3A_20 : memref<1000x128xf32, #tpu.memory_space<hbm>>) target(%dma_start3A_18 : memref<1000x128xf32, #tpu.memory_space<vmem_shared>>) target_semaphore(%run_scoped3A : memref<!tpu.dma_semaphore, #tpu.memory_space<semaphore_mem>>)
        %dma_wait3A = arith.constant 0 : i32
        %dma_wait3A_21 = tpu.memref_slice %arg8[%mul3A_17, %dma_wait3A] : memref<10000x128xf32, #tpu.memory_space<vmem_shared>> -> memref<1000x128xf32, #tpu.memory_space<vmem_shared>>
        %dma_wait3A_22 = arith.constant 0 : i32
        %dma_wait3A_23 = tpu.memref_slice %arg3[%mul3A_15, %dma_wait3A_22] : memref<10000x128xf32, #tpu.memory_space<hbm>> -> memref<1000x128xf32, #tpu.memory_space<hbm>>
        tpu.wait_dma2 semaphore(%run_scoped3A : memref<!tpu.dma_semaphore, #tpu.memory_space<semaphore_mem>>) src(%dma_wait3A_23 : memref<1000x128xf32, #tpu.memory_space<hbm>>) dst(%dma_wait3A_21 : memref<1000x128xf32, #tpu.memory_space<vmem_shared>>)
        tpu.yield
      }) : () -> ()
    } else {
    }
    %barrier3A = arith.constant 0 : index
    tpu.barrier barrier_id(%barrier3A)
    %scan3A = arith.constant 0 : i32
    %scan3A_3 = arith.constant 0 : i32
    %scan3A_4 = arith.constant 125 : i32
    %scan3A_5 = arith.addi %scan3A_3, %scan3A_4 : i32
    %scan3A_6 = arith.constant 1 : i32
    scf.for %scan3A_14 = %scan3A_3 to %scan3A_5 step %scan3A_6  : i32 {
      "tpu.region"() ({
        %run_scoped3A = tpu.sem_alloc : memref<!tpu.dma_semaphore, #tpu.memory_space<semaphore_mem>>
        %dma_start3A = arith.constant 0 : i32
        %dma_start3A_15 = tpu.memref_slice %arg6[%scan3A_14, %dma_start3A] : memref<125x80xi32, #tpu.memory_space<vmem>> -> memref<1x80xi32, #tpu.memory_space<vmem>>
        %dma_start3A_16 = tpu.memref_squeeze %dma_start3A_15 : memref<1x80xi32, #tpu.memory_space<vmem>> -> memref<80xi32, #tpu.memory_space<vmem>>
        %dma_start3A_17 = arith.constant 0 : i32
        %dma_start3A_18 = arith.constant 0 : i32
        %dma_start3A_19 = tpu.memref_slice %arg8[%dma_start3A_17, %dma_start3A_18] : memref<10000x128xf32, #tpu.memory_space<vmem_shared>> -> memref<10000x128xf32, #tpu.memory_space<vmem_shared>>
        tpu.enqueue_indirect_dma source(%arg7 : memref<80x128xf32, #tpu.memory_space<vmem>>) target(%dma_start3A_19 : memref<10000x128xf32, #tpu.memory_space<vmem_shared>>) offsets(%dma_start3A_16 : memref<80xi32, #tpu.memory_space<vmem>>) semaphore(%run_scoped3A : memref<!tpu.dma_semaphore, #tpu.memory_space<semaphore_mem>>) {add = true}
        %dma_wait3A = arith.constant 0 : i32
        %dma_wait3A_20 = tpu.memref_slice %arg6[%scan3A_14, %dma_wait3A] : memref<125x80xi32, #tpu.memory_space<vmem>> -> memref<1x80xi32, #tpu.memory_space<vmem>>
        %dma_wait3A_21 = tpu.memref_squeeze %dma_wait3A_20 : memref<1x80xi32, #tpu.memory_space<vmem>> -> memref<80xi32, #tpu.memory_space<vmem>>
        %dma_wait3A_22 = arith.constant 0 : i32
        %dma_wait3A_23 = arith.constant 0 : i32
        %dma_wait3A_24 = tpu.memref_slice %arg8[%dma_wait3A_22, %dma_wait3A_23] : memref<10000x128xf32, #tpu.memory_space<vmem_shared>> -> memref<10000x128xf32, #tpu.memory_space<vmem_shared>>
        tpu.wait_indirect_dma semaphore(%run_scoped3A : memref<!tpu.dma_semaphore, #tpu.memory_space<semaphore_mem>>) src(%arg7 : memref<80x128xf32, #tpu.memory_space<vmem>>) dst(%dma_wait3A_24 : memref<10000x128xf32, #tpu.memory_space<vmem_shared>>)
        tpu.yield
      }) : () -> ()
    }
    %scan3A_7 = arith.constant 125 : i32
    %barrier3A_8 = arith.constant 0 : index
    tpu.barrier barrier_id(%barrier3A_8)
    %lt3A_9 = arith.constant 10 : i32
    %lt3A_10 = arith.cmpi slt, %arg1, %lt3A_9 : i32
    %convert_element_type3A_11 = arith.extui %lt3A_10 : i1 to i32
    %cond3A_12 = arith.constant 0 : i32
    %cond3A_13 = arith.cmpi ne, %convert_element_type3A_11, %cond3A_12 : i32
    scf.if %cond3A_13 {
      %mul3A_14 = arith.constant 1000 : i32
      %mul3A_15 = arith.muli %arg1, %mul3A_14 : i32
      %mul3A_16 = arith.constant 1000 : i32
      %mul3A_17 = arith.muli %arg1, %mul3A_16 : i32
      "tpu.region"() ({
        %run_scoped3A = tpu.sem_alloc : memref<!tpu.dma_semaphore, #tpu.memory_space<semaphore_mem>>
        %dma_start3A = arith.constant 0 : i32
        %dma_start3A_18 = tpu.memref_slice %arg5[%arg0, %mul3A_17, %dma_start3A] : memref<2x10000x128xf32, #tpu.memory_space<hbm>> -> memref<1x1000x128xf32, #tpu.memory_space<hbm>>
        %dma_start3A_19 = tpu.memref_squeeze %dma_start3A_18 : memref<1x1000x128xf32, #tpu.memory_space<hbm>> -> memref<1000x128xf32, #tpu.memory_space<hbm>>
        %dma_start3A_20 = arith.constant 0 : i32
        %dma_start3A_21 = tpu.memref_slice %arg8[%mul3A_15, %dma_start3A_20] : memref<10000x128xf32, #tpu.memory_space<vmem_shared>> -> memref<1000x128xf32, #tpu.memory_space<vmem_shared>>
        tpu.enqueue_dma source(%dma_start3A_21 : memref<1000x128xf32, #tpu.memory_space<vmem_shared>>) target(%dma_start3A_19 : memref<1000x128xf32, #tpu.memory_space<hbm>>) target_semaphore(%run_scoped3A : memref<!tpu.dma_semaphore, #tpu.memory_space<semaphore_mem>>)
        %dma_wait3A = arith.constant 0 : i32
        %dma_wait3A_22 = tpu.memref_slice %arg5[%arg0, %mul3A_17, %dma_wait3A] : memref<2x10000x128xf32, #tpu.memory_space<hbm>> -> memref<1x1000x128xf32, #tpu.memory_space<hbm>>
        %dma_wait3A_23 = tpu.memref_squeeze %dma_wait3A_22 : memref<1x1000x128xf32, #tpu.memory_space<hbm>> -> memref<1000x128xf32, #tpu.memory_space<hbm>>
        %dma_wait3A_24 = arith.constant 0 : i32
        %dma_wait3A_25 = tpu.memref_slice %arg8[%mul3A_15, %dma_wait3A_24] : memref<10000x128xf32, #tpu.memory_space<vmem_shared>> -> memref<1000x128xf32, #tpu.memory_space<vmem_shared>>
        tpu.wait_dma2 semaphore(%run_scoped3A : memref<!tpu.dma_semaphore, #tpu.memory_space<semaphore_mem>>) src(%dma_wait3A_25 : memref<1000x128xf32, #tpu.memory_space<vmem_shared>>) dst(%dma_wait3A_23 : memref<1000x128xf32, #tpu.memory_space<hbm>>)
        tpu.yield
      }) : () -> ()
    } else {
    }
    return
  }
}

#map = affine_map<(d0, d1) -> (0, 0)>
#map1 = affine_map<(d0, d1) -> (0)>
#map2 = affine_map<(d0, d1) -> (0, 0, 0)>
module attributes {stable_mosaic.version = 14 : i64} {
  func.func @_prop_body(%arg0: i32, %arg1: i32, %arg2: memref<10000x128xf32, #tpu.memory_space<hbm>>, %arg3: memref<320000xi32, #tpu.memory_space<hbm>>, %arg4: memref<32x125x80xi32, #tpu.memory_space<hbm>>, %arg5: memref<10000x128xf32, #tpu.memory_space<hbm>>, %arg6: memref<2x10000x128xf32, #tpu.memory_space<hbm>>, %arg7: memref<10000xi32, #tpu.memory_space<vmem>>, %arg8: memref<125x80xi32, #tpu.memory_space<vmem>>, %arg9: memref<80x128xf32, #tpu.memory_space<vmem>>, %arg10: memref<80x128xf32, #tpu.memory_space<vmem>>, %arg11: memref<10000x128xf32, #tpu.memory_space<vmem_shared>>, %arg12: memref<!tpu.dma_semaphore, #tpu.memory_space<semaphore_mem>>, %arg13: memref<!tpu.dma_semaphore, #tpu.memory_space<semaphore_mem>>) attributes {dimension_semantics = [#tpu.dimension_semantics<core_parallel>, #tpu.dimension_semantics<subcore_parallel>], iteration_bounds = array<i64: 2, 16>, scalar_prefetch = 0 : i64, scratch_operands = 7 : i64, tpu.core_type = #tpu.core_type<sc_vector_subcore>, window_params = [{transform_indices = #map}, {transform_indices = #map1}, {transform_indices = #map2}, {transform_indices = #map}, {transform_indices = #map2}]} {
    %mul3A = arith.constant 16 : i32
    %mul3A_0 = arith.muli %arg0, %mul3A : i32
    %add3A = arith.addi %mul3A_0, %arg1 : i32
    %mul3A_1 = arith.constant 10000 : i32
    %mul3A_2 = arith.muli %add3A, %mul3A_1 : i32
    "tpu.region"() ({
      %run_scoped3A_24 = tpu.sem_alloc : memref<!tpu.dma_semaphore, #tpu.memory_space<semaphore_mem>>
      %dma_start3A_25 = tpu.memref_slice %arg3[%mul3A_2] : memref<320000xi32, #tpu.memory_space<hbm>> -> memref<10000xi32, #tpu.memory_space<hbm>>
      %dma_start3A_26 = tpu.memref_slice %arg3[%mul3A_2] : memref<320000xi32, #tpu.memory_space<hbm>> -> memref<10000xi32, #tpu.memory_space<hbm>>
      tpu.enqueue_dma source(%dma_start3A_26 : memref<10000xi32, #tpu.memory_space<hbm>>) target(%arg7 : memref<10000xi32, #tpu.memory_space<vmem>>) target_semaphore(%run_scoped3A_24 : memref<!tpu.dma_semaphore, #tpu.memory_space<semaphore_mem>>)
      %dma_wait3A_27 = tpu.memref_slice %arg3[%mul3A_2] : memref<320000xi32, #tpu.memory_space<hbm>> -> memref<10000xi32, #tpu.memory_space<hbm>>
      %dma_wait3A_28 = tpu.memref_slice %arg3[%mul3A_2] : memref<320000xi32, #tpu.memory_space<hbm>> -> memref<10000xi32, #tpu.memory_space<hbm>>
      tpu.wait_dma2 semaphore(%run_scoped3A_24 : memref<!tpu.dma_semaphore, #tpu.memory_space<semaphore_mem>>) src(%dma_wait3A_28 : memref<10000xi32, #tpu.memory_space<hbm>>) dst(%arg7 : memref<10000xi32, #tpu.memory_space<vmem>>)
      tpu.yield
    }) : () -> ()
    "tpu.region"() ({
      %run_scoped3A_24 = tpu.sem_alloc : memref<!tpu.dma_semaphore, #tpu.memory_space<semaphore_mem>>
      %dma_start3A_25 = arith.constant 0 : i32
      %dma_start3A_26 = arith.constant 0 : i32
      %dma_start3A_27 = tpu.memref_slice %arg4[%add3A, %dma_start3A_25, %dma_start3A_26] : memref<32x125x80xi32, #tpu.memory_space<hbm>> -> memref<1x125x80xi32, #tpu.memory_space<hbm>>
      %dma_start3A_28 = tpu.memref_squeeze %dma_start3A_27 : memref<1x125x80xi32, #tpu.memory_space<hbm>> -> memref<125x80xi32, #tpu.memory_space<hbm>>
      %dma_start3A_29 = arith.constant 0 : i32
      %dma_start3A_30 = arith.constant 0 : i32
      %dma_start3A_31 = tpu.memref_slice %arg4[%add3A, %dma_start3A_29, %dma_start3A_30] : memref<32x125x80xi32, #tpu.memory_space<hbm>> -> memref<1x125x80xi32, #tpu.memory_space<hbm>>
      %dma_start3A_32 = tpu.memref_squeeze %dma_start3A_31 : memref<1x125x80xi32, #tpu.memory_space<hbm>> -> memref<125x80xi32, #tpu.memory_space<hbm>>
      tpu.enqueue_dma source(%dma_start3A_32 : memref<125x80xi32, #tpu.memory_space<hbm>>) target(%arg8 : memref<125x80xi32, #tpu.memory_space<vmem>>) target_semaphore(%run_scoped3A_24 : memref<!tpu.dma_semaphore, #tpu.memory_space<semaphore_mem>>)
      %dma_wait3A_33 = arith.constant 0 : i32
      %dma_wait3A_34 = arith.constant 0 : i32
      %dma_wait3A_35 = tpu.memref_slice %arg4[%add3A, %dma_wait3A_33, %dma_wait3A_34] : memref<32x125x80xi32, #tpu.memory_space<hbm>> -> memref<1x125x80xi32, #tpu.memory_space<hbm>>
      %dma_wait3A_36 = tpu.memref_squeeze %dma_wait3A_35 : memref<1x125x80xi32, #tpu.memory_space<hbm>> -> memref<125x80xi32, #tpu.memory_space<hbm>>
      %dma_wait3A_37 = arith.constant 0 : i32
      %dma_wait3A_38 = arith.constant 0 : i32
      %dma_wait3A_39 = tpu.memref_slice %arg4[%add3A, %dma_wait3A_37, %dma_wait3A_38] : memref<32x125x80xi32, #tpu.memory_space<hbm>> -> memref<1x125x80xi32, #tpu.memory_space<hbm>>
      %dma_wait3A_40 = tpu.memref_squeeze %dma_wait3A_39 : memref<1x125x80xi32, #tpu.memory_space<hbm>> -> memref<125x80xi32, #tpu.memory_space<hbm>>
      tpu.wait_dma2 semaphore(%run_scoped3A_24 : memref<!tpu.dma_semaphore, #tpu.memory_space<semaphore_mem>>) src(%dma_wait3A_40 : memref<125x80xi32, #tpu.memory_space<hbm>>) dst(%arg8 : memref<125x80xi32, #tpu.memory_space<vmem>>)
      tpu.yield
    }) : () -> ()
    %lt3A = arith.constant 10 : i32
    %lt3A_3 = arith.cmpi slt, %arg1, %lt3A : i32
    %convert_element_type3A = arith.extui %lt3A_3 : i1 to i32
    %cond3A = arith.constant 0 : i32
    %cond3A_4 = arith.cmpi ne, %convert_element_type3A, %cond3A : i32
    scf.if %cond3A_4 {
      %mul3A_24 = arith.constant 1000 : i32
      %mul3A_25 = arith.muli %arg1, %mul3A_24 : i32
      %mul3A_26 = arith.constant 1000 : i32
      %mul3A_27 = arith.muli %arg1, %mul3A_26 : i32
      "tpu.region"() ({
        %run_scoped3A_28 = tpu.sem_alloc : memref<!tpu.dma_semaphore, #tpu.memory_space<semaphore_mem>>
        %dma_start3A_29 = arith.constant 0 : i32
        %dma_start3A_30 = tpu.memref_slice %arg11[%mul3A_27, %dma_start3A_29] : memref<10000x128xf32, #tpu.memory_space<vmem_shared>> -> memref<1000x128xf32, #tpu.memory_space<vmem_shared>>
        %dma_start3A_31 = arith.constant 0 : i32
        %dma_start3A_32 = tpu.memref_slice %arg5[%mul3A_25, %dma_start3A_31] : memref<10000x128xf32, #tpu.memory_space<hbm>> -> memref<1000x128xf32, #tpu.memory_space<hbm>>
        tpu.enqueue_dma source(%dma_start3A_32 : memref<1000x128xf32, #tpu.memory_space<hbm>>) target(%dma_start3A_30 : memref<1000x128xf32, #tpu.memory_space<vmem_shared>>) target_semaphore(%run_scoped3A_28 : memref<!tpu.dma_semaphore, #tpu.memory_space<semaphore_mem>>)
        %dma_wait3A_33 = arith.constant 0 : i32
        %dma_wait3A_34 = tpu.memref_slice %arg11[%mul3A_27, %dma_wait3A_33] : memref<10000x128xf32, #tpu.memory_space<vmem_shared>> -> memref<1000x128xf32, #tpu.memory_space<vmem_shared>>
        %dma_wait3A_35 = arith.constant 0 : i32
        %dma_wait3A_36 = tpu.memref_slice %arg5[%mul3A_25, %dma_wait3A_35] : memref<10000x128xf32, #tpu.memory_space<hbm>> -> memref<1000x128xf32, #tpu.memory_space<hbm>>
        tpu.wait_dma2 semaphore(%run_scoped3A_28 : memref<!tpu.dma_semaphore, #tpu.memory_space<semaphore_mem>>) src(%dma_wait3A_36 : memref<1000x128xf32, #tpu.memory_space<hbm>>) dst(%dma_wait3A_34 : memref<1000x128xf32, #tpu.memory_space<vmem_shared>>)
        tpu.yield
      }) : () -> ()
    } else {
    }
    %dma_start3A = arith.constant 0 : i32
    %dma_start3A_5 = tpu.memref_slice %arg7[%dma_start3A] : memref<10000xi32, #tpu.memory_space<vmem>> -> memref<80xi32, #tpu.memory_space<vmem>>
    %dma_start3A_6 = arith.constant 0 : i32
    %dma_start3A_7 = arith.constant 0 : i32
    %dma_start3A_8 = tpu.memref_slice %arg2[%dma_start3A_6, %dma_start3A_7] : memref<10000x128xf32, #tpu.memory_space<hbm>> -> memref<10000x128xf32, #tpu.memory_space<hbm>>
    tpu.enqueue_indirect_dma source(%dma_start3A_8 : memref<10000x128xf32, #tpu.memory_space<hbm>>) target(%arg9 : memref<80x128xf32, #tpu.memory_space<vmem>>) offsets(%dma_start3A_5 : memref<80xi32, #tpu.memory_space<vmem>>) semaphore(%arg12 : memref<!tpu.dma_semaphore, #tpu.memory_space<semaphore_mem>>)
    %barrier3A = arith.constant 0 : index
    tpu.barrier barrier_id(%barrier3A)
    %scan3A = arith.constant 0 : i32
    %scan3A_9 = arith.constant 0 : i32
    %scan3A_10 = arith.constant 62 : i32
    %scan3A_11 = arith.addi %scan3A_9, %scan3A_10 : i32
    %scan3A_12 = arith.constant 1 : i32
    scf.for %scan3A_24 = %scan3A_9 to %scan3A_11 step %scan3A_12  : i32 {
      %mul3A_25 = arith.constant 2 : i32
      %mul3A_26 = arith.muli %scan3A_24, %mul3A_25 : i32
      %add3A_27 = arith.constant 0 : i32
      %add3A_28 = arith.addi %mul3A_26, %add3A_27 : i32
      %add3A_29 = arith.constant 1 : i32
      %add3A_30 = arith.addi %add3A_28, %add3A_29 : i32
      %lt3A_31 = arith.constant 125 : i32
      %lt3A_32 = arith.cmpi slt, %add3A_30, %lt3A_31 : i32
      %convert_element_type3A_33 = arith.extui %lt3A_32 : i1 to i32
      %cond3A_34 = arith.constant 0 : i32
      %cond3A_35 = arith.cmpi ne, %convert_element_type3A_33, %cond3A_34 : i32
      scf.if %cond3A_35 {
        %add3A_59 = arith.constant 1 : i32
        %add3A_60 = arith.addi %add3A_28, %add3A_59 : i32
        %mul3A_61 = arith.constant 80 : i32
        %mul3A_62 = arith.muli %add3A_60, %mul3A_61 : i32
        %dma_start3A_63 = tpu.memref_slice %arg7[%mul3A_62] : memref<10000xi32, #tpu.memory_space<vmem>> -> memref<80xi32, #tpu.memory_space<vmem>>
        %dma_start3A_64 = arith.constant 0 : i32
        %dma_start3A_65 = arith.constant 0 : i32
        %dma_start3A_66 = tpu.memref_slice %arg2[%dma_start3A_64, %dma_start3A_65] : memref<10000x128xf32, #tpu.memory_space<hbm>> -> memref<10000x128xf32, #tpu.memory_space<hbm>>
        tpu.enqueue_indirect_dma source(%dma_start3A_66 : memref<10000x128xf32, #tpu.memory_space<hbm>>) target(%arg10 : memref<80x128xf32, #tpu.memory_space<vmem>>) offsets(%dma_start3A_63 : memref<80xi32, #tpu.memory_space<vmem>>) semaphore(%arg13 : memref<!tpu.dma_semaphore, #tpu.memory_space<semaphore_mem>>)
      } else {
      }
      %mul3A_36 = arith.constant 80 : i32
      %mul3A_37 = arith.muli %add3A_28, %mul3A_36 : i32
      %dma_wait3A_38 = tpu.memref_slice %arg7[%mul3A_37] : memref<10000xi32, #tpu.memory_space<vmem>> -> memref<80xi32, #tpu.memory_space<vmem>>
      %dma_wait3A_39 = arith.constant 0 : i32
      %dma_wait3A_40 = arith.constant 0 : i32
      %dma_wait3A_41 = tpu.memref_slice %arg2[%dma_wait3A_39, %dma_wait3A_40] : memref<10000x128xf32, #tpu.memory_space<hbm>> -> memref<10000x128xf32, #tpu.memory_space<hbm>>
      tpu.wait_indirect_dma semaphore(%arg12 : memref<!tpu.dma_semaphore, #tpu.memory_space<semaphore_mem>>) src(%dma_wait3A_41 : memref<10000x128xf32, #tpu.memory_space<hbm>>) dst(%arg9 : memref<80x128xf32, #tpu.memory_space<vmem>>)
      "tpu.region"() ({
        %run_scoped3A_59 = tpu.sem_alloc : memref<!tpu.dma_semaphore, #tpu.memory_space<semaphore_mem>>
        %dma_start3A_60 = arith.constant 0 : i32
        %dma_start3A_61 = tpu.memref_slice %arg8[%add3A_28, %dma_start3A_60] : memref<125x80xi32, #tpu.memory_space<vmem>> -> memref<1x80xi32, #tpu.memory_space<vmem>>
        %dma_start3A_62 = tpu.memref_squeeze %dma_start3A_61 : memref<1x80xi32, #tpu.memory_space<vmem>> -> memref<80xi32, #tpu.memory_space<vmem>>
        %dma_start3A_63 = arith.constant 0 : i32
        %dma_start3A_64 = arith.constant 0 : i32
        %dma_start3A_65 = tpu.memref_slice %arg11[%dma_start3A_63, %dma_start3A_64] : memref<10000x128xf32, #tpu.memory_space<vmem_shared>> -> memref<10000x128xf32, #tpu.memory_space<vmem_shared>>
        tpu.enqueue_indirect_dma source(%arg9 : memref<80x128xf32, #tpu.memory_space<vmem>>) target(%dma_start3A_65 : memref<10000x128xf32, #tpu.memory_space<vmem_shared>>) offsets(%dma_start3A_62 : memref<80xi32, #tpu.memory_space<vmem>>) semaphore(%run_scoped3A_59 : memref<!tpu.dma_semaphore, #tpu.memory_space<semaphore_mem>>) {add = true}
        %dma_wait3A_66 = arith.constant 0 : i32
        %dma_wait3A_67 = tpu.memref_slice %arg8[%add3A_28, %dma_wait3A_66] : memref<125x80xi32, #tpu.memory_space<vmem>> -> memref<1x80xi32, #tpu.memory_space<vmem>>
        %dma_wait3A_68 = tpu.memref_squeeze %dma_wait3A_67 : memref<1x80xi32, #tpu.memory_space<vmem>> -> memref<80xi32, #tpu.memory_space<vmem>>
        %dma_wait3A_69 = arith.constant 0 : i32
        %dma_wait3A_70 = arith.constant 0 : i32
        %dma_wait3A_71 = tpu.memref_slice %arg11[%dma_wait3A_69, %dma_wait3A_70] : memref<10000x128xf32, #tpu.memory_space<vmem_shared>> -> memref<10000x128xf32, #tpu.memory_space<vmem_shared>>
        tpu.wait_indirect_dma semaphore(%run_scoped3A_59 : memref<!tpu.dma_semaphore, #tpu.memory_space<semaphore_mem>>) src(%arg9 : memref<80x128xf32, #tpu.memory_space<vmem>>) dst(%dma_wait3A_71 : memref<10000x128xf32, #tpu.memory_space<vmem_shared>>)
        tpu.yield
      }) : () -> ()
      %mul3A_42 = arith.constant 2 : i32
      %mul3A_43 = arith.muli %scan3A_24, %mul3A_42 : i32
      %add3A_44 = arith.constant 1 : i32
      %add3A_45 = arith.addi %mul3A_43, %add3A_44 : i32
      %add3A_46 = arith.constant 1 : i32
      %add3A_47 = arith.addi %add3A_45, %add3A_46 : i32
      %lt3A_48 = arith.constant 125 : i32
      %lt3A_49 = arith.cmpi slt, %add3A_47, %lt3A_48 : i32
      %convert_element_type3A_50 = arith.extui %lt3A_49 : i1 to i32
      %cond3A_51 = arith.constant 0 : i32
      %cond3A_52 = arith.cmpi ne, %convert_element_type3A_50, %cond3A_51 : i32
      scf.if %cond3A_52 {
        %add3A_59 = arith.constant 1 : i32
        %add3A_60 = arith.addi %add3A_45, %add3A_59 : i32
        %mul3A_61 = arith.constant 80 : i32
        %mul3A_62 = arith.muli %add3A_60, %mul3A_61 : i32
        %dma_start3A_63 = tpu.memref_slice %arg7[%mul3A_62] : memref<10000xi32, #tpu.memory_space<vmem>> -> memref<80xi32, #tpu.memory_space<vmem>>
        %dma_start3A_64 = arith.constant 0 : i32
        %dma_start3A_65 = arith.constant 0 : i32
        %dma_start3A_66 = tpu.memref_slice %arg2[%dma_start3A_64, %dma_start3A_65] : memref<10000x128xf32, #tpu.memory_space<hbm>> -> memref<10000x128xf32, #tpu.memory_space<hbm>>
        tpu.enqueue_indirect_dma source(%dma_start3A_66 : memref<10000x128xf32, #tpu.memory_space<hbm>>) target(%arg9 : memref<80x128xf32, #tpu.memory_space<vmem>>) offsets(%dma_start3A_63 : memref<80xi32, #tpu.memory_space<vmem>>) semaphore(%arg12 : memref<!tpu.dma_semaphore, #tpu.memory_space<semaphore_mem>>)
      } else {
      }
      %mul3A_53 = arith.constant 80 : i32
      %mul3A_54 = arith.muli %add3A_45, %mul3A_53 : i32
      %dma_wait3A_55 = tpu.memref_slice %arg7[%mul3A_54] : memref<10000xi32, #tpu.memory_space<vmem>> -> memref<80xi32, #tpu.memory_space<vmem>>
      %dma_wait3A_56 = arith.constant 0 : i32
      %dma_wait3A_57 = arith.constant 0 : i32
      %dma_wait3A_58 = tpu.memref_slice %arg2[%dma_wait3A_56, %dma_wait3A_57] : memref<10000x128xf32, #tpu.memory_space<hbm>> -> memref<10000x128xf32, #tpu.memory_space<hbm>>
      tpu.wait_indirect_dma semaphore(%arg13 : memref<!tpu.dma_semaphore, #tpu.memory_space<semaphore_mem>>) src(%dma_wait3A_58 : memref<10000x128xf32, #tpu.memory_space<hbm>>) dst(%arg10 : memref<80x128xf32, #tpu.memory_space<vmem>>)
      "tpu.region"() ({
        %run_scoped3A_59 = tpu.sem_alloc : memref<!tpu.dma_semaphore, #tpu.memory_space<semaphore_mem>>
        %dma_start3A_60 = arith.constant 0 : i32
        %dma_start3A_61 = tpu.memref_slice %arg8[%add3A_45, %dma_start3A_60] : memref<125x80xi32, #tpu.memory_space<vmem>> -> memref<1x80xi32, #tpu.memory_space<vmem>>
        %dma_start3A_62 = tpu.memref_squeeze %dma_start3A_61 : memref<1x80xi32, #tpu.memory_space<vmem>> -> memref<80xi32, #tpu.memory_space<vmem>>
        %dma_start3A_63 = arith.constant 0 : i32
        %dma_start3A_64 = arith.constant 0 : i32
        %dma_start3A_65 = tpu.memref_slice %arg11[%dma_start3A_63, %dma_start3A_64] : memref<10000x128xf32, #tpu.memory_space<vmem_shared>> -> memref<10000x128xf32, #tpu.memory_space<vmem_shared>>
        tpu.enqueue_indirect_dma source(%arg10 : memref<80x128xf32, #tpu.memory_space<vmem>>) target(%dma_start3A_65 : memref<10000x128xf32, #tpu.memory_space<vmem_shared>>) offsets(%dma_start3A_62 : memref<80xi32, #tpu.memory_space<vmem>>) semaphore(%run_scoped3A_59 : memref<!tpu.dma_semaphore, #tpu.memory_space<semaphore_mem>>) {add = true}
        %dma_wait3A_66 = arith.constant 0 : i32
        %dma_wait3A_67 = tpu.memref_slice %arg8[%add3A_45, %dma_wait3A_66] : memref<125x80xi32, #tpu.memory_space<vmem>> -> memref<1x80xi32, #tpu.memory_space<vmem>>
        %dma_wait3A_68 = tpu.memref_squeeze %dma_wait3A_67 : memref<1x80xi32, #tpu.memory_space<vmem>> -> memref<80xi32, #tpu.memory_space<vmem>>
        %dma_wait3A_69 = arith.constant 0 : i32
        %dma_wait3A_70 = arith.constant 0 : i32
        %dma_wait3A_71 = tpu.memref_slice %arg11[%dma_wait3A_69, %dma_wait3A_70] : memref<10000x128xf32, #tpu.memory_space<vmem_shared>> -> memref<10000x128xf32, #tpu.memory_space<vmem_shared>>
        tpu.wait_indirect_dma semaphore(%run_scoped3A_59 : memref<!tpu.dma_semaphore, #tpu.memory_space<semaphore_mem>>) src(%arg10 : memref<80x128xf32, #tpu.memory_space<vmem>>) dst(%dma_wait3A_71 : memref<10000x128xf32, #tpu.memory_space<vmem_shared>>)
        tpu.yield
      }) : () -> ()
    }
    %scan3A_13 = arith.constant 62 : i32
    %dma_wait3A = arith.constant 9920 : i32
    %dma_wait3A_14 = tpu.memref_slice %arg7[%dma_wait3A] : memref<10000xi32, #tpu.memory_space<vmem>> -> memref<80xi32, #tpu.memory_space<vmem>>
    %dma_wait3A_15 = arith.constant 0 : i32
    %dma_wait3A_16 = arith.constant 0 : i32
    %dma_wait3A_17 = tpu.memref_slice %arg2[%dma_wait3A_15, %dma_wait3A_16] : memref<10000x128xf32, #tpu.memory_space<hbm>> -> memref<10000x128xf32, #tpu.memory_space<hbm>>
    tpu.wait_indirect_dma semaphore(%arg12 : memref<!tpu.dma_semaphore, #tpu.memory_space<semaphore_mem>>) src(%dma_wait3A_17 : memref<10000x128xf32, #tpu.memory_space<hbm>>) dst(%arg9 : memref<80x128xf32, #tpu.memory_space<vmem>>)
    %run_scoped3A = arith.constant 124 : i32
    "tpu.region"() ({
      %run_scoped3A_24 = tpu.sem_alloc : memref<!tpu.dma_semaphore, #tpu.memory_space<semaphore_mem>>
      %dma_start3A_25 = arith.constant 0 : i32
      %dma_start3A_26 = tpu.memref_slice %arg8[%run_scoped3A, %dma_start3A_25] : memref<125x80xi32, #tpu.memory_space<vmem>> -> memref<1x80xi32, #tpu.memory_space<vmem>>
      %dma_start3A_27 = tpu.memref_squeeze %dma_start3A_26 : memref<1x80xi32, #tpu.memory_space<vmem>> -> memref<80xi32, #tpu.memory_space<vmem>>
      %dma_start3A_28 = arith.constant 0 : i32
      %dma_start3A_29 = arith.constant 0 : i32
      %dma_start3A_30 = tpu.memref_slice %arg11[%dma_start3A_28, %dma_start3A_29] : memref<10000x128xf32, #tpu.memory_space<vmem_shared>> -> memref<10000x128xf32, #tpu.memory_space<vmem_shared>>
      tpu.enqueue_indirect_dma source(%arg9 : memref<80x128xf32, #tpu.memory_space<vmem>>) target(%dma_start3A_30 : memref<10000x128xf32, #tpu.memory_space<vmem_shared>>) offsets(%dma_start3A_27 : memref<80xi32, #tpu.memory_space<vmem>>) semaphore(%run_scoped3A_24 : memref<!tpu.dma_semaphore, #tpu.memory_space<semaphore_mem>>) {add = true}
      %dma_wait3A_31 = arith.constant 0 : i32
      %dma_wait3A_32 = tpu.memref_slice %arg8[%run_scoped3A, %dma_wait3A_31] : memref<125x80xi32, #tpu.memory_space<vmem>> -> memref<1x80xi32, #tpu.memory_space<vmem>>
      %dma_wait3A_33 = tpu.memref_squeeze %dma_wait3A_32 : memref<1x80xi32, #tpu.memory_space<vmem>> -> memref<80xi32, #tpu.memory_space<vmem>>
      %dma_wait3A_34 = arith.constant 0 : i32
      %dma_wait3A_35 = arith.constant 0 : i32
      %dma_wait3A_36 = tpu.memref_slice %arg11[%dma_wait3A_34, %dma_wait3A_35] : memref<10000x128xf32, #tpu.memory_space<vmem_shared>> -> memref<10000x128xf32, #tpu.memory_space<vmem_shared>>
      tpu.wait_indirect_dma semaphore(%run_scoped3A_24 : memref<!tpu.dma_semaphore, #tpu.memory_space<semaphore_mem>>) src(%arg9 : memref<80x128xf32, #tpu.memory_space<vmem>>) dst(%dma_wait3A_36 : memref<10000x128xf32, #tpu.memory_space<vmem_shared>>)
      tpu.yield
    }) : () -> ()
    %barrier3A_18 = arith.constant 0 : index
    tpu.barrier barrier_id(%barrier3A_18)
    %lt3A_19 = arith.constant 10 : i32
    %lt3A_20 = arith.cmpi slt, %arg1, %lt3A_19 : i32
    %convert_element_type3A_21 = arith.extui %lt3A_20 : i1 to i32
    %cond3A_22 = arith.constant 0 : i32
    %cond3A_23 = arith.cmpi ne, %convert_element_type3A_21, %cond3A_22 : i32
    scf.if %cond3A_23 {
      %mul3A_24 = arith.constant 1000 : i32
      %mul3A_25 = arith.muli %arg1, %mul3A_24 : i32
      %mul3A_26 = arith.constant 1000 : i32
      %mul3A_27 = arith.muli %arg1, %mul3A_26 : i32
      "tpu.region"() ({
        %run_scoped3A_28 = tpu.sem_alloc : memref<!tpu.dma_semaphore, #tpu.memory_space<semaphore_mem>>
        %dma_start3A_29 = arith.constant 0 : i32
        %dma_start3A_30 = tpu.memref_slice %arg6[%arg0, %mul3A_27, %dma_start3A_29] : memref<2x10000x128xf32, #tpu.memory_space<hbm>> -> memref<1x1000x128xf32, #tpu.memory_space<hbm>>
        %dma_start3A_31 = tpu.memref_squeeze %dma_start3A_30 : memref<1x1000x128xf32, #tpu.memory_space<hbm>> -> memref<1000x128xf32, #tpu.memory_space<hbm>>
        %dma_start3A_32 = arith.constant 0 : i32
        %dma_start3A_33 = tpu.memref_slice %arg11[%mul3A_25, %dma_start3A_32] : memref<10000x128xf32, #tpu.memory_space<vmem_shared>> -> memref<1000x128xf32, #tpu.memory_space<vmem_shared>>
        tpu.enqueue_dma source(%dma_start3A_33 : memref<1000x128xf32, #tpu.memory_space<vmem_shared>>) target(%dma_start3A_31 : memref<1000x128xf32, #tpu.memory_space<hbm>>) target_semaphore(%run_scoped3A_28 : memref<!tpu.dma_semaphore, #tpu.memory_space<semaphore_mem>>)
        %dma_wait3A_34 = arith.constant 0 : i32
        %dma_wait3A_35 = tpu.memref_slice %arg6[%arg0, %mul3A_27, %dma_wait3A_34] : memref<2x10000x128xf32, #tpu.memory_space<hbm>> -> memref<1x1000x128xf32, #tpu.memory_space<hbm>>
        %dma_wait3A_36 = tpu.memref_squeeze %dma_wait3A_35 : memref<1x1000x128xf32, #tpu.memory_space<hbm>> -> memref<1000x128xf32, #tpu.memory_space<hbm>>
        %dma_wait3A_37 = arith.constant 0 : i32
        %dma_wait3A_38 = tpu.memref_slice %arg11[%mul3A_25, %dma_wait3A_37] : memref<10000x128xf32, #tpu.memory_space<vmem_shared>> -> memref<1000x128xf32, #tpu.memory_space<vmem_shared>>
        tpu.wait_dma2 semaphore(%run_scoped3A_28 : memref<!tpu.dma_semaphore, #tpu.memory_space<semaphore_mem>>) src(%dma_wait3A_38 : memref<1000x128xf32, #tpu.memory_space<vmem_shared>>) dst(%dma_wait3A_36 : memref<1000x128xf32, #tpu.memory_space<hbm>>)
        tpu.yield
      }) : () -> ()
    } else {
    }
    return
  }
}

#map = affine_map<(d0, d1) -> (0, 0)>
#map1 = affine_map<(d0, d1) -> (0)>
#map2 = affine_map<(d0, d1) -> (0, 0, 0)>
module attributes {stable_mosaic.version = 14 : i64} {
  func.func @_prop_body(%arg0: i32, %arg1: i32, %arg2: memref<10000x128xf32, #tpu.memory_space<hbm>>, %arg3: memref<320000xi32, #tpu.memory_space<hbm>>, %arg4: memref<32x125x80xi32, #tpu.memory_space<hbm>>, %arg5: memref<10000x128xf32, #tpu.memory_space<hbm>>, %arg6: memref<2x10000x128xf32, #tpu.memory_space<hbm>>, %arg7: memref<10000xi32, #tpu.memory_space<vmem>>, %arg8: memref<125x80xi32, #tpu.memory_space<vmem>>, %arg9: memref<80x128xf32, #tpu.memory_space<vmem>>, %arg10: memref<80x128xf32, #tpu.memory_space<vmem>>, %arg11: memref<10000x128xf32, #tpu.memory_space<vmem_shared>>, %arg12: memref<!tpu.dma_semaphore, #tpu.memory_space<semaphore_mem>>, %arg13: memref<!tpu.dma_semaphore, #tpu.memory_space<semaphore_mem>>) attributes {dimension_semantics = [#tpu.dimension_semantics<core_parallel>, #tpu.dimension_semantics<subcore_parallel>], iteration_bounds = array<i64: 2, 16>, scalar_prefetch = 0 : i64, scratch_operands = 7 : i64, tpu.core_type = #tpu.core_type<sc_vector_subcore>, window_params = [{transform_indices = #map}, {transform_indices = #map1}, {transform_indices = #map2}, {transform_indices = #map}, {transform_indices = #map2}]} {
    %mul3A = arith.constant 16 : i32
    %mul3A_0 = arith.muli %arg0, %mul3A : i32
    %add3A = arith.addi %mul3A_0, %arg1 : i32
    %mul3A_1 = arith.constant 10000 : i32
    %mul3A_2 = arith.muli %add3A, %mul3A_1 : i32
    "tpu.region"() ({
      %run_scoped3A_24 = tpu.sem_alloc : memref<!tpu.dma_semaphore, #tpu.memory_space<semaphore_mem>>
      %dma_start3A_25 = tpu.memref_slice %arg3[%mul3A_2] : memref<320000xi32, #tpu.memory_space<hbm>> -> memref<10000xi32, #tpu.memory_space<hbm>>
      %dma_start3A_26 = tpu.memref_slice %arg3[%mul3A_2] : memref<320000xi32, #tpu.memory_space<hbm>> -> memref<10000xi32, #tpu.memory_space<hbm>>
      tpu.enqueue_dma source(%dma_start3A_26 : memref<10000xi32, #tpu.memory_space<hbm>>) target(%arg7 : memref<10000xi32, #tpu.memory_space<vmem>>) target_semaphore(%run_scoped3A_24 : memref<!tpu.dma_semaphore, #tpu.memory_space<semaphore_mem>>)
      %dma_wait3A_27 = tpu.memref_slice %arg3[%mul3A_2] : memref<320000xi32, #tpu.memory_space<hbm>> -> memref<10000xi32, #tpu.memory_space<hbm>>
      %dma_wait3A_28 = tpu.memref_slice %arg3[%mul3A_2] : memref<320000xi32, #tpu.memory_space<hbm>> -> memref<10000xi32, #tpu.memory_space<hbm>>
      tpu.wait_dma2 semaphore(%run_scoped3A_24 : memref<!tpu.dma_semaphore, #tpu.memory_space<semaphore_mem>>) src(%dma_wait3A_28 : memref<10000xi32, #tpu.memory_space<hbm>>) dst(%arg7 : memref<10000xi32, #tpu.memory_space<vmem>>)
      tpu.yield
    }) : () -> ()
    "tpu.region"() ({
      %run_scoped3A_24 = tpu.sem_alloc : memref<!tpu.dma_semaphore, #tpu.memory_space<semaphore_mem>>
      %dma_start3A_25 = arith.constant 0 : i32
      %dma_start3A_26 = arith.constant 0 : i32
      %dma_start3A_27 = tpu.memref_slice %arg4[%add3A, %dma_start3A_25, %dma_start3A_26] : memref<32x125x80xi32, #tpu.memory_space<hbm>> -> memref<1x125x80xi32, #tpu.memory_space<hbm>>
      %dma_start3A_28 = tpu.memref_squeeze %dma_start3A_27 : memref<1x125x80xi32, #tpu.memory_space<hbm>> -> memref<125x80xi32, #tpu.memory_space<hbm>>
      %dma_start3A_29 = arith.constant 0 : i32
      %dma_start3A_30 = arith.constant 0 : i32
      %dma_start3A_31 = tpu.memref_slice %arg4[%add3A, %dma_start3A_29, %dma_start3A_30] : memref<32x125x80xi32, #tpu.memory_space<hbm>> -> memref<1x125x80xi32, #tpu.memory_space<hbm>>
      %dma_start3A_32 = tpu.memref_squeeze %dma_start3A_31 : memref<1x125x80xi32, #tpu.memory_space<hbm>> -> memref<125x80xi32, #tpu.memory_space<hbm>>
      tpu.enqueue_dma source(%dma_start3A_32 : memref<125x80xi32, #tpu.memory_space<hbm>>) target(%arg8 : memref<125x80xi32, #tpu.memory_space<vmem>>) target_semaphore(%run_scoped3A_24 : memref<!tpu.dma_semaphore, #tpu.memory_space<semaphore_mem>>)
      %dma_wait3A_33 = arith.constant 0 : i32
      %dma_wait3A_34 = arith.constant 0 : i32
      %dma_wait3A_35 = tpu.memref_slice %arg4[%add3A, %dma_wait3A_33, %dma_wait3A_34] : memref<32x125x80xi32, #tpu.memory_space<hbm>> -> memref<1x125x80xi32, #tpu.memory_space<hbm>>
      %dma_wait3A_36 = tpu.memref_squeeze %dma_wait3A_35 : memref<1x125x80xi32, #tpu.memory_space<hbm>> -> memref<125x80xi32, #tpu.memory_space<hbm>>
      %dma_wait3A_37 = arith.constant 0 : i32
      %dma_wait3A_38 = arith.constant 0 : i32
      %dma_wait3A_39 = tpu.memref_slice %arg4[%add3A, %dma_wait3A_37, %dma_wait3A_38] : memref<32x125x80xi32, #tpu.memory_space<hbm>> -> memref<1x125x80xi32, #tpu.memory_space<hbm>>
      %dma_wait3A_40 = tpu.memref_squeeze %dma_wait3A_39 : memref<1x125x80xi32, #tpu.memory_space<hbm>> -> memref<125x80xi32, #tpu.memory_space<hbm>>
      tpu.wait_dma2 semaphore(%run_scoped3A_24 : memref<!tpu.dma_semaphore, #tpu.memory_space<semaphore_mem>>) src(%dma_wait3A_40 : memref<125x80xi32, #tpu.memory_space<hbm>>) dst(%arg8 : memref<125x80xi32, #tpu.memory_space<vmem>>)
      tpu.yield
    }) : () -> ()
    %lt3A = arith.constant 10 : i32
    %lt3A_3 = arith.cmpi slt, %arg1, %lt3A : i32
    %convert_element_type3A = arith.extui %lt3A_3 : i1 to i32
    %cond3A = arith.constant 0 : i32
    %cond3A_4 = arith.cmpi ne, %convert_element_type3A, %cond3A : i32
    scf.if %cond3A_4 {
      %mul3A_24 = arith.constant 1000 : i32
      %mul3A_25 = arith.muli %arg1, %mul3A_24 : i32
      %mul3A_26 = arith.constant 1000 : i32
      %mul3A_27 = arith.muli %arg1, %mul3A_26 : i32
      "tpu.region"() ({
        %run_scoped3A_28 = tpu.sem_alloc : memref<!tpu.dma_semaphore, #tpu.memory_space<semaphore_mem>>
        %dma_start3A_29 = arith.constant 0 : i32
        %dma_start3A_30 = tpu.memref_slice %arg11[%mul3A_27, %dma_start3A_29] : memref<10000x128xf32, #tpu.memory_space<vmem_shared>> -> memref<1000x128xf32, #tpu.memory_space<vmem_shared>>
        %dma_start3A_31 = arith.constant 0 : i32
        %dma_start3A_32 = tpu.memref_slice %arg5[%mul3A_25, %dma_start3A_31] : memref<10000x128xf32, #tpu.memory_space<hbm>> -> memref<1000x128xf32, #tpu.memory_space<hbm>>
        tpu.enqueue_dma source(%dma_start3A_32 : memref<1000x128xf32, #tpu.memory_space<hbm>>) target(%dma_start3A_30 : memref<1000x128xf32, #tpu.memory_space<vmem_shared>>) target_semaphore(%run_scoped3A_28 : memref<!tpu.dma_semaphore, #tpu.memory_space<semaphore_mem>>)
        %dma_wait3A_33 = arith.constant 0 : i32
        %dma_wait3A_34 = tpu.memref_slice %arg11[%mul3A_27, %dma_wait3A_33] : memref<10000x128xf32, #tpu.memory_space<vmem_shared>> -> memref<1000x128xf32, #tpu.memory_space<vmem_shared>>
        %dma_wait3A_35 = arith.constant 0 : i32
        %dma_wait3A_36 = tpu.memref_slice %arg5[%mul3A_25, %dma_wait3A_35] : memref<10000x128xf32, #tpu.memory_space<hbm>> -> memref<1000x128xf32, #tpu.memory_space<hbm>>
        tpu.wait_dma2 semaphore(%run_scoped3A_28 : memref<!tpu.dma_semaphore, #tpu.memory_space<semaphore_mem>>) src(%dma_wait3A_36 : memref<1000x128xf32, #tpu.memory_space<hbm>>) dst(%dma_wait3A_34 : memref<1000x128xf32, #tpu.memory_space<vmem_shared>>)
        tpu.yield
      }) : () -> ()
    } else {
    }
    %dma_start3A = arith.constant 0 : i32
    %dma_start3A_5 = tpu.memref_slice %arg7[%dma_start3A] : memref<10000xi32, #tpu.memory_space<vmem>> -> memref<80xi32, #tpu.memory_space<vmem>>
    %dma_start3A_6 = arith.constant 0 : i32
    %dma_start3A_7 = arith.constant 0 : i32
    %dma_start3A_8 = tpu.memref_slice %arg2[%dma_start3A_6, %dma_start3A_7] : memref<10000x128xf32, #tpu.memory_space<hbm>> -> memref<10000x128xf32, #tpu.memory_space<hbm>>
    tpu.enqueue_indirect_dma source(%dma_start3A_8 : memref<10000x128xf32, #tpu.memory_space<hbm>>) target(%arg9 : memref<80x128xf32, #tpu.memory_space<vmem>>) offsets(%dma_start3A_5 : memref<80xi32, #tpu.memory_space<vmem>>) semaphore(%arg12 : memref<!tpu.dma_semaphore, #tpu.memory_space<semaphore_mem>>)
    %barrier3A = arith.constant 0 : index
    tpu.barrier barrier_id(%barrier3A)
    %scan3A = arith.constant 0 : i32
    %scan3A_9 = arith.constant 0 : i32
    %scan3A_10 = arith.constant 62 : i32
    %scan3A_11 = arith.addi %scan3A_9, %scan3A_10 : i32
    %scan3A_12 = arith.constant 1 : i32
    scf.for %scan3A_24 = %scan3A_9 to %scan3A_11 step %scan3A_12  : i32 {
      %mul3A_25 = arith.constant 2 : i32
      %mul3A_26 = arith.muli %scan3A_24, %mul3A_25 : i32
      %add3A_27 = arith.constant 0 : i32
      %add3A_28 = arith.addi %mul3A_26, %add3A_27 : i32
      %add3A_29 = arith.constant 1 : i32
      %add3A_30 = arith.addi %add3A_28, %add3A_29 : i32
      %lt3A_31 = arith.constant 125 : i32
      %lt3A_32 = arith.cmpi slt, %add3A_30, %lt3A_31 : i32
      %convert_element_type3A_33 = arith.extui %lt3A_32 : i1 to i32
      %cond3A_34 = arith.constant 0 : i32
      %cond3A_35 = arith.cmpi ne, %convert_element_type3A_33, %cond3A_34 : i32
      scf.if %cond3A_35 {
        %add3A_59 = arith.constant 1 : i32
        %add3A_60 = arith.addi %add3A_28, %add3A_59 : i32
        %mul3A_61 = arith.constant 80 : i32
        %mul3A_62 = arith.muli %add3A_60, %mul3A_61 : i32
        %dma_start3A_63 = tpu.memref_slice %arg7[%mul3A_62] : memref<10000xi32, #tpu.memory_space<vmem>> -> memref<80xi32, #tpu.memory_space<vmem>>
        %dma_start3A_64 = arith.constant 0 : i32
        %dma_start3A_65 = arith.constant 0 : i32
        %dma_start3A_66 = tpu.memref_slice %arg2[%dma_start3A_64, %dma_start3A_65] : memref<10000x128xf32, #tpu.memory_space<hbm>> -> memref<10000x128xf32, #tpu.memory_space<hbm>>
        tpu.enqueue_indirect_dma source(%dma_start3A_66 : memref<10000x128xf32, #tpu.memory_space<hbm>>) target(%arg10 : memref<80x128xf32, #tpu.memory_space<vmem>>) offsets(%dma_start3A_63 : memref<80xi32, #tpu.memory_space<vmem>>) semaphore(%arg13 : memref<!tpu.dma_semaphore, #tpu.memory_space<semaphore_mem>>)
      } else {
      }
      %mul3A_36 = arith.constant 80 : i32
      %mul3A_37 = arith.muli %add3A_28, %mul3A_36 : i32
      %dma_wait3A_38 = tpu.memref_slice %arg7[%mul3A_37] : memref<10000xi32, #tpu.memory_space<vmem>> -> memref<80xi32, #tpu.memory_space<vmem>>
      %dma_wait3A_39 = arith.constant 0 : i32
      %dma_wait3A_40 = arith.constant 0 : i32
      %dma_wait3A_41 = tpu.memref_slice %arg2[%dma_wait3A_39, %dma_wait3A_40] : memref<10000x128xf32, #tpu.memory_space<hbm>> -> memref<10000x128xf32, #tpu.memory_space<hbm>>
      tpu.wait_indirect_dma semaphore(%arg12 : memref<!tpu.dma_semaphore, #tpu.memory_space<semaphore_mem>>) src(%dma_wait3A_41 : memref<10000x128xf32, #tpu.memory_space<hbm>>) dst(%arg9 : memref<80x128xf32, #tpu.memory_space<vmem>>)
      "tpu.region"() ({
        %run_scoped3A_59 = tpu.sem_alloc : memref<!tpu.dma_semaphore, #tpu.memory_space<semaphore_mem>>
        %dma_start3A_60 = arith.constant 0 : i32
        %dma_start3A_61 = tpu.memref_slice %arg8[%add3A_28, %dma_start3A_60] : memref<125x80xi32, #tpu.memory_space<vmem>> -> memref<1x80xi32, #tpu.memory_space<vmem>>
        %dma_start3A_62 = tpu.memref_squeeze %dma_start3A_61 : memref<1x80xi32, #tpu.memory_space<vmem>> -> memref<80xi32, #tpu.memory_space<vmem>>
        %dma_start3A_63 = arith.constant 0 : i32
        %dma_start3A_64 = arith.constant 0 : i32
        %dma_start3A_65 = tpu.memref_slice %arg11[%dma_start3A_63, %dma_start3A_64] : memref<10000x128xf32, #tpu.memory_space<vmem_shared>> -> memref<10000x128xf32, #tpu.memory_space<vmem_shared>>
        tpu.enqueue_indirect_dma source(%arg9 : memref<80x128xf32, #tpu.memory_space<vmem>>) target(%dma_start3A_65 : memref<10000x128xf32, #tpu.memory_space<vmem_shared>>) offsets(%dma_start3A_62 : memref<80xi32, #tpu.memory_space<vmem>>) semaphore(%run_scoped3A_59 : memref<!tpu.dma_semaphore, #tpu.memory_space<semaphore_mem>>) {add = true}
        %dma_wait3A_66 = arith.constant 0 : i32
        %dma_wait3A_67 = tpu.memref_slice %arg8[%add3A_28, %dma_wait3A_66] : memref<125x80xi32, #tpu.memory_space<vmem>> -> memref<1x80xi32, #tpu.memory_space<vmem>>
        %dma_wait3A_68 = tpu.memref_squeeze %dma_wait3A_67 : memref<1x80xi32, #tpu.memory_space<vmem>> -> memref<80xi32, #tpu.memory_space<vmem>>
        %dma_wait3A_69 = arith.constant 0 : i32
        %dma_wait3A_70 = arith.constant 0 : i32
        %dma_wait3A_71 = tpu.memref_slice %arg11[%dma_wait3A_69, %dma_wait3A_70] : memref<10000x128xf32, #tpu.memory_space<vmem_shared>> -> memref<10000x128xf32, #tpu.memory_space<vmem_shared>>
        tpu.wait_indirect_dma semaphore(%run_scoped3A_59 : memref<!tpu.dma_semaphore, #tpu.memory_space<semaphore_mem>>) src(%arg9 : memref<80x128xf32, #tpu.memory_space<vmem>>) dst(%dma_wait3A_71 : memref<10000x128xf32, #tpu.memory_space<vmem_shared>>)
        tpu.yield
      }) : () -> ()
      %mul3A_42 = arith.constant 2 : i32
      %mul3A_43 = arith.muli %scan3A_24, %mul3A_42 : i32
      %add3A_44 = arith.constant 1 : i32
      %add3A_45 = arith.addi %mul3A_43, %add3A_44 : i32
      %add3A_46 = arith.constant 1 : i32
      %add3A_47 = arith.addi %add3A_45, %add3A_46 : i32
      %lt3A_48 = arith.constant 125 : i32
      %lt3A_49 = arith.cmpi slt, %add3A_47, %lt3A_48 : i32
      %convert_element_type3A_50 = arith.extui %lt3A_49 : i1 to i32
      %cond3A_51 = arith.constant 0 : i32
      %cond3A_52 = arith.cmpi ne, %convert_element_type3A_50, %cond3A_51 : i32
      scf.if %cond3A_52 {
        %add3A_59 = arith.constant 1 : i32
        %add3A_60 = arith.addi %add3A_45, %add3A_59 : i32
        %mul3A_61 = arith.constant 80 : i32
        %mul3A_62 = arith.muli %add3A_60, %mul3A_61 : i32
        %dma_start3A_63 = tpu.memref_slice %arg7[%mul3A_62] : memref<10000xi32, #tpu.memory_space<vmem>> -> memref<80xi32, #tpu.memory_space<vmem>>
        %dma_start3A_64 = arith.constant 0 : i32
        %dma_start3A_65 = arith.constant 0 : i32
        %dma_start3A_66 = tpu.memref_slice %arg2[%dma_start3A_64, %dma_start3A_65] : memref<10000x128xf32, #tpu.memory_space<hbm>> -> memref<10000x128xf32, #tpu.memory_space<hbm>>
        tpu.enqueue_indirect_dma source(%dma_start3A_66 : memref<10000x128xf32, #tpu.memory_space<hbm>>) target(%arg9 : memref<80x128xf32, #tpu.memory_space<vmem>>) offsets(%dma_start3A_63 : memref<80xi32, #tpu.memory_space<vmem>>) semaphore(%arg12 : memref<!tpu.dma_semaphore, #tpu.memory_space<semaphore_mem>>)
      } else {
      }
      %mul3A_53 = arith.constant 80 : i32
      %mul3A_54 = arith.muli %add3A_45, %mul3A_53 : i32
      %dma_wait3A_55 = tpu.memref_slice %arg7[%mul3A_54] : memref<10000xi32, #tpu.memory_space<vmem>> -> memref<80xi32, #tpu.memory_space<vmem>>
      %dma_wait3A_56 = arith.constant 0 : i32
      %dma_wait3A_57 = arith.constant 0 : i32
      %dma_wait3A_58 = tpu.memref_slice %arg2[%dma_wait3A_56, %dma_wait3A_57] : memref<10000x128xf32, #tpu.memory_space<hbm>> -> memref<10000x128xf32, #tpu.memory_space<hbm>>
      tpu.wait_indirect_dma semaphore(%arg13 : memref<!tpu.dma_semaphore, #tpu.memory_space<semaphore_mem>>) src(%dma_wait3A_58 : memref<10000x128xf32, #tpu.memory_space<hbm>>) dst(%arg10 : memref<80x128xf32, #tpu.memory_space<vmem>>)
      "tpu.region"() ({
        %run_scoped3A_59 = tpu.sem_alloc : memref<!tpu.dma_semaphore, #tpu.memory_space<semaphore_mem>>
        %dma_start3A_60 = arith.constant 0 : i32
        %dma_start3A_61 = tpu.memref_slice %arg8[%add3A_45, %dma_start3A_60] : memref<125x80xi32, #tpu.memory_space<vmem>> -> memref<1x80xi32, #tpu.memory_space<vmem>>
        %dma_start3A_62 = tpu.memref_squeeze %dma_start3A_61 : memref<1x80xi32, #tpu.memory_space<vmem>> -> memref<80xi32, #tpu.memory_space<vmem>>
        %dma_start3A_63 = arith.constant 0 : i32
        %dma_start3A_64 = arith.constant 0 : i32
        %dma_start3A_65 = tpu.memref_slice %arg11[%dma_start3A_63, %dma_start3A_64] : memref<10000x128xf32, #tpu.memory_space<vmem_shared>> -> memref<10000x128xf32, #tpu.memory_space<vmem_shared>>
        tpu.enqueue_indirect_dma source(%arg10 : memref<80x128xf32, #tpu.memory_space<vmem>>) target(%dma_start3A_65 : memref<10000x128xf32, #tpu.memory_space<vmem_shared>>) offsets(%dma_start3A_62 : memref<80xi32, #tpu.memory_space<vmem>>) semaphore(%run_scoped3A_59 : memref<!tpu.dma_semaphore, #tpu.memory_space<semaphore_mem>>) {add = true}
        %dma_wait3A_66 = arith.constant 0 : i32
        %dma_wait3A_67 = tpu.memref_slice %arg8[%add3A_45, %dma_wait3A_66] : memref<125x80xi32, #tpu.memory_space<vmem>> -> memref<1x80xi32, #tpu.memory_space<vmem>>
        %dma_wait3A_68 = tpu.memref_squeeze %dma_wait3A_67 : memref<1x80xi32, #tpu.memory_space<vmem>> -> memref<80xi32, #tpu.memory_space<vmem>>
        %dma_wait3A_69 = arith.constant 0 : i32
        %dma_wait3A_70 = arith.constant 0 : i32
        %dma_wait3A_71 = tpu.memref_slice %arg11[%dma_wait3A_69, %dma_wait3A_70] : memref<10000x128xf32, #tpu.memory_space<vmem_shared>> -> memref<10000x128xf32, #tpu.memory_space<vmem_shared>>
        tpu.wait_indirect_dma semaphore(%run_scoped3A_59 : memref<!tpu.dma_semaphore, #tpu.memory_space<semaphore_mem>>) src(%arg10 : memref<80x128xf32, #tpu.memory_space<vmem>>) dst(%dma_wait3A_71 : memref<10000x128xf32, #tpu.memory_space<vmem_shared>>)
        tpu.yield
      }) : () -> ()
    }
    %scan3A_13 = arith.constant 62 : i32
    %dma_wait3A = arith.constant 9920 : i32
    %dma_wait3A_14 = tpu.memref_slice %arg7[%dma_wait3A] : memref<10000xi32, #tpu.memory_space<vmem>> -> memref<80xi32, #tpu.memory_space<vmem>>
    %dma_wait3A_15 = arith.constant 0 : i32
    %dma_wait3A_16 = arith.constant 0 : i32
    %dma_wait3A_17 = tpu.memref_slice %arg2[%dma_wait3A_15, %dma_wait3A_16] : memref<10000x128xf32, #tpu.memory_space<hbm>> -> memref<10000x128xf32, #tpu.memory_space<hbm>>
    tpu.wait_indirect_dma semaphore(%arg12 : memref<!tpu.dma_semaphore, #tpu.memory_space<semaphore_mem>>) src(%dma_wait3A_17 : memref<10000x128xf32, #tpu.memory_space<hbm>>) dst(%arg9 : memref<80x128xf32, #tpu.memory_space<vmem>>)
    %run_scoped3A = arith.constant 124 : i32
    "tpu.region"() ({
      %run_scoped3A_24 = tpu.sem_alloc : memref<!tpu.dma_semaphore, #tpu.memory_space<semaphore_mem>>
      %dma_start3A_25 = arith.constant 0 : i32
      %dma_start3A_26 = tpu.memref_slice %arg8[%run_scoped3A, %dma_start3A_25] : memref<125x80xi32, #tpu.memory_space<vmem>> -> memref<1x80xi32, #tpu.memory_space<vmem>>
      %dma_start3A_27 = tpu.memref_squeeze %dma_start3A_26 : memref<1x80xi32, #tpu.memory_space<vmem>> -> memref<80xi32, #tpu.memory_space<vmem>>
      %dma_start3A_28 = arith.constant 0 : i32
      %dma_start3A_29 = arith.constant 0 : i32
      %dma_start3A_30 = tpu.memref_slice %arg11[%dma_start3A_28, %dma_start3A_29] : memref<10000x128xf32, #tpu.memory_space<vmem_shared>> -> memref<10000x128xf32, #tpu.memory_space<vmem_shared>>
      tpu.enqueue_indirect_dma source(%arg9 : memref<80x128xf32, #tpu.memory_space<vmem>>) target(%dma_start3A_30 : memref<10000x128xf32, #tpu.memory_space<vmem_shared>>) offsets(%dma_start3A_27 : memref<80xi32, #tpu.memory_space<vmem>>) semaphore(%run_scoped3A_24 : memref<!tpu.dma_semaphore, #tpu.memory_space<semaphore_mem>>) {add = true}
      %dma_wait3A_31 = arith.constant 0 : i32
      %dma_wait3A_32 = tpu.memref_slice %arg8[%run_scoped3A, %dma_wait3A_31] : memref<125x80xi32, #tpu.memory_space<vmem>> -> memref<1x80xi32, #tpu.memory_space<vmem>>
      %dma_wait3A_33 = tpu.memref_squeeze %dma_wait3A_32 : memref<1x80xi32, #tpu.memory_space<vmem>> -> memref<80xi32, #tpu.memory_space<vmem>>
      %dma_wait3A_34 = arith.constant 0 : i32
      %dma_wait3A_35 = arith.constant 0 : i32
      %dma_wait3A_36 = tpu.memref_slice %arg11[%dma_wait3A_34, %dma_wait3A_35] : memref<10000x128xf32, #tpu.memory_space<vmem_shared>> -> memref<10000x128xf32, #tpu.memory_space<vmem_shared>>
      tpu.wait_indirect_dma semaphore(%run_scoped3A_24 : memref<!tpu.dma_semaphore, #tpu.memory_space<semaphore_mem>>) src(%arg9 : memref<80x128xf32, #tpu.memory_space<vmem>>) dst(%dma_wait3A_36 : memref<10000x128xf32, #tpu.memory_space<vmem_shared>>)
      tpu.yield
    }) : () -> ()
    %barrier3A_18 = arith.constant 0 : index
    tpu.barrier barrier_id(%barrier3A_18)
    %lt3A_19 = arith.constant 10 : i32
    %lt3A_20 = arith.cmpi slt, %arg1, %lt3A_19 : i32
    %convert_element_type3A_21 = arith.extui %lt3A_20 : i1 to i32
    %cond3A_22 = arith.constant 0 : i32
    %cond3A_23 = arith.cmpi ne, %convert_element_type3A_21, %cond3A_22 : i32
    scf.if %cond3A_23 {
      %mul3A_24 = arith.constant 1000 : i32
      %mul3A_25 = arith.muli %arg1, %mul3A_24 : i32
      %mul3A_26 = arith.constant 1000 : i32
      %mul3A_27 = arith.muli %arg1, %mul3A_26 : i32
      "tpu.region"() ({
        %run_scoped3A_28 = tpu.sem_alloc : memref<!tpu.dma_semaphore, #tpu.memory_space<semaphore_mem>>
        %dma_start3A_29 = arith.constant 0 : i32
        %dma_start3A_30 = tpu.memref_slice %arg6[%arg0, %mul3A_27, %dma_start3A_29] : memref<2x10000x128xf32, #tpu.memory_space<hbm>> -> memref<1x1000x128xf32, #tpu.memory_space<hbm>>
        %dma_start3A_31 = tpu.memref_squeeze %dma_start3A_30 : memref<1x1000x128xf32, #tpu.memory_space<hbm>> -> memref<1000x128xf32, #tpu.memory_space<hbm>>
        %dma_start3A_32 = arith.constant 0 : i32
        %dma_start3A_33 = tpu.memref_slice %arg11[%mul3A_25, %dma_start3A_32] : memref<10000x128xf32, #tpu.memory_space<vmem_shared>> -> memref<1000x128xf32, #tpu.memory_space<vmem_shared>>
        tpu.enqueue_dma source(%dma_start3A_33 : memref<1000x128xf32, #tpu.memory_space<vmem_shared>>) target(%dma_start3A_31 : memref<1000x128xf32, #tpu.memory_space<hbm>>) target_semaphore(%run_scoped3A_28 : memref<!tpu.dma_semaphore, #tpu.memory_space<semaphore_mem>>)
        %dma_wait3A_34 = arith.constant 0 : i32
        %dma_wait3A_35 = tpu.memref_slice %arg6[%arg0, %mul3A_27, %dma_wait3A_34] : memref<2x10000x128xf32, #tpu.memory_space<hbm>> -> memref<1x1000x128xf32, #tpu.memory_space<hbm>>
        %dma_wait3A_36 = tpu.memref_squeeze %dma_wait3A_35 : memref<1x1000x128xf32, #tpu.memory_space<hbm>> -> memref<1000x128xf32, #tpu.memory_space<hbm>>
        %dma_wait3A_37 = arith.constant 0 : i32
        %dma_wait3A_38 = tpu.memref_slice %arg11[%mul3A_25, %dma_wait3A_37] : memref<10000x128xf32, #tpu.memory_space<vmem_shared>> -> memref<1000x128xf32, #tpu.memory_space<vmem_shared>>
        tpu.wait_dma2 semaphore(%run_scoped3A_28 : memref<!tpu.dma_semaphore, #tpu.memory_space<semaphore_mem>>) src(%dma_wait3A_38 : memref<1000x128xf32, #tpu.memory_space<vmem_shared>>) dst(%dma_wait3A_36 : memref<1000x128xf32, #tpu.memory_space<hbm>>)
        tpu.yield
      }) : () -> ()
    } else {
    }
    return
  }
}

module attributes {stable_mosaic.version = 14 : i64} {
  func.func @_pre_body(%arg0: memref<10000x128xf32, #tpu.memory_space<vmem>>, %arg1: memref<128x128xf32, #tpu.memory_space<vmem>>, %arg2: memref<2x10000x128xf32, #tpu.memory_space<vmem>>, %arg3: memref<10000x128xf32, #tpu.memory_space<vmem>>, %arg4: memref<10000x1xf32, #tpu.memory_space<vmem>>) attributes {dimension_semantics = [], scalar_prefetch = 0 : i64, scratch_operands = 0 : i64, tpu.core_type = #tpu.core_type<tc>} {
    %get3A = arith.constant 0 : index
    %get3A_0 = arith.constant 0 : index
    %get3A_1 = arith.constant 0 : index
    %get3A_2 = vector.load %arg2[%get3A, %get3A_0, %get3A_1] : memref<2x10000x128xf32, #tpu.memory_space<vmem>>, vector<1x10000x1xf32>
    %get3A_3 = vector.shape_cast %get3A_2 : vector<1x10000x1xf32> to vector<10000x1xf32>
    %get3A_4 = arith.constant 1 : index
    %get3A_5 = arith.constant 0 : index
    %get3A_6 = arith.constant 0 : index
    %get3A_7 = vector.load %arg2[%get3A_4, %get3A_5, %get3A_6] : memref<2x10000x128xf32, #tpu.memory_space<vmem>>, vector<1x10000x1xf32>
    %get3A_8 = vector.shape_cast %get3A_7 : vector<1x10000x1xf32> to vector<10000x1xf32>
    %add3A = arith.addf %get3A_3, %get3A_8 : vector<10000x1xf32>
    %add3A_9 = arith.constant 1.000000e+00 : f32
    %add3A_10 = vector.broadcast %add3A_9 : f32 to vector<10000x1xf32>
    %add3A_11 = arith.addf %add3A, %add3A_10 : vector<10000x1xf32>
    %sqrt3A = math.sqrt %add3A_11 : vector<10000x1xf32>
    %div3A = arith.constant 1.000000e+00 : f32
    %div3A_12 = vector.broadcast %div3A : f32 to vector<10000x1xf32>
    %div3A_13 = arith.divf %div3A_12, %sqrt3A : vector<10000x1xf32>
    %swap3A = arith.constant 0 : index
    %swap3A_14 = arith.constant 0 : index
    %swap3A_15 = vector.load %arg4[%swap3A, %swap3A_14] : memref<10000x1xf32, #tpu.memory_space<vmem>>, vector<10000x1xf32>
    tpu.vector_store %arg4[%swap3A, %swap3A_14], %div3A_13 {strides = array<i32>} : memref<10000x1xf32, #tpu.memory_space<vmem>>, vector<10000x1xf32>,
    %get3A_16 = arith.constant 0 : index
    %get3A_17 = arith.constant 0 : index
    %get3A_18 = vector.load %arg0[%get3A_16, %get3A_17] : memref<10000x128xf32, #tpu.memory_space<vmem>>, vector<10000x128xf32>
    %get3A_19 = arith.constant 0 : index
    %get3A_20 = arith.constant 0 : index
    %get3A_21 = vector.load %arg1[%get3A_19, %get3A_20] : memref<128x128xf32, #tpu.memory_space<vmem>>, vector<128x128xf32>
    %dot_general3A = arith.constant dense<0.000000e+00> : vector<10000x128xf32>
    %dot_general3A_22 = tpu.matmul %get3A_18, %get3A_21, %dot_general3A {dimension_numbers = #tpu.dot_dimension_numbers<[1], [0], [0], [1], [0, 0, 1, 1], [], []>, transpose_lhs_hint = false} : vector<10000x128xf32>, vector<128x128xf32>, vector<10000x128xf32> -> vector<10000x128xf32>
    %mul3A = vector.broadcast %div3A_13 : vector<10000x1xf32> to vector<10000x128xf32>
    %mul3A_23 = arith.mulf %mul3A, %dot_general3A_22 : vector<10000x128xf32>
    %swap3A_24 = arith.constant 0 : index
    %swap3A_25 = arith.constant 0 : index
    %swap3A_26 = vector.load %arg3[%swap3A_24, %swap3A_25] : memref<10000x128xf32, #tpu.memory_space<vmem>>, vector<10000x128xf32>
    tpu.vector_store %arg3[%swap3A_24, %swap3A_25], %mul3A_23 {strides = array<i32>} : memref<10000x128xf32, #tpu.memory_space<vmem>>, vector<10000x128xf32>,
    return
  }
}

module attributes {stable_mosaic.version = 14 : i64} {
  func.func @_block_body(%arg0: memref<2x10000x128xf32, #tpu.memory_space<vmem>>, %arg1: memref<10000x128xf32, #tpu.memory_space<vmem>>, %arg2: memref<10000x1xf32, #tpu.memory_space<vmem>>, %arg3: memref<1x128xf32, #tpu.memory_space<vmem>>, %arg4: memref<1x128xf32, #tpu.memory_space<vmem>>, %arg5: memref<1x128xf32, #tpu.memory_space<vmem>>, %arg6: memref<128x128xf32, #tpu.memory_space<vmem>>, %arg7: memref<10000x128xf32, #tpu.memory_space<vmem>>) attributes {dimension_semantics = [], scalar_prefetch = 0 : i64, scratch_operands = 0 : i64, tpu.core_type = #tpu.core_type<tc>} {
    %get3A = arith.constant 0 : index
    %get3A_0 = arith.constant 0 : index
    %get3A_1 = vector.load %arg2[%get3A, %get3A_0] : memref<10000x1xf32, #tpu.memory_space<vmem>>, vector<10000x1xf32>
    %get3A_2 = arith.constant 0 : index
    %get3A_3 = arith.constant 0 : index
    %get3A_4 = arith.constant 0 : index
    %get3A_5 = vector.load %arg0[%get3A_2, %get3A_3, %get3A_4] : memref<2x10000x128xf32, #tpu.memory_space<vmem>>, vector<1x10000x128xf32>
    %get3A_6 = vector.shape_cast %get3A_5 : vector<1x10000x128xf32> to vector<10000x128xf32>
    %get3A_7 = arith.constant 1 : index
    %get3A_8 = arith.constant 0 : index
    %get3A_9 = arith.constant 0 : index
    %get3A_10 = vector.load %arg0[%get3A_7, %get3A_8, %get3A_9] : memref<2x10000x128xf32, #tpu.memory_space<vmem>>, vector<1x10000x128xf32>
    %get3A_11 = vector.shape_cast %get3A_10 : vector<1x10000x128xf32> to vector<10000x128xf32>
    %add3A = arith.addf %get3A_6, %get3A_11 : vector<10000x128xf32>
    %get3A_12 = arith.constant 0 : index
    %get3A_13 = arith.constant 0 : index
    %get3A_14 = vector.load %arg1[%get3A_12, %get3A_13] : memref<10000x128xf32, #tpu.memory_space<vmem>>, vector<10000x128xf32>
    %add3A_15 = arith.addf %add3A, %get3A_14 : vector<10000x128xf32>
    %mul3A = vector.broadcast %get3A_1 : vector<10000x1xf32> to vector<10000x128xf32>
    %mul3A_16 = arith.mulf %mul3A, %add3A_15 : vector<10000x128xf32>
    %get3A_17 = arith.constant 0 : index
    %get3A_18 = arith.constant 0 : index
    %get3A_19 = vector.load %arg3[%get3A_17, %get3A_18] : memref<1x128xf32, #tpu.memory_space<vmem>>, vector<1x128xf32>
    %add3A_20 = vector.broadcast %get3A_19 : vector<1x128xf32> to vector<10000x128xf32>
    %add3A_21 = arith.addf %mul3A_16, %add3A_20 : vector<10000x128xf32>
    %reduce_sum3A = arith.constant dense<0.000000e+00> : vector<128xf32>
    %reduce_sum3A_22 = vector.multi_reduction <add>, %add3A_21, %reduce_sum3A [0] : vector<10000x128xf32> to vector<128xf32>
    %broadcast_in_dim3A = vector.shape_cast %reduce_sum3A_22 : vector<128xf32> to vector<1x128xf32>
    %div3A = arith.constant 1.000000e+04 : f32
    %div3A_23 = vector.broadcast %div3A : f32 to vector<1x128xf32>
    %div3A_24 = arith.divf %broadcast_in_dim3A, %div3A_23 : vector<1x128xf32>
    %sub3A = vector.broadcast %div3A_24 : vector<1x128xf32> to vector<10000x128xf32>
    %sub3A_25 = arith.subf %add3A_21, %sub3A : vector<10000x128xf32>
    %sub3A_26 = vector.broadcast %div3A_24 : vector<1x128xf32> to vector<10000x128xf32>
    %sub3A_27 = arith.subf %add3A_21, %sub3A_26 : vector<10000x128xf32>
    %mul3A_28 = arith.mulf %sub3A_25, %sub3A_27 : vector<10000x128xf32>
    %reduce_sum3A_29 = arith.constant dense<0.000000e+00> : vector<128xf32>
    %reduce_sum3A_30 = vector.multi_reduction <add>, %mul3A_28, %reduce_sum3A_29 [0] : vector<10000x128xf32> to vector<128xf32>
    %broadcast_in_dim3A_31 = vector.shape_cast %reduce_sum3A_30 : vector<128xf32> to vector<1x128xf32>
    %div3A_32 = arith.constant 1.000000e+04 : f32
    %div3A_33 = vector.broadcast %div3A_32 : f32 to vector<1x128xf32>
    %div3A_34 = arith.divf %broadcast_in_dim3A_31, %div3A_33 : vector<1x128xf32>
    %sub3A_35 = vector.broadcast %div3A_24 : vector<1x128xf32> to vector<10000x128xf32>
    %sub3A_36 = arith.subf %add3A_21, %sub3A_35 : vector<10000x128xf32>
    %add3A_37 = arith.constant 9.99999974E-6 : f32
    %add3A_38 = vector.broadcast %add3A_37 : f32 to vector<1x128xf32>
    %add3A_39 = arith.addf %div3A_34, %add3A_38 : vector<1x128xf32>
    %sqrt3A = math.sqrt %add3A_39 : vector<1x128xf32>
    %div3A_40 = vector.broadcast %sqrt3A : vector<1x128xf32> to vector<10000x128xf32>
    %div3A_41 = arith.divf %sub3A_36, %div3A_40 : vector<10000x128xf32>
    %get3A_42 = arith.constant 0 : index
    %get3A_43 = arith.constant 0 : index
    %get3A_44 = vector.load %arg4[%get3A_42, %get3A_43] : memref<1x128xf32, #tpu.memory_space<vmem>>, vector<1x128xf32>
    %mul3A_45 = vector.broadcast %get3A_44 : vector<1x128xf32> to vector<10000x128xf32>
    %mul3A_46 = arith.mulf %div3A_41, %mul3A_45 : vector<10000x128xf32>
    %get3A_47 = arith.constant 0 : index
    %get3A_48 = arith.constant 0 : index
    %get3A_49 = vector.load %arg5[%get3A_47, %get3A_48] : memref<1x128xf32, #tpu.memory_space<vmem>>, vector<1x128xf32>
    %add3A_50 = vector.broadcast %get3A_49 : vector<1x128xf32> to vector<10000x128xf32>
    %add3A_51 = arith.addf %mul3A_46, %add3A_50 : vector<10000x128xf32>
    %max3A = arith.constant 0.000000e+00 : f32
    %max3A_52 = vector.broadcast %max3A : f32 to vector<10000x128xf32>
    %max3A_53 = arith.maximumf %add3A_51, %max3A_52 : vector<10000x128xf32>
    %get3A_54 = arith.constant 0 : index
    %get3A_55 = arith.constant 0 : index
    %get3A_56 = vector.load %arg6[%get3A_54, %get3A_55] : memref<128x128xf32, #tpu.memory_space<vmem>>, vector<128x128xf32>
    %dot_general3A = arith.constant dense<0.000000e+00> : vector<10000x128xf32>
    %dot_general3A_57 = tpu.matmul %max3A_53, %get3A_56, %dot_general3A {dimension_numbers = #tpu.dot_dimension_numbers<[1], [0], [0], [1], [0, 0, 1, 1], [], []>, transpose_lhs_hint = false} : vector<10000x128xf32>, vector<128x128xf32>, vector<10000x128xf32> -> vector<10000x128xf32>
    %mul3A_58 = vector.broadcast %get3A_1 : vector<10000x1xf32> to vector<10000x128xf32>
    %mul3A_59 = arith.mulf %mul3A_58, %dot_general3A_57 : vector<10000x128xf32>
    %swap3A = arith.constant 0 : index
    %swap3A_60 = arith.constant 0 : index
    %swap3A_61 = vector.load %arg7[%swap3A, %swap3A_60] : memref<10000x128xf32, #tpu.memory_space<vmem>>, vector<10000x128xf32>
    tpu.vector_store %arg7[%swap3A, %swap3A_60], %mul3A_59 {strides = array<i32>} : memref<10000x128xf32, #tpu.memory_space<vmem>>, vector<10000x128xf32>,
    return
  }
}

module attributes {stable_mosaic.version = 14 : i64} {
  func.func @_final_body(%arg0: memref<2x10000x128xf32, #tpu.memory_space<vmem>>, %arg1: memref<10000x128xf32, #tpu.memory_space<vmem>>, %arg2: memref<10000x1xf32, #tpu.memory_space<vmem>>, %arg3: memref<128x128xf32, #tpu.memory_space<vmem>>, %arg4: memref<1x128xf32, #tpu.memory_space<vmem>>, %arg5: memref<128x12xf32, #tpu.memory_space<vmem>>, %arg6: memref<1x12xf32, #tpu.memory_space<vmem>>, %arg7: memref<128x128xf32, #tpu.memory_space<vmem>>, %arg8: memref<1x128xf32, #tpu.memory_space<vmem>>, %arg9: memref<128x128xf32, #tpu.memory_space<vmem>>, %arg10: memref<1x128xf32, #tpu.memory_space<vmem>>, %arg11: memref<128x3xf32, #tpu.memory_space<vmem>>, %arg12: memref<1x3xf32, #tpu.memory_space<vmem>>, %arg13: memref<10x12xf32, #tpu.memory_space<vmem>>, %arg14: memref<10000x3xf32, #tpu.memory_space<vmem>>) attributes {dimension_semantics = [], scalar_prefetch = 0 : i64, scratch_operands = 0 : i64, tpu.core_type = #tpu.core_type<tc>} {
    %get3A = arith.constant 0 : index
    %get3A_0 = arith.constant 0 : index
    %get3A_1 = vector.load %arg2[%get3A, %get3A_0] : memref<10000x1xf32, #tpu.memory_space<vmem>>, vector<10000x1xf32>
    %get3A_2 = arith.constant 0 : index
    %get3A_3 = arith.constant 0 : index
    %get3A_4 = arith.constant 0 : index
    %get3A_5 = vector.load %arg0[%get3A_2, %get3A_3, %get3A_4] : memref<2x10000x128xf32, #tpu.memory_space<vmem>>, vector<1x10000x128xf32>
    %get3A_6 = vector.shape_cast %get3A_5 : vector<1x10000x128xf32> to vector<10000x128xf32>
    %get3A_7 = arith.constant 1 : index
    %get3A_8 = arith.constant 0 : index
    %get3A_9 = arith.constant 0 : index
    %get3A_10 = vector.load %arg0[%get3A_7, %get3A_8, %get3A_9] : memref<2x10000x128xf32, #tpu.memory_space<vmem>>, vector<1x10000x128xf32>
    %get3A_11 = vector.shape_cast %get3A_10 : vector<1x10000x128xf32> to vector<10000x128xf32>
    %add3A = arith.addf %get3A_6, %get3A_11 : vector<10000x128xf32>
    %get3A_12 = arith.constant 0 : index
    %get3A_13 = arith.constant 0 : index
    %get3A_14 = vector.load %arg1[%get3A_12, %get3A_13] : memref<10000x128xf32, #tpu.memory_space<vmem>>, vector<10000x128xf32>
    %add3A_15 = arith.addf %add3A, %get3A_14 : vector<10000x128xf32>
    %mul3A = vector.broadcast %get3A_1 : vector<10000x1xf32> to vector<10000x128xf32>
    %mul3A_16 = arith.mulf %mul3A, %add3A_15 : vector<10000x128xf32>
    %slice3A = vector.extract_strided_slice %mul3A_16 {offsets = [0, 0], sizes = [1000, 128], strides = [1, 1]} : vector<10000x128xf32> to vector<1000x128xf32>
    %reduce_sum3A = arith.constant dense<0.000000e+00> : vector<128xf32>
    %reduce_sum3A_17 = vector.multi_reduction <add>, %slice3A, %reduce_sum3A [0] : vector<1000x128xf32> to vector<128xf32>
    %broadcast_in_dim3A = vector.shape_cast %reduce_sum3A_17 : vector<128xf32> to vector<1x128xf32>
    %div3A = arith.constant 1.000000e+03 : f32
    %div3A_18 = vector.broadcast %div3A : f32 to vector<1x128xf32>
    %div3A_19 = arith.divf %broadcast_in_dim3A, %div3A_18 : vector<1x128xf32>
    %slice3A_20 = vector.extract_strided_slice %mul3A_16 {offsets = [1000, 0], sizes = [1000, 128], strides = [1, 1]} : vector<10000x128xf32> to vector<1000x128xf32>
    %reduce_sum3A_21 = arith.constant dense<0.000000e+00> : vector<128xf32>
    %reduce_sum3A_22 = vector.multi_reduction <add>, %slice3A_20, %reduce_sum3A_21 [0] : vector<1000x128xf32> to vector<128xf32>
    %broadcast_in_dim3A_23 = vector.shape_cast %reduce_sum3A_22 : vector<128xf32> to vector<1x128xf32>
    %div3A_24 = arith.constant 1.000000e+03 : f32
    %div3A_25 = vector.broadcast %div3A_24 : f32 to vector<1x128xf32>
    %div3A_26 = arith.divf %broadcast_in_dim3A_23, %div3A_25 : vector<1x128xf32>
    %slice3A_27 = vector.extract_strided_slice %mul3A_16 {offsets = [2000, 0], sizes = [1000, 128], strides = [1, 1]} : vector<10000x128xf32> to vector<1000x128xf32>
    %reduce_sum3A_28 = arith.constant dense<0.000000e+00> : vector<128xf32>
    %reduce_sum3A_29 = vector.multi_reduction <add>, %slice3A_27, %reduce_sum3A_28 [0] : vector<1000x128xf32> to vector<128xf32>
    %broadcast_in_dim3A_30 = vector.shape_cast %reduce_sum3A_29 : vector<128xf32> to vector<1x128xf32>
    %div3A_31 = arith.constant 1.000000e+03 : f32
    %div3A_32 = vector.broadcast %div3A_31 : f32 to vector<1x128xf32>
    %div3A_33 = arith.divf %broadcast_in_dim3A_30, %div3A_32 : vector<1x128xf32>
    %slice3A_34 = vector.extract_strided_slice %mul3A_16 {offsets = [3000, 0], sizes = [1000, 128], strides = [1, 1]} : vector<10000x128xf32> to vector<1000x128xf32>
    %reduce_sum3A_35 = arith.constant dense<0.000000e+00> : vector<128xf32>
    %reduce_sum3A_36 = vector.multi_reduction <add>, %slice3A_34, %reduce_sum3A_35 [0] : vector<1000x128xf32> to vector<128xf32>
    %broadcast_in_dim3A_37 = vector.shape_cast %reduce_sum3A_36 : vector<128xf32> to vector<1x128xf32>
    %div3A_38 = arith.constant 1.000000e+03 : f32
    %div3A_39 = vector.broadcast %div3A_38 : f32 to vector<1x128xf32>
    %div3A_40 = arith.divf %broadcast_in_dim3A_37, %div3A_39 : vector<1x128xf32>
    %slice3A_41 = vector.extract_strided_slice %mul3A_16 {offsets = [4000, 0], sizes = [1000, 128], strides = [1, 1]} : vector<10000x128xf32> to vector<1000x128xf32>
    %reduce_sum3A_42 = arith.constant dense<0.000000e+00> : vector<128xf32>
    %reduce_sum3A_43 = vector.multi_reduction <add>, %slice3A_41, %reduce_sum3A_42 [0] : vector<1000x128xf32> to vector<128xf32>
    %broadcast_in_dim3A_44 = vector.shape_cast %reduce_sum3A_43 : vector<128xf32> to vector<1x128xf32>
    %div3A_45 = arith.constant 1.000000e+03 : f32
    %div3A_46 = vector.broadcast %div3A_45 : f32 to vector<1x128xf32>
    %div3A_47 = arith.divf %broadcast_in_dim3A_44, %div3A_46 : vector<1x128xf32>
    %slice3A_48 = vector.extract_strided_slice %mul3A_16 {offsets = [5000, 0], sizes = [1000, 128], strides = [1, 1]} : vector<10000x128xf32> to vector<1000x128xf32>
    %reduce_sum3A_49 = arith.constant dense<0.000000e+00> : vector<128xf32>
    %reduce_sum3A_50 = vector.multi_reduction <add>, %slice3A_48, %reduce_sum3A_49 [0] : vector<1000x128xf32> to vector<128xf32>
    %broadcast_in_dim3A_51 = vector.shape_cast %reduce_sum3A_50 : vector<128xf32> to vector<1x128xf32>
    %div3A_52 = arith.constant 1.000000e+03 : f32
    %div3A_53 = vector.broadcast %div3A_52 : f32 to vector<1x128xf32>
    %div3A_54 = arith.divf %broadcast_in_dim3A_51, %div3A_53 : vector<1x128xf32>
    %slice3A_55 = vector.extract_strided_slice %mul3A_16 {offsets = [6000, 0], sizes = [1000, 128], strides = [1, 1]} : vector<10000x128xf32> to vector<1000x128xf32>
    %reduce_sum3A_56 = arith.constant dense<0.000000e+00> : vector<128xf32>
    %reduce_sum3A_57 = vector.multi_reduction <add>, %slice3A_55, %reduce_sum3A_56 [0] : vector<1000x128xf32> to vector<128xf32>
    %broadcast_in_dim3A_58 = vector.shape_cast %reduce_sum3A_57 : vector<128xf32> to vector<1x128xf32>
    %div3A_59 = arith.constant 1.000000e+03 : f32
    %div3A_60 = vector.broadcast %div3A_59 : f32 to vector<1x128xf32>
    %div3A_61 = arith.divf %broadcast_in_dim3A_58, %div3A_60 : vector<1x128xf32>
    %slice3A_62 = vector.extract_strided_slice %mul3A_16 {offsets = [7000, 0], sizes = [1000, 128], strides = [1, 1]} : vector<10000x128xf32> to vector<1000x128xf32>
    %reduce_sum3A_63 = arith.constant dense<0.000000e+00> : vector<128xf32>
    %reduce_sum3A_64 = vector.multi_reduction <add>, %slice3A_62, %reduce_sum3A_63 [0] : vector<1000x128xf32> to vector<128xf32>
    %broadcast_in_dim3A_65 = vector.shape_cast %reduce_sum3A_64 : vector<128xf32> to vector<1x128xf32>
    %div3A_66 = arith.constant 1.000000e+03 : f32
    %div3A_67 = vector.broadcast %div3A_66 : f32 to vector<1x128xf32>
    %div3A_68 = arith.divf %broadcast_in_dim3A_65, %div3A_67 : vector<1x128xf32>
    %slice3A_69 = vector.extract_strided_slice %mul3A_16 {offsets = [8000, 0], sizes = [1000, 128], strides = [1, 1]} : vector<10000x128xf32> to vector<1000x128xf32>
    %reduce_sum3A_70 = arith.constant dense<0.000000e+00> : vector<128xf32>
    %reduce_sum3A_71 = vector.multi_reduction <add>, %slice3A_69, %reduce_sum3A_70 [0] : vector<1000x128xf32> to vector<128xf32>
    %broadcast_in_dim3A_72 = vector.shape_cast %reduce_sum3A_71 : vector<128xf32> to vector<1x128xf32>
    %div3A_73 = arith.constant 1.000000e+03 : f32
    %div3A_74 = vector.broadcast %div3A_73 : f32 to vector<1x128xf32>
    %div3A_75 = arith.divf %broadcast_in_dim3A_72, %div3A_74 : vector<1x128xf32>
    %slice3A_76 = vector.extract_strided_slice %mul3A_16 {offsets = [9000, 0], sizes = [1000, 128], strides = [1, 1]} : vector<10000x128xf32> to vector<1000x128xf32>
    %reduce_sum3A_77 = arith.constant dense<0.000000e+00> : vector<128xf32>
    %reduce_sum3A_78 = vector.multi_reduction <add>, %slice3A_76, %reduce_sum3A_77 [0] : vector<1000x128xf32> to vector<128xf32>
    %broadcast_in_dim3A_79 = vector.shape_cast %reduce_sum3A_78 : vector<128xf32> to vector<1x128xf32>
    %div3A_80 = arith.constant 1.000000e+03 : f32
    %div3A_81 = vector.broadcast %div3A_80 : f32 to vector<1x128xf32>
    %div3A_82 = arith.divf %broadcast_in_dim3A_79, %div3A_81 : vector<1x128xf32>
    %concatenate3A = tpu.concatenate %div3A_19, %div3A_26, %div3A_33, %div3A_40, %div3A_47, %div3A_54, %div3A_61, %div3A_68, %div3A_75, %div3A_82 in 0 : vector<1x128xf32>, vector<1x128xf32>, vector<1x128xf32>, vector<1x128xf32>, vector<1x128xf32>, vector<1x128xf32>, vector<1x128xf32>, vector<1x128xf32>, vector<1x128xf32>, vector<1x128xf32> -> vector<10x128xf32>
    %get3A_83 = arith.constant 0 : index
    %get3A_84 = arith.constant 0 : index
    %get3A_85 = vector.load %arg3[%get3A_83, %get3A_84] : memref<128x128xf32, #tpu.memory_space<vmem>>, vector<128x128xf32>
    %dot_general3A = arith.constant dense<0.000000e+00> : vector<10x128xf32>
    %dot_general3A_86 = tpu.matmul %concatenate3A, %get3A_85, %dot_general3A {dimension_numbers = #tpu.dot_dimension_numbers<[1], [0], [0], [1], [0, 0, 1, 1], [], []>, transpose_lhs_hint = false} : vector<10x128xf32>, vector<128x128xf32>, vector<10x128xf32> -> vector<10x128xf32>
    %get3A_87 = arith.constant 0 : index
    %get3A_88 = arith.constant 0 : index
    %get3A_89 = vector.load %arg4[%get3A_87, %get3A_88] : memref<1x128xf32, #tpu.memory_space<vmem>>, vector<1x128xf32>
    %add3A_90 = vector.broadcast %get3A_89 : vector<1x128xf32> to vector<10x128xf32>
    %add3A_91 = arith.addf %dot_general3A_86, %add3A_90 : vector<10x128xf32>
    %get3A_92 = arith.constant 0 : index
    %get3A_93 = arith.constant 0 : index
    %get3A_94 = vector.load %arg5[%get3A_92, %get3A_93] : memref<128x12xf32, #tpu.memory_space<vmem>>, vector<128x12xf32>
    %dot_general3A_95 = arith.constant dense<0.000000e+00> : vector<10x12xf32>
    %dot_general3A_96 = tpu.matmul %add3A_91, %get3A_94, %dot_general3A_95 {dimension_numbers = #tpu.dot_dimension_numbers<[1], [0], [0], [1], [0, 0, 1, 1], [], []>, transpose_lhs_hint = false} : vector<10x128xf32>, vector<128x12xf32>, vector<10x12xf32> -> vector<10x12xf32>
    %get3A_97 = arith.constant 0 : index
    %get3A_98 = arith.constant 0 : index
    %get3A_99 = vector.load %arg6[%get3A_97, %get3A_98] : memref<1x12xf32, #tpu.memory_space<vmem>>, vector<1x12xf32>
    %add3A_100 = vector.broadcast %get3A_99 : vector<1x12xf32> to vector<10x12xf32>
    %add3A_101 = arith.addf %dot_general3A_96, %add3A_100 : vector<10x12xf32>
    %swap3A = arith.constant 0 : index
    %swap3A_102 = arith.constant 0 : index
    %swap3A_103 = vector.load %arg13[%swap3A, %swap3A_102] : memref<10x12xf32, #tpu.memory_space<vmem>>, vector<10x12xf32>
    tpu.vector_store %arg13[%swap3A, %swap3A_102], %add3A_101 {strides = array<i32>} : memref<10x12xf32, #tpu.memory_space<vmem>>, vector<10x12xf32>,
    %get3A_104 = arith.constant 0 : index
    %get3A_105 = arith.constant 0 : index
    %get3A_106 = vector.load %arg7[%get3A_104, %get3A_105] : memref<128x128xf32, #tpu.memory_space<vmem>>, vector<128x128xf32>
    %dot_general3A_107 = arith.constant dense<0.000000e+00> : vector<10000x128xf32>
    %dot_general3A_108 = tpu.matmul %mul3A_16, %get3A_106, %dot_general3A_107 {dimension_numbers = #tpu.dot_dimension_numbers<[1], [0], [0], [1], [0, 0, 1, 1], [], []>, transpose_lhs_hint = false} : vector<10000x128xf32>, vector<128x128xf32>, vector<10000x128xf32> -> vector<10000x128xf32>
    %get3A_109 = arith.constant 0 : index
    %get3A_110 = arith.constant 0 : index
    %get3A_111 = vector.load %arg8[%get3A_109, %get3A_110] : memref<1x128xf32, #tpu.memory_space<vmem>>, vector<1x128xf32>
    %add3A_112 = vector.broadcast %get3A_111 : vector<1x128xf32> to vector<10000x128xf32>
    %add3A_113 = arith.addf %dot_general3A_108, %add3A_112 : vector<10000x128xf32>
    %get3A_114 = arith.constant 0 : index
    %get3A_115 = arith.constant 0 : index
    %get3A_116 = vector.load %arg9[%get3A_114, %get3A_115] : memref<128x128xf32, #tpu.memory_space<vmem>>, vector<128x128xf32>
    %dot_general3A_117 = arith.constant dense<0.000000e+00> : vector<10000x128xf32>
    %dot_general3A_118 = tpu.matmul %add3A_113, %get3A_116, %dot_general3A_117 {dimension_numbers = #tpu.dot_dimension_numbers<[1], [0], [0], [1], [0, 0, 1, 1], [], []>, transpose_lhs_hint = false} : vector<10000x128xf32>, vector<128x128xf32>, vector<10000x128xf32> -> vector<10000x128xf32>
    %get3A_119 = arith.constant 0 : index
    %get3A_120 = arith.constant 0 : index
    %get3A_121 = vector.load %arg10[%get3A_119, %get3A_120] : memref<1x128xf32, #tpu.memory_space<vmem>>, vector<1x128xf32>
    %add3A_122 = vector.broadcast %get3A_121 : vector<1x128xf32> to vector<10000x128xf32>
    %add3A_123 = arith.addf %dot_general3A_118, %add3A_122 : vector<10000x128xf32>
    %max3A = arith.constant 0.000000e+00 : f32
    %max3A_124 = vector.broadcast %max3A : f32 to vector<10000x128xf32>
    %max3A_125 = arith.maximumf %add3A_123, %max3A_124 : vector<10000x128xf32>
    %get3A_126 = arith.constant 0 : index
    %get3A_127 = arith.constant 0 : index
    %get3A_128 = vector.load %arg11[%get3A_126, %get3A_127] : memref<128x3xf32, #tpu.memory_space<vmem>>, vector<128x3xf32>
    %dot_general3A_129 = arith.constant dense<0.000000e+00> : vector<10000x3xf32>
    %dot_general3A_130 = tpu.matmul %max3A_125, %get3A_128, %dot_general3A_129 {dimension_numbers = #tpu.dot_dimension_numbers<[1], [0], [0], [1], [0, 0, 1, 1], [], []>, transpose_lhs_hint = false} : vector<10000x128xf32>, vector<128x3xf32>, vector<10000x3xf32> -> vector<10000x3xf32>
    %get3A_131 = arith.constant 0 : index
    %get3A_132 = arith.constant 0 : index
    %get3A_133 = vector.load %arg12[%get3A_131, %get3A_132] : memref<1x3xf32, #tpu.memory_space<vmem>>, vector<1x3xf32>
    %add3A_134 = vector.broadcast %get3A_133 : vector<1x3xf32> to vector<10000x3xf32>
    %add3A_135 = arith.addf %dot_general3A_130, %add3A_134 : vector<10000x3xf32>
    %swap3A_136 = arith.constant 0 : index
    %swap3A_137 = arith.constant 0 : index
    %swap3A_138 = vector.load %arg14[%swap3A_136, %swap3A_137] : memref<10000x3xf32, #tpu.memory_space<vmem>>, vector<10000x3xf32>
    tpu.vector_store %arg14[%swap3A_136, %swap3A_137], %add3A_135 {strides = array<i32>} : memref<10000x3xf32, #tpu.memory_space<vmem>>, vector<10000x3xf32>,
    return
  }
}

</mosaic_0001>

<sc_bundles>
// kernel: kernel.12.cloned.1.call-start
scs
__scs_entry_jumppad:
0x0: {  	(pc) =	sbr.rel $0x88, $3  }
0x1: {  	(tag) =	ssettag $0x0;
	lr =	simm.s32 $0x1  }
0x2: {  	[smem:$0x3F89] =	sst lr;
	_ =	strace $0xD0000000  }
0x3: {  	_ = 	snop  }
0x4: {  	_ = 	snop  }
0x5: {  	_ = 	snop  }
0x6: {  	_ = 	snop  }
0x7: {  	_ = 	snop  }
__scs_overlays_trampoline_lowered:
0x8: {  	[smem:$0x3F98] =	sst s0  }
0x9: {  	[smem:$0x3F99] =	sst s1  }
0xa: {  	[smem:$0x3F9A] =	sst s2  }
0xb: {  	[smem:$0x3F9B] =	sst s3  }
0xc: {  	[smem:$0x3F9C] =	sst s4  }
0xd: {  	[smem:$0x3F9D] =	sst s5  }
0xe: {  	[smem:$0x3F9E] =	sst s6  }
0xf: {  	[smem:$0x3F9F] =	sst s7  }
0x10: {  	[smem:$0x3FA0] =	sst s8  }
0x11: {  	[smem:$0x3FA1] =	sst s9;
	s0 =	simm.s32 @!p0 $0x0  }
0x12: {  	s1 =	sld [smem:$0x3F87];
	s0 =	simm.s32 @p0 $0x1  }
0x13: {  	[smem:$0x3FA2] =	sst s0;
	s0 =	simm.s32 @!p1 $0x0  }
0x14: {  	s2 =	sld [smem:$0x3F86];
	s0 =	simm.s32 @p1 $0x1  }
0x15: {  	[smem:$0x3FA3] =	sst s0;
	s0 =	simm.s32 @!p2 $0x0  }
0x16: {  	s3 =	sld [smem:$0x3FDB];
	s0 =	simm.s32 @p2 $0x1  }
0x17: {  	s4 =	simm.s32 $0x1BF5;
	[smem:$0x3FA5] =	sst s0  }
0x18: {  	s0 =	sld [smem:$0x3F88];
	_ =	swait.ge [sflag:s4], $0x0  }
0x19: {  	s7 =	sld [smem:$0x3F89]  }
0x1a: {  	s8 =	sadd.s32 $0xFFFFE003, lr  }
0x1b: {  	s9 =	sadd.s32 $0xFFFFFEF7, lr;
	s5 =	simm.s32 $0xFFFFFFFF;
	p2 =	slt.u32 s8, $0xFFFFF086  }
0x1c: {  	p1 =	slt.u32 s9, $0xF7A;
	s5 =	simm.s32 @!p2 $0x0  }
0x1d: {  	s5 =	simm.s32 @p1 $0x1;
	p0 =	seq.s32 s7, s2  }
0x1e: {  	s7 =	smul.u32 @!p0 $0xF7A, s2;
	p2 =	seq.s32 @!p0 s5, $0x0  }
0x1f: {  	s9 =	smul.u32 $0xF7A, s1;
	s8 =	simm.s32 @!p0 $0x1BF5;
	p2 =	por !p2, p0  }
0x20: {  	[sflag:s8] =	ssyncset.s32 @!p0 $0xFFFFF086;
	s6 =	sadd.s32 @!p0 s3, s7;
	s7 =	simm.s32 @!p0 $0x108  }
0x21: {  	s3 =	sadd.s32 s3, s9;
	s6 =	sadd.s32 @!p0 $0x88, s6;
	s7 =	simm.s32 @p2 $0x1082  }
0x22: {  	[simem:s7], [sflag:s8] =	dma.local @!p0 [hbm:s6], $0xF7A  }
0x23: {  	s9 =	sor.u32 $0xD0000000, s2;
	s6 =	simm.s32 $0x108;
	_ =	swait.ge @!p0 [sflag:s8], $0x0  }
0x24: {  	s3 =	sadd.s32 $0x88, s3;
	s6 =	simm.s32 @!p1 $0x1082;
	[sflag:s4] =	ssyncset.s32 $0xFFFFF086  }
0x25: {  	[simem:s6], [sflag:s4] =	dma.local [hbm:s3], $0xF7A  }
0x26: {  	[smem:$0x3F89] =	sst s1;
	(tag) =	ssettag s2;
	_ =	strace s9  }
0x27: {  	s1 =	sld [smem:$0x3F99]  }
0x28: {  	s2 =	sld [smem:$0x3F9A]  }
0x29: {  	s4 =	sld [smem:$0x3F9C]  }
0x2a: {  	p0 =	seq.s32 s5, $0x0;
	s5 =	sld [smem:$0x3F9D]  }
0x2b: {  	s6 =	sld [smem:$0x3F9E]  }
0x2c: {  	s7 =	sld [smem:$0x3F9F]  }
0x2d: {  	s3 =	simm.s32 $0x108;
	s8 =	sld [smem:$0x3FA0]  }
0x2e: {  	s3 =	simm.s32 @!p0 $0x1082;
	s9 =	sld [smem:$0x3FA1]  }
0x2f: {  	lr =	sadd.s32 s0, s3;
	s0 =	sld [smem:$0x3F98]  }
0x30: {  	s3 =	sld [smem:$0x3F9B]  }
0x31: {  	[smem:$0x3FA4] =	sst s10  }
0x32: {  	s10 =	sld [smem:$0x3FA2];
	_ =	sdelay $0x3  }
0x33: {  	p0 =	seq.s32 s10, $0x1;
	s10 =	sld [smem:$0x3FA4];
	_ =	sdelay $0x3  }
0x34: {  	[smem:$0x3FA4] =	sst s10  }
0x35: {  	s10 =	sld [smem:$0x3FA3];
	_ =	sdelay $0x3  }
0x36: {  	p1 =	seq.s32 s10, $0x1;
	s10 =	sld [smem:$0x3FA4];
	_ =	sdelay $0x3  }
0x37: {  	[smem:$0x3FA4] =	sst s10  }
0x38: {  	s10 =	sld [smem:$0x3FA5]  }
0x39: {  	_ = 	snop;
	(pc) =	sbr.ind lr, $3  }
0x3a: {  	_ = 	snop  }
0x3b: {  	_ = 	snop  }
0x3c: {  	p2 =	seq.s32 s10, $0x1;
	s10 =	sld [smem:$0x3FA4]  }
0x3d: {  	_ =	shalt  }
0x3e: {  	_ =	shalt  }
0x3f: {  	_ =	shalt  }
0x40: {  	_ =	shalt  }
0x41: {  	_ =	shalt  }
0x42: {  	_ =	shalt  }
0x43: {  	_ =	shalt  }
0x44: {  	_ =	shalt  }
0x45: {  	_ =	shalt  }
0x46: {  	_ =	shalt  }
0x47: {  	_ =	shalt  }
0x48: {  	_ =	shalt  }
0x49: {  	_ =	shalt  }
0x4a: {  	_ =	shalt  }
0x4b: {  	_ =	shalt  }
0x4c: {  	_ =	shalt  }
0x4d: {  	_ =	shalt  }
0x4e: {  	_ =	shalt  }
0x4f: {  	_ =	shalt  }
0x50: {  	_ =	shalt  }
0x51: {  	_ =	shalt  }
0x52: {  	_ =	shalt  }
0x53: {  	_ =	shalt  }
0x54: {  	_ =	shalt  }
0x55: {  	_ =	shalt  }
0x56: {  	_ =	shalt  }
0x57: {  	_ =	shalt  }
0x58: {  	_ =	shalt  }
0x59: {  	_ =	shalt  }
0x5a: {  	_ =	shalt  }
0x5b: {  	_ =	shalt  }
0x5c: {  	_ =	shalt  }
0x5d: {  	_ =	shalt  }
0x5e: {  	_ =	shalt  }
0x5f: {  	_ =	shalt  }
0x60: {  	_ =	shalt  }
0x61: {  	_ =	shalt  }
0x62: {  	_ =	shalt  }
0x63: {  	_ =	shalt  }
0x64: {  	_ =	shalt  }
0x65: {  	_ =	shalt  }
0x66: {  	_ =	shalt  }
0x67: {  	_ =	shalt  }
0x68: {  	_ =	shalt  }
0x69: {  	_ =	shalt  }
0x6a: {  	_ =	shalt  }
0x6b: {  	_ =	shalt  }
0x6c: {  	_ =	shalt  }
0x6d: {  	_ =	shalt  }
0x6e: {  	_ =	shalt  }
0x6f: {  	_ =	shalt  }
0x70: {  	_ =	shalt  }
0x71: {  	_ =	shalt  }
0x72: {  	_ =	shalt  }
0x73: {  	_ =	shalt  }
0x74: {  	_ =	shalt  }
0x75: {  	_ =	shalt  }
0x76: {  	_ =	shalt  }
0x77: {  	_ =	shalt  }
0x78: {  	_ =	shalt  }
0x79: {  	_ =	shalt  }
0x7a: {  	_ =	shalt  }
0x7b: {  	_ =	shalt  }
0x7c: {  	_ =	shalt  }
0x7d: {  	_ =	shalt  }
0x7e: {  	_ =	shalt  }
0x7f: {  	_ =	shalt  }
0x80: {  	_ =	shalt  }
0x81: {  	_ =	shalt  }
0x82: {  	_ =	shalt  }
0x83: {  	_ =	shalt  }
0x84: {  	_ =	shalt  }
0x85: {  	_ =	shalt  }
0x86: {  	_ =	shalt  }
0x87: {  	_ =	shalt  }
.Lfunc_end0:
.L_simem_size_0:
called_computation_lowered:
.L_overlay_start_0:
0x88: {  	s2 =	sld [smem:$0x3FD9]  }
0x89: {  	s3 =	sld [smem:$0x3FFE];
	_ =	sdelay $0x1  }
0x8a: {  	s1 =	srdreg.scid  }
0x8b: {  	s0 =	sand.u32 $0x1, s1  }
0x8c: {  	s14 =	sshll.u32 s0, $0xA;
	s2 =	sadd.s32 s3, s2  }
0x8d: {  	s2 =	sadd.s32 s2, s14  }
0x8e: {  	[smem:$0x3FB0] =	sst s2  }
0x8f: {  	_ = 	snop  }
0x90: {  	s2 =	sld [smem:$0x3FD0];
	_ =	sdelay $0x2  }
0x91: {  	s15 =	simm.s32 $0xA;
	s4 =	simm.s32 $0x10  }
0x92: {  	[smem:s4], [sflag:s15] =	dma.local [hbm:s2], $0x1  }
0x93: {  	_ =	swait.eq [sflag:s15], $0x1  }
0x94: {  	[sflag:s15] =	ssyncset.done $0x0  }
0x95: {  	[sflag:s15] =	ssyncadd.s32 $0xFFFFFFFF  }
0x96: {  	s16 =	sld [smem:$0x11];
	(tm) =	ssettm $0x1  }
0x97: {  	s17 =	sld [smem:$0x3FFB];
	_ =	sdelay $0x3  }
0x98: {  	_ =	strace s17  }
0x99: {  	s3 =	sld [smem:$0x3FFC];
	_ =	sdelay $0x3  }
0x9a: {  	_ =	strace s3  }
0x9b: {  	s3 =	sld [smem:$0x3FFD];
	_ =	sdelay $0x3  }
0x9c: {  	_ =	strace s3  }
0x9d: {  	_ =	strace $0x8FFFFFFF  }
0x9e: {  	s18 =	sld [smem:$0x3FDB];
	_ =	sdelay $0x1  }
0x9f: {  	s19 =	simm.s32 $_scs_section_size  }
0xa0: {  	s5 =	simm.s32 $_size__tile_overlayer_lowered;
	s6 =	simm.s32 $_tile_overlayer_lowered  }
0xa1: {  	s22 =	simm.s32 $0x1BFF;
	s21 =	sshll.u32 s6, $0x1;
	s3 =	sadd.s32 s19, s18  }
0xa2: {  	s7 =	simm.s32 $0x0;
	s20 =	sshll.u32 s5, $0x1;
	s5 =	sadd.s32 s21, s3  }
0xa3: {  	[timem:s7], [sflag:s22] =	dma.local [hbm:s5], s20  }
0xa4: {  	_ =	swait.ge [sflag:s22], s20  }
0xa5: {  	s4 =	ssub.s32 $0x0, s20;
	[sflag:s22] =	ssyncset.done $0x0  }
0xa6: {  	[sflag:s22] =	ssyncadd.s32 s4;
	_ =	sdelay $0x1  }
0xa7: {  	s23 =	simm.s32 $0x1B8B  }
0xa8: {  	_ =	swait.ge [sflag:s23], $0x1  }
0xa9: {  	[sflag:s23] =	ssyncset.done $0x0  }
0xaa: {  	s25 =	simm.s32 $0x1B8E;
	s24 =	sld [smem:$0x3FFE];
	[sflag:s23] =	ssyncadd.s32 $0xFFFFFFFF  }
0xab: {  	s26 =	simm.s32 $execute0_lowered;
	[smem:$0x3FD2] =	sst s25  }
0xac: {  	s5 =	sshll.u32 s26, $0x1;
	_ =	strace $0x80000046;
	[dreg:$0x1] =	wrdreg $0xFFFFFFFF  }
0xad: {  	s28 =	simm.s32 $_size_execute0_lowered;
	s3 =	sadd.s32 s3, s5;
	[dreg:$0x0] =	wrdreg $0x0  }
0xae: {  	s5 =	sshll.u32 s28, $0x1;
	[dreg:$0x2] =	wrdreg s3  }
0xaf: {  	[dreg:$0x3] =	wrdreg s5  }
0xb0: {  	[dreg:$0x4] =	wrdreg $0xC0  }
0xb1: {  	_ =	task [dreg:s7], $0x5FFFF  }
0xb2: {  	[dreg:$0x1] =	wrdreg $0xFFFFFFFF  }
0xb3: {  	[dreg:$0x0] =	wrdreg $0x60  }
0xb4: {  	[dreg:$0x2] =	wrdreg s24  }
0xb5: {  	[dreg:$0x3] =	wrdreg s16  }
0xb6: {  	[dreg:$0x4] =	wrdreg $0x68000  }
0xb7: {  	[dreg:$0x5] =	wrdreg $0x9  }
0xb8: {  	_ =	task.clear_ibuf [dreg:s7], $0x6FFFF;
	_ =	strace $0x90000046  }
0xb9: {  	s29 =	simm.s32 $0x9;
	_ =	strace $0x80000048  }
0xba: {  	_ =	swait.ge [sflag:s29], $0x1  }
0xbb: {  	[sflag:s29] =	ssyncadd.s32 $0xFFFFFFFF  }
0xbc: {  	_ =	strace $0x90000048  }
0xbd: {  	_ =	sfence  }
0xbe: {  	s30 =	sld [smem:$0x0];
	_ =	sdelay $0x2  }
0xbf: {  	s31 =	sshll.u32 s1, $0xD;
	s1 =	sshrl.u32 s1, $0x2  }
0xc0: {  	s3 =	sand.u32 $0x4000, s31;
	s1 =	sadd.s32 s1, s30  }
0xc1: {  	s0 =	sor.u32 s3, s0;
	s1 =	sshll.u32 s1, $0x11  }
0xc2: {  	s0 =	sor.u32 s1, s0  }
0xc3: {  	s0 =	sadd.s32 $0x8F2B, s0  }
0xc4: {  	[sflag:s0] =	ssyncadd.remote.s32 $0x1  }
0xc5: {  	_ =	sfence.sel $0xFFFF  }
0xc6: {  	[dreg:$0x0] =	wrdreg $0xFFFFFFFF;
	(pc) =	sbr.abs _section_cstart, $3  }
0xc7: {  	[dreg:$0x1] =	wrdreg $0xFFFFFFFF  }
0xc8: {  	_ =	task.clear_ibuf [dreg:s7], $0x2FFFF;
	_ =	strace $0x9FFFFFFF  }
0xc9: {  	(tm) =	ssettm $0x7FFFFFFF  }
tec
execute0_lowered:
.L_overlay_start_1:
0x0: {  	(tag) =	ssettag $0x1  }
0x1: {  	s5 =	rddreg [dreg:$0x0]  }
0x2: {  	s2 =	rddreg [dreg:$0x1];
	s0 =	srdreg.scid  }
0x3: {  	s3 =	rddreg [dreg:$0x2];
	s1 =	stileid.u32;
	s4 =	simm.s32 $0x0  }
0x4: {  	s13 =	simm.s32 $0x50;
	s14 =	simm.s32 $0x0;
	s8 =	smul.u32 $0x1F400, s1  }
0x5: {  	s6 =	sand.u32 $0x1, s0;
	[smem:$0x7FF] =	sst s4;
	s9 =	smul.u32 $0x3E80, s1  }
0x6: {  	s10 =	sshll.u32 s1, $0xB;
	s11 =	smul.u32 $0x7D000, s1;
	p0 =	sgt.u32 s1, $0x9  }
0x7: {  	s0 =	rddreg [dreg:$0x3];
	s7 =	smul.u32 $0x138800, s6;
	_ =	strace $0x80000047  }
0x8: {  	s26 =	sadd.s32 s10, s5;
	s28 =	ssub.s32 $0x2, s6;
	s6 =	sshll.u32 s6, $0xF  }
0x9: {  	s10 =	simm.s32 $0x1;
	s9 =	sadd.s32 s9, s5;
	s29 =	sshrl.u32 s28, $0x1  }
0xa: {  	s6 =	sadd.s32 s6, s26;
	s31 =	sshrl.u32 s11, $0x2;
	s11 =	sshll.u32 @!p0 s1, $0x6  }
0xb: {  	s7 =	sadd.s32 s8, s7;
	s30 =	ssub.s32 s28, s29;
	s12 =	sadd.s32 s31, s3  }
0xc: {  	s11 =	sor.u32 @!p0 $0x1C01, s11;
	s7 =	sshrl.u32 s7, $0x3;
	s8 =	smax.u32 s30, $0x1  }
0xd: {  	s12 =	sshrl.u32 @!p0 s12, $0x3;
	s7 =	sadd.s32 s7, s5;
	s5 =	sadd.s32 $0xF200, s6  }
0xe: {  	s6 =	sadd.s32 $0x1F200, s9;
	s9 =	simm.s32 $0x4000;
	s7 =	sadd.s32 $0x46400, s7  }
.LBB2_1:
0xf: {  	[tilespmem:s9], [sflag:$0x1] =	stream.linear.gather [hbm4b:s2+s4], $0x2800, $0x38;
	[tilespmem:$0x1A080] =	vst v63  }
0x10: {  	_ =	swait.ge [sflag:s10], $0x2800  }
0x11: {  	[sflag:s10] =	ssyncset.done $0x0  }
0x12: {  	[sflag:s10] =	ssyncadd.s32 $0xFFFFD800  }
0x13: {  	[tilespmem:s4], [sflag:$0x1] =	stream.linear.gather [hbm4b:s5+s4], $0x3E80, $0x38;
	[tilespmem:$0x1A080] =	vst v63  }
0x14: {  	_ =	swait.ge [sflag:s10], $0x3E80  }
0x15: {  	[sflag:s10] =	ssyncset.done $0x0  }
0x16: {  	s15 =	simm.s32 @!p0 $0x1;
	[sflag:s10] =	ssyncadd.s32 $0xFFFFC180  }
0x17: {  	[spmem:s12], [sflag:s11] =	dma.local @!p0 [hbm:s6], $0x3E80  }
0x18: {  	_ =	swait.ge @!p0 [sflag:s15], $0x3E80  }
0x19: {  	[sflag:s15] =	ssyncset.done @!p0 $0x0  }
0x1a: {  	[sflag:s15] =	ssyncadd.s32 @!p0 $0xFFFFC180  }
0x1b: {  	s31 =	simm.s32 $0x0;
	[bflag:$0x0] =	sbarrier.arrive $0xFFFF  }
0x1c: {  	[spmem:s3] =	stream.indirect.scatter.add.f32 [tilespmem:s9], [sflag:$0x1], $0x80, s31, s13, $0xb8;
	[tilespmem:$0x1A080] =	vst v63  }
0x1d: {  	_ =	swait.ge [sflag:s10], $0x2800  }
0x1e: {  	s15 =	simm.s32 $0x200;
	[sflag:s10] =	ssyncset.done $0x0  }
.LBB2_2:
0x1f: {  	s16 =	sshra.s32 s15, $0x2;
	[sflag:s10] =	ssyncadd.s32 $0xFFFFD800;
	p1 =	sne.s32 s15, $0xF800  }
0x20: {  	[spmem:s3] =	stream.indirect.scatter.add.f32 [tilespmem:s9], [sflag:$0x1], $0x80, s16, s13, $0xb8;
	[tilespmem:$0x1A080] =	vst v63  }
.Ltmp0:
0x21: {  	_ = 	snop;
	(pc) =	sbr.rel @p1 .LBB2_2-.Ltmp0, $4  }
0x22: {  	_ = 	snop  }
0x23: {  	s15 =	sadd.s32 $0x200, s15  }
0x24: {  	_ =	swait.ge [sflag:s10], $0x2800  }
0x25: {  	[sflag:s10] =	ssyncset.done $0x0  }
0x26: {  	s14 =	sadd.s32 $0x1, s14  }
0x27: {  	[sflag:s10] =	ssyncadd.s32 $0xFFFFD800;
	p1 =	sne.s32 s14, s8  }
.Ltmp1:
0x28: {  	s15 =	simm.s32 @!p0 $0x1;
	[bflag:$0x0] =	sbarrier.arrive $0xFFFF;
	(pc) =	sbr.rel @p1 .LBB2_1-.Ltmp1, $4  }
0x29: {  	[hbm:s7], [sflag:s11] =	dma.local @!p0 [spmem:s12], $0x3E80  }
0x2a: {  	_ =	swait.ge @!p0 [sflag:s15], $0x3E80  }
0x2b: {  	[sflag:s15] =	ssyncset.done @!p0 $0x0  }
0x2c: {  	[sflag:s15] =	ssyncadd.s32 @!p0 $0xFFFFC180  }
0x2d: {  	_ =	sfence.sel $0x180000  }
0x2e: {  	[bflag:$0x0] =	sbarrier.arrive $0xFFFF  }
0x2f: {  	p0 =	sne.s32 s1, $0x0;
	_ =	strace $0x90000047  }
0x30: {  	s0 =	sadd.s32 @!p0 $0x100000, s0;
	[bflag:$0x2] =	sbarrier.arrive $0xFFFF  }
0x31: {  	[sflag:s0] =	ssyncadd.tile.s32 @!p0 $0x1;
	_ =	shalt  }
.Lfunc_end2:
_tile_overlayer_lowered:
.L_overlay_start_2:
0x32: {  	(tag) =	ssettag $0x2  }
0x33: {  	s0 =	rddreg [dreg:$0x0];
	s2 =	stileid.u32  }
0x34: {  	s1 =	rddreg [dreg:$0x1];
	p0 =	sne.s32 s2, $0x0  }
0x35: {  	s3 =	rddreg [dreg:$0x2];
	[bflag:$0x3] =	sbarrier.arrive $0xFFFF;
	s2 =	simm.s32 @!p0 $0x1C01  }
0x36: {  	[timem:s3], [sflag:s2] =	dma.local @!p0 [hbm:s0], s1  }
0x37: {  	s0 =	simm.s32 @!p0 $0x1  }
0x38: {  	_ =	swait.ge @!p0 [sflag:s0], s1  }
0x39: {  	s1 =	ssub.s32 @!p0 $0x0, s1;
	[sflag:s0] =	ssyncset.done @!p0 $0x0  }
0x3a: {  	[sflag:s0] =	ssyncadd.s32 @!p0 s1  }
0x3b: {  	[bflag:$0x3] =	sbarrier.arrive $0xFFFF  }
0x3c: {  	_ =	shalt  }

// kernel: kernel.15.cloned.1.call-start
scs
__scs_entry_jumppad:
0x0: {  	(pc) =	sbr.rel $0x88, $3  }
0x1: {  	(tag) =	ssettag $0x0;
	lr =	simm.s32 $0x1  }
0x2: {  	[smem:$0x3F89] =	sst lr;
	_ =	strace $0xD0000000  }
0x3: {  	_ = 	snop  }
0x4: {  	_ = 	snop  }
0x5: {  	_ = 	snop  }
0x6: {  	_ = 	snop  }
0x7: {  	_ = 	snop  }
__scs_overlays_trampoline_lowered:
0x8: {  	[smem:$0x3F98] =	sst s0  }
0x9: {  	[smem:$0x3F99] =	sst s1  }
0xa: {  	[smem:$0x3F9A] =	sst s2  }
0xb: {  	[smem:$0x3F9B] =	sst s3  }
0xc: {  	[smem:$0x3F9C] =	sst s4  }
0xd: {  	[smem:$0x3F9D] =	sst s5  }
0xe: {  	[smem:$0x3F9E] =	sst s6  }
0xf: {  	[smem:$0x3F9F] =	sst s7  }
0x10: {  	[smem:$0x3FA0] =	sst s8  }
0x11: {  	[smem:$0x3FA1] =	sst s9;
	s0 =	simm.s32 @!p0 $0x0  }
0x12: {  	s1 =	sld [smem:$0x3F87];
	s0 =	simm.s32 @p0 $0x1  }
0x13: {  	[smem:$0x3FA2] =	sst s0;
	s0 =	simm.s32 @!p1 $0x0  }
0x14: {  	s2 =	sld [smem:$0x3F86];
	s0 =	simm.s32 @p1 $0x1  }
0x15: {  	[smem:$0x3FA3] =	sst s0;
	s0 =	simm.s32 @!p2 $0x0  }
0x16: {  	s3 =	sld [smem:$0x3FDB];
	s0 =	simm.s32 @p2 $0x1  }
0x17: {  	s4 =	simm.s32 $0x1BF5;
	[smem:$0x3FA5] =	sst s0  }
0x18: {  	s0 =	sld [smem:$0x3F88];
	_ =	swait.ge [sflag:s4], $0x0  }
0x19: {  	s7 =	sld [smem:$0x3F89]  }
0x1a: {  	s8 =	sadd.s32 $0xFFFFE003, lr  }
0x1b: {  	s9 =	sadd.s32 $0xFFFFFEF7, lr;
	s5 =	simm.s32 $0xFFFFFFFF;
	p2 =	slt.u32 s8, $0xFFFFF086  }
0x1c: {  	p1 =	slt.u32 s9, $0xF7A;
	s5 =	simm.s32 @!p2 $0x0  }
0x1d: {  	s5 =	simm.s32 @p1 $0x1;
	p0 =	seq.s32 s7, s2  }
0x1e: {  	s7 =	smul.u32 @!p0 $0xF7A, s2;
	p2 =	seq.s32 @!p0 s5, $0x0  }
0x1f: {  	s9 =	smul.u32 $0xF7A, s1;
	s8 =	simm.s32 @!p0 $0x1BF5;
	p2 =	por !p2, p0  }
0x20: {  	[sflag:s8] =	ssyncset.s32 @!p0 $0xFFFFF086;
	s6 =	sadd.s32 @!p0 s3, s7;
	s7 =	simm.s32 @!p0 $0x108  }
0x21: {  	s3 =	sadd.s32 s3, s9;
	s6 =	sadd.s32 @!p0 $0x88, s6;
	s7 =	simm.s32 @p2 $0x1082  }
0x22: {  	[simem:s7], [sflag:s8] =	dma.local @!p0 [hbm:s6], $0xF7A  }
0x23: {  	s9 =	sor.u32 $0xD0000000, s2;
	s6 =	simm.s32 $0x108;
	_ =	swait.ge @!p0 [sflag:s8], $0x0  }
0x24: {  	s3 =	sadd.s32 $0x88, s3;
	s6 =	simm.s32 @!p1 $0x1082;
	[sflag:s4] =	ssyncset.s32 $0xFFFFF086  }
0x25: {  	[simem:s6], [sflag:s4] =	dma.local [hbm:s3], $0xF7A  }
0x26: {  	[smem:$0x3F89] =	sst s1;
	(tag) =	ssettag s2;
	_ =	strace s9  }
0x27: {  	s1 =	sld [smem:$0x3F99]  }
0x28: {  	s2 =	sld [smem:$0x3F9A]  }
0x29: {  	s4 =	sld [smem:$0x3F9C]  }
0x2a: {  	p0 =	seq.s32 s5, $0x0;
	s5 =	sld [smem:$0x3F9D]  }
0x2b: {  	s6 =	sld [smem:$0x3F9E]  }
0x2c: {  	s7 =	sld [smem:$0x3F9F]  }
0x2d: {  	s3 =	simm.s32 $0x108;
	s8 =	sld [smem:$0x3FA0]  }
0x2e: {  	s3 =	simm.s32 @!p0 $0x1082;
	s9 =	sld [smem:$0x3FA1]  }
0x2f: {  	lr =	sadd.s32 s0, s3;
	s0 =	sld [smem:$0x3F98]  }
0x30: {  	s3 =	sld [smem:$0x3F9B]  }
0x31: {  	[smem:$0x3FA4] =	sst s10  }
0x32: {  	s10 =	sld [smem:$0x3FA2];
	_ =	sdelay $0x3  }
0x33: {  	p0 =	seq.s32 s10, $0x1;
	s10 =	sld [smem:$0x3FA4];
	_ =	sdelay $0x3  }
0x34: {  	[smem:$0x3FA4] =	sst s10  }
0x35: {  	s10 =	sld [smem:$0x3FA3];
	_ =	sdelay $0x3  }
0x36: {  	p1 =	seq.s32 s10, $0x1;
	s10 =	sld [smem:$0x3FA4];
	_ =	sdelay $0x3  }
0x37: {  	[smem:$0x3FA4] =	sst s10  }
0x38: {  	s10 =	sld [smem:$0x3FA5]  }
0x39: {  	_ = 	snop;
	(pc) =	sbr.ind lr, $3  }
0x3a: {  	_ = 	snop  }
0x3b: {  	_ = 	snop  }
0x3c: {  	p2 =	seq.s32 s10, $0x1;
	s10 =	sld [smem:$0x3FA4]  }
0x3d: {  	_ =	shalt  }
0x3e: {  	_ =	shalt  }
0x3f: {  	_ =	shalt  }
0x40: {  	_ =	shalt  }
0x41: {  	_ =	shalt  }
0x42: {  	_ =	shalt  }
0x43: {  	_ =	shalt  }
0x44: {  	_ =	shalt  }
0x45: {  	_ =	shalt  }
0x46: {  	_ =	shalt  }
0x47: {  	_ =	shalt  }
0x48: {  	_ =	shalt  }
0x49: {  	_ =	shalt  }
0x4a: {  	_ =	shalt  }
0x4b: {  	_ =	shalt  }
0x4c: {  	_ =	shalt  }
0x4d: {  	_ =	shalt  }
0x4e: {  	_ =	shalt  }
0x4f: {  	_ =	shalt  }
0x50: {  	_ =	shalt  }
0x51: {  	_ =	shalt  }
0x52: {  	_ =	shalt  }
0x53: {  	_ =	shalt  }
0x54: {  	_ =	shalt  }
0x55: {  	_ =	shalt  }
0x56: {  	_ =	shalt  }
0x57: {  	_ =	shalt  }
0x58: {  	_ =	shalt  }
0x59: {  	_ =	shalt  }
0x5a: {  	_ =	shalt  }
0x5b: {  	_ =	shalt  }
0x5c: {  	_ =	shalt  }
0x5d: {  	_ =	shalt  }
0x5e: {  	_ =	shalt  }
0x5f: {  	_ =	shalt  }
0x60: {  	_ =	shalt  }
0x61: {  	_ =	shalt  }
0x62: {  	_ =	shalt  }
0x63: {  	_ =	shalt  }
0x64: {  	_ =	shalt  }
0x65: {  	_ =	shalt  }
0x66: {  	_ =	shalt  }
0x67: {  	_ =	shalt  }
0x68: {  	_ =	shalt  }
0x69: {  	_ =	shalt  }
0x6a: {  	_ =	shalt  }
0x6b: {  	_ =	shalt  }
0x6c: {  	_ =	shalt  }
0x6d: {  	_ =	shalt  }
0x6e: {  	_ =	shalt  }
0x6f: {  	_ =	shalt  }
0x70: {  	_ =	shalt  }
0x71: {  	_ =	shalt  }
0x72: {  	_ =	shalt  }
0x73: {  	_ =	shalt  }
0x74: {  	_ =	shalt  }
0x75: {  	_ =	shalt  }
0x76: {  	_ =	shalt  }
0x77: {  	_ =	shalt  }
0x78: {  	_ =	shalt  }
0x79: {  	_ =	shalt  }
0x7a: {  	_ =	shalt  }
0x7b: {  	_ =	shalt  }
0x7c: {  	_ =	shalt  }
0x7d: {  	_ =	shalt  }
0x7e: {  	_ =	shalt  }
0x7f: {  	_ =	shalt  }
0x80: {  	_ =	shalt  }
0x81: {  	_ =	shalt  }
0x82: {  	_ =	shalt  }
0x83: {  	_ =	shalt  }
0x84: {  	_ =	shalt  }
0x85: {  	_ =	shalt  }
0x86: {  	_ =	shalt  }
0x87: {  	_ =	shalt  }
.Lfunc_end0:
.L_simem_size_0:
called_computation.1_lowered:
.L_overlay_start_0:
0x88: {  	s2 =	sld [smem:$0x3FD9]  }
0x89: {  	s3 =	sld [smem:$0x3FFE];
	_ =	sdelay $0x1  }
0x8a: {  	s1 =	srdreg.scid  }
0x8b: {  	s0 =	sand.u32 $0x1, s1  }
0x8c: {  	s16 =	sshll.u32 s0, $0xA;
	s2 =	sadd.s32 s3, s2  }
0x8d: {  	s2 =	sadd.s32 s2, s16  }
0x8e: {  	[smem:$0x3FB0] =	sst s2  }
0x8f: {  	_ = 	snop  }
0x90: {  	(tm) =	ssettm $0x1  }
0x91: {  	s17 =	sld [smem:$0x3FFB];
	_ =	sdelay $0x3  }
0x92: {  	_ =	strace s17  }
0x93: {  	s2 =	sld [smem:$0x3FFC];
	_ =	sdelay $0x3  }
0x94: {  	_ =	strace s2  }
0x95: {  	s2 =	sld [smem:$0x3FFD];
	_ =	sdelay $0x3  }
0x96: {  	_ =	strace s2  }
0x97: {  	_ =	strace $0x8FFFFFFF  }
0x98: {  	s18 =	sld [smem:$0x3FDB];
	_ =	sdelay $0x1  }
0x99: {  	s19 =	simm.s32 $_scs_section_size  }
0x9a: {  	s4 =	simm.s32 $_size__tile_overlayer_lowered;
	s5 =	simm.s32 $_tile_overlayer_lowered  }
0x9b: {  	s22 =	simm.s32 $0x1BFF;
	s21 =	sshll.u32 s5, $0x1;
	s2 =	sadd.s32 s19, s18  }
0x9c: {  	s6 =	simm.s32 $0x0;
	s20 =	sshll.u32 s4, $0x1;
	s4 =	sadd.s32 s21, s2  }
0x9d: {  	[timem:s6], [sflag:s22] =	dma.local [hbm:s4], s20  }
0x9e: {  	_ =	swait.ge [sflag:s22], s20  }
0x9f: {  	s3 =	ssub.s32 $0x0, s20;
	[sflag:s22] =	ssyncset.done $0x0  }
0xa0: {  	[sflag:s22] =	ssyncadd.s32 s3;
	_ =	sdelay $0x1  }
0xa1: {  	s23 =	simm.s32 $0x1B8B  }
0xa2: {  	_ =	swait.ge [sflag:s23], $0x1  }
0xa3: {  	[sflag:s23] =	ssyncset.done $0x0  }
0xa4: {  	s25 =	simm.s32 $0x1B8E;
	s24 =	sld [smem:$0x3FFE];
	[sflag:s23] =	ssyncadd.s32 $0xFFFFFFFF  }
0xa5: {  	s26 =	simm.s32 $execute0_lowered;
	[smem:$0x3FD2] =	sst s25  }
0xa6: {  	s4 =	sshll.u32 s26, $0x1;
	_ =	strace $0x80000049;
	[dreg:$0x1] =	wrdreg $0xFFFFFFFF  }
0xa7: {  	s28 =	simm.s32 $_size_execute0_lowered;
	s2 =	sadd.s32 s2, s4;
	[dreg:$0x0] =	wrdreg $0x0  }
0xa8: {  	s4 =	sshll.u32 s28, $0x1;
	[dreg:$0x2] =	wrdreg s2  }
0xa9: {  	[dreg:$0x3] =	wrdreg s4  }
0xaa: {  	[dreg:$0x4] =	wrdreg $0xC0  }
0xab: {  	_ =	task [dreg:s6], $0x5FFFF  }
0xac: {  	[dreg:$0x1] =	wrdreg $0xFFFFFFFF  }
0xad: {  	[dreg:$0x0] =	wrdreg $0x60  }
0xae: {  	[dreg:$0x2] =	wrdreg s24  }
0xaf: {  	[dreg:$0x3] =	wrdreg $0xB7800  }
0xb0: {  	[dreg:$0x4] =	wrdreg $0x9  }
0xb1: {  	_ =	task.clear_ibuf [dreg:s6], $0x5FFFF;
	_ =	strace $0x90000049  }
0xb2: {  	s29 =	simm.s32 $0x9;
	_ =	strace $0x8000004B  }
0xb3: {  	_ =	swait.ge [sflag:s29], $0x1  }
0xb4: {  	[sflag:s29] =	ssyncadd.s32 $0xFFFFFFFF  }
0xb5: {  	_ =	strace $0x9000004B  }
0xb6: {  	_ =	sfence  }
0xb7: {  	s30 =	sld [smem:$0x0];
	_ =	sdelay $0x2  }
0xb8: {  	s31 =	sshll.u32 s1, $0xD;
	s1 =	sshrl.u32 s1, $0x2  }
0xb9: {  	s3 =	sand.u32 $0x4000, s31;
	s1 =	sadd.s32 s1, s30  }
0xba: {  	s0 =	sor.u32 s3, s0;
	s1 =	sshll.u32 s1, $0x11  }
0xbb: {  	s0 =	sor.u32 s1, s0  }
0xbc: {  	s0 =	sadd.s32 $0x8F2B, s0  }
0xbd: {  	[sflag:s0] =	ssyncadd.remote.s32 $0x1  }
0xbe: {  	_ =	sfence.sel $0xFFFF  }
0xbf: {  	[dreg:$0x0] =	wrdreg $0xFFFFFFFF;
	(pc) =	sbr.abs _section_cstart, $3  }
0xc0: {  	[dreg:$0x1] =	wrdreg $0xFFFFFFFF  }
0xc1: {  	_ =	task.clear_ibuf [dreg:s6], $0x2FFFF;
	_ =	strace $0x9FFFFFFF  }
0xc2: {  	(tm) =	ssettm $0x7FFFFFFF  }
0xc3: {  	_ =	shalt  }
tec
execute0_lowered:
.L_overlay_start_1:
0x0: {  	(tag) =	ssettag $0x1  }
0x1: {  	s0 =	srdreg.scid;
	s6 =	rddreg [dreg:$0x0]  }
0x2: {  	s2 =	rddreg [dreg:$0x1];
	s3 =	simm.s32 $0x0;
	s14 =	simm.s32 $0x6780  }
0x3: {  	s15 =	simm.s32 $0x50;
	s16 =	simm.s32 $0x8F80;
	s17 =	simm.s32 $0x1  }
0x4: {  	s18 =	simm.s32 $0x2;
	s19 =	simm.s32 $0x6580;
	s5 =	sand.u32 $0x1, s0  }
0x5: {  	s20 =	simm.s32 $0x0;
	s0 =	stileid.u32;
	s9 =	smul.u32 $0x138800, s5  }
0x6: {  	[smem:$0x7FF] =	sst s3;
	s4 =	sadd.s32 $0x46400, s6;
	s10 =	smul.u32 $0x1F400, s0  }
0x7: {  	s1 =	sshll.u32 s5, $0x4;
	s11 =	smul.u32 $0x3E80, s0;
	s5 =	ssub.s32 $0x2, s5  }
0x8: {  	s29 =	smul.u32 $0x7D000, s0;
	p0 =	sgt.u32 s0, $0x9;
	s7 =	sor.u32 s0, s1  }
0x9: {  	s1 =	rddreg [dreg:$0x2];
	_ =	strace $0x8000004A;
	s30 =	sshrl.u32 s5, $0x1  }
0xa: {  	s8 =	smul.u32 $0x4E2, s7;
	s7 =	sshll.u32 s7, $0xB;
	s9 =	sadd.s32 s10, s9  }
0xb: {  	s11 =	sadd.s32 s11, s6;
	s12 =	ssub.s32 s5, s30;
	s31 =	sshrl.u32 s29, $0x2  }
0xc: {  	s10 =	simm.s32 $0x3;
	s7 =	sadd.s32 s7, s6;
	s9 =	sshrl.u32 s9, $0x3  }
0xd: {  	s13 =	sadd.s32 s31, s2;
	s8 =	sadd.s32 s8, s6;
	s9 =	sadd.s32 s9, s6  }
0xe: {  	s6 =	sadd.s32 $0xF200, s7;
	s7 =	sadd.s32 $0x1F200, s11;
	s5 =	sadd.s32 $0x5400, s8  }
0xf: {  	s8 =	sadd.s32 $0x6D600, s9;
	s9 =	smax.u32 s12, $0x1;
	s12 =	sshll.u32 @!p0 s0, $0x6  }
0x10: {  	s11 =	simm.s32 $0x2780;
	s13 =	sshrl.u32 @!p0 s13, $0x3;
	s12 =	sor.u32 @!p0 $0x1C03, s12  }
.LBB2_1:
0x11: {  	[tilespmem:s3], [sflag:$0x3] =	stream.linear.gather [hbm4b:s5+s3], $0x2710, $0x38;
	[tilespmem:$0x1F000] =	vst v63  }
0x12: {  	_ =	swait.ge [sflag:s10], $0x2710  }
0x13: {  	[sflag:s10] =	ssyncset.done $0x0  }
0x14: {  	[sflag:s10] =	ssyncadd.s32 $0xFFFFD8F0  }
0x15: {  	[tilespmem:s11], [sflag:$0x3] =	stream.linear.gather [hbm4b:s6+s3], $0x3E80, $0x38;
	[tilespmem:$0x1F000] =	vst v63  }
0x16: {  	_ =	swait.ge [sflag:s10], $0x3E80  }
0x17: {  	[sflag:s10] =	ssyncset.done $0x0  }
0x18: {  	s21 =	simm.s32 @!p0 $0x3;
	[sflag:s10] =	ssyncadd.s32 $0xFFFFC180  }
0x19: {  	[spmem:s13], [sflag:s12] =	dma.local @!p0 [hbm:s7], $0x3E80  }
0x1a: {  	_ =	swait.ge @!p0 [sflag:s21], $0x3E80  }
0x1b: {  	[sflag:s21] =	ssyncset.done @!p0 $0x0  }
0x1c: {  	[sflag:s21] =	ssyncadd.s32 @!p0 $0xFFFFC180  }
0x1d: {  	[tilespmem:s14], [sflag:$0x1] =	stream.indirect.gather [hbm4b:s4+s15], $0x80, s3, s15, $0xb8;
	[tilespmem:$0x1F000] =	vst v63  }
0x1e: {  	[bflag:$0x0] =	sbarrier.arrive $0xFFFF  }
0x1f: {  	[tilespmem:s16], [sflag:$0x2] =	stream.indirect.gather [hbm4b:s4+s15], $0x80, s15, s15, $0xb8;
	[tilespmem:$0x1F000] =	vst v63  }
0x20: {  	_ =	swait.ge [sflag:s17], $0x2800  }
0x21: {  	[sflag:s17] =	ssyncset.done $0x0  }
0x22: {  	s29 =	simm.s32 $0x2780;
	[sflag:s17] =	ssyncadd.s32 $0xFFFFD800  }
0x23: {  	[spmem:s2] =	stream.indirect.scatter.add.f32 [tilespmem:s14], [sflag:$0x3], $0x80, s29, s15, $0xb8;
	[tilespmem:$0x1F000] =	vst v63  }
0x24: {  	_ =	swait.ge [sflag:s10], $0x2800  }
0x25: {  	[sflag:s10] =	ssyncset.done $0x0  }
0x26: {  	s30 =	simm.s32 $0xA0;
	[sflag:s10] =	ssyncadd.s32 $0xFFFFD800  }
0x27: {  	[tilespmem:s14], [sflag:$0x1] =	stream.indirect.gather [hbm4b:s4+s15], $0x80, s30, s15, $0xb8;
	[tilespmem:$0x1F000] =	vst v63  }
0x28: {  	_ =	swait.ge [sflag:s18], $0x2800  }
0x29: {  	[sflag:s18] =	ssyncset.done $0x0  }
0x2a: {  	s31 =	simm.s32 $0x2800;
	[sflag:s18] =	ssyncadd.s32 $0xFFFFD800  }
0x2b: {  	[spmem:s2] =	stream.indirect.scatter.add.f32 [tilespmem:s16], [sflag:$0x3], $0x80, s31, s15, $0xb8;
	[tilespmem:$0x1F000] =	vst v63  }
0x2c: {  	_ =	swait.ge [sflag:s10], $0x2800  }
0x2d: {  	s22 =	simm.s32 $0x50;
	s21 =	simm.s32 $0x400;
	[sflag:s10] =	ssyncset.done $0x0  }
.LBB2_2:
0x2e: {  	p1 =	sne.s32 s21, $0xF400;
	[sflag:s10] =	ssyncadd.s32 $0xFFFFD800;
	s22 =	sadd.s32 $0xA0, s22  }
0x2f: {  	[tilespmem:s16], [sflag:$0x2] =	stream.indirect.gather [hbm4b:s4+s15], $0x80, s22, s15, $0xb8;
	[tilespmem:$0x1F000] =	vst v63  }
0x30: {  	s23 =	smov.u32 s21;
	s21 =	sadd.s32 $0x400, s21;
	_ =	swait.ge [sflag:s17], $0x2800  }
0x31: {  	s23 =	sshra.s32 s23, $0x2;
	[sflag:s17] =	ssyncset.done $0x0  }
0x32: {  	s24 =	sadd.s32 $0x2780, s23;
	[sflag:s17] =	ssyncadd.s32 $0xFFFFD800  }
0x33: {  	[spmem:s2] =	stream.indirect.scatter.add.f32 [tilespmem:s14], [sflag:$0x3], $0x80, s24, s15, $0xb8;
	[tilespmem:$0x1F000] =	vst v63  }
0x34: {  	_ =	swait.ge [sflag:s10], $0x2800  }
0x35: {  	[sflag:s10] =	ssyncset.done $0x0  }
0x36: {  	s24 =	sadd.s32 $0x50, s22;
	[sflag:s10] =	ssyncadd.s32 $0xFFFFD800  }
0x37: {  	[tilespmem:s14], [sflag:$0x1] =	stream.indirect.gather [hbm4b:s4+s15], $0x80, s24, s15, $0xb8;
	[tilespmem:$0x1F000] =	vst v63  }
0x38: {  	_ =	swait.ge [sflag:s18], $0x2800  }
.Ltmp0:
0x39: {  	[sflag:s18] =	ssyncset.done $0x0;
	(pc) =	sbr.rel @p1 .LBB2_2-.Ltmp0, $4  }
0x3a: {  	s23 =	sadd.s32 $0x2800, s23;
	[sflag:s18] =	ssyncadd.s32 $0xFFFFD800  }
0x3b: {  	[spmem:s2] =	stream.indirect.scatter.add.f32 [tilespmem:s16], [sflag:$0x3], $0x80, s23, s15, $0xb8;
	[tilespmem:$0x1F000] =	vst v63  }
0x3c: {  	_ =	swait.ge [sflag:s10], $0x2800  }
0x3d: {  	[sflag:s10] =	ssyncset.done $0x0  }
0x3e: {  	[sflag:s10] =	ssyncadd.s32 $0xFFFFD800  }
0x3f: {  	_ =	swait.ge [sflag:s17], $0x2800  }
0x40: {  	[sflag:s17] =	ssyncset.done $0x0  }
0x41: {  	[sflag:s17] =	ssyncadd.s32 $0xFFFFD800  }
0x42: {  	[spmem:s2] =	stream.indirect.scatter.add.f32 [tilespmem:s14], [sflag:$0x3], $0x80, s19, s15, $0xb8;
	[tilespmem:$0x1F000] =	vst v63  }
0x43: {  	_ =	swait.ge [sflag:s10], $0x2800  }
0x44: {  	s20 =	sadd.s32 $0x1, s20;
	[sflag:s10] =	ssyncset.done $0x0  }
0x45: {  	p1 =	sne.s32 s20, s9;
	[sflag:s10] =	ssyncadd.s32 $0xFFFFD800  }
.Ltmp1:
0x46: {  	s21 =	simm.s32 @!p0 $0x3;
	[bflag:$0x0] =	sbarrier.arrive $0xFFFF;
	(pc) =	sbr.rel @p1 .LBB2_1-.Ltmp1, $4  }
0x47: {  	[hbm:s8], [sflag:s12] =	dma.local @!p0 [spmem:s13], $0x3E80  }
0x48: {  	_ =	swait.ge @!p0 [sflag:s21], $0x3E80  }
0x49: {  	[sflag:s21] =	ssyncset.done @!p0 $0x0  }
0x4a: {  	[sflag:s21] =	ssyncadd.s32 @!p0 $0xFFFFC180  }
0x4b: {  	_ =	sfence.sel $0x180000  }
0x4c: {  	[bflag:$0x0] =	sbarrier.arrive $0xFFFF  }
0x4d: {  	p0 =	sne.s32 s0, $0x0;
	_ =	strace $0x9000004A  }
0x4e: {  	s0 =	sadd.s32 @!p0 $0x100000, s1;
	[bflag:$0x2] =	sbarrier.arrive $0xFFFF  }
0x4f: {  	[sflag:s0] =	ssyncadd.tile.s32 @!p0 $0x1;
	_ =	shalt  }
.Lfunc_end2:
_tile_overlayer_lowered:
.L_overlay_start_2:
0x50: {  	(tag) =	ssettag $0x2  }
0x51: {  	s0 =	rddreg [dreg:$0x0];
	s2 =	stileid.u32  }
0x52: {  	s1 =	rddreg [dreg:$0x1];
	p0 =	sne.s32 s2, $0x0  }
0x53: {  	s3 =	rddreg [dreg:$0x2];
	[bflag:$0x3] =	sbarrier.arrive $0xFFFF;
	s2 =	simm.s32 @!p0 $0x1C03  }
0x54: {  	[timem:s3], [sflag:s2] =	dma.local @!p0 [hbm:s0], s1  }
0x55: {  	s0 =	simm.s32 @!p0 $0x3  }
0x56: {  	_ =	swait.ge @!p0 [sflag:s0], s1  }
0x57: {  	s1 =	ssub.s32 @!p0 $0x0, s1;
	[sflag:s0] =	ssyncset.done @!p0 $0x0  }
0x58: {  	[sflag:s0] =	ssyncadd.s32 @!p0 s1  }
0x59: {  	[bflag:$0x3] =	sbarrier.arrive $0xFFFF  }
0x5a: {  	_ =	shalt  }

// kernel: kernel.18.cloned.1.call-start
scs
__scs_entry_jumppad:
0x0: {  	(pc) =	sbr.rel $0x88, $3  }
0x1: {  	(tag) =	ssettag $0x0;
	lr =	simm.s32 $0x1  }
0x2: {  	[smem:$0x3F89] =	sst lr;
	_ =	strace $0xD0000000  }
0x3: {  	_ = 	snop  }
0x4: {  	_ = 	snop  }
0x5: {  	_ = 	snop  }
0x6: {  	_ = 	snop  }
0x7: {  	_ = 	snop  }
__scs_overlays_trampoline_lowered:
0x8: {  	[smem:$0x3F98] =	sst s0  }
0x9: {  	[smem:$0x3F99] =	sst s1  }
0xa: {  	[smem:$0x3F9A] =	sst s2  }
0xb: {  	[smem:$0x3F9B] =	sst s3  }
0xc: {  	[smem:$0x3F9C] =	sst s4  }
0xd: {  	[smem:$0x3F9D] =	sst s5  }
0xe: {  	[smem:$0x3F9E] =	sst s6  }
0xf: {  	[smem:$0x3F9F] =	sst s7  }
0x10: {  	[smem:$0x3FA0] =	sst s8  }
0x11: {  	[smem:$0x3FA1] =	sst s9;
	s0 =	simm.s32 @!p0 $0x0  }
0x12: {  	s1 =	sld [smem:$0x3F87];
	s0 =	simm.s32 @p0 $0x1  }
0x13: {  	[smem:$0x3FA2] =	sst s0;
	s0 =	simm.s32 @!p1 $0x0  }
0x14: {  	s2 =	sld [smem:$0x3F86];
	s0 =	simm.s32 @p1 $0x1  }
0x15: {  	[smem:$0x3FA3] =	sst s0;
	s0 =	simm.s32 @!p2 $0x0  }
0x16: {  	s3 =	sld [smem:$0x3FDB];
	s0 =	simm.s32 @p2 $0x1  }
0x17: {  	s4 =	simm.s32 $0x1BF5;
	[smem:$0x3FA5] =	sst s0  }
0x18: {  	s0 =	sld [smem:$0x3F88];
	_ =	swait.ge [sflag:s4], $0x0  }
0x19: {  	s7 =	sld [smem:$0x3F89]  }
0x1a: {  	s8 =	sadd.s32 $0xFFFFE003, lr  }
0x1b: {  	s9 =	sadd.s32 $0xFFFFFEF7, lr;
	s5 =	simm.s32 $0xFFFFFFFF;
	p2 =	slt.u32 s8, $0xFFFFF086  }
0x1c: {  	p1 =	slt.u32 s9, $0xF7A;
	s5 =	simm.s32 @!p2 $0x0  }
0x1d: {  	s5 =	simm.s32 @p1 $0x1;
	p0 =	seq.s32 s7, s2  }
0x1e: {  	s7 =	smul.u32 @!p0 $0xF7A, s2;
	p2 =	seq.s32 @!p0 s5, $0x0  }
0x1f: {  	s9 =	smul.u32 $0xF7A, s1;
	s8 =	simm.s32 @!p0 $0x1BF5;
	p2 =	por !p2, p0  }
0x20: {  	[sflag:s8] =	ssyncset.s32 @!p0 $0xFFFFF086;
	s6 =	sadd.s32 @!p0 s3, s7;
	s7 =	simm.s32 @!p0 $0x108  }
0x21: {  	s3 =	sadd.s32 s3, s9;
	s6 =	sadd.s32 @!p0 $0x88, s6;
	s7 =	simm.s32 @p2 $0x1082  }
0x22: {  	[simem:s7], [sflag:s8] =	dma.local @!p0 [hbm:s6], $0xF7A  }
0x23: {  	s9 =	sor.u32 $0xD0000000, s2;
	s6 =	simm.s32 $0x108;
	_ =	swait.ge @!p0 [sflag:s8], $0x0  }
0x24: {  	s3 =	sadd.s32 $0x88, s3;
	s6 =	simm.s32 @!p1 $0x1082;
	[sflag:s4] =	ssyncset.s32 $0xFFFFF086  }
0x25: {  	[simem:s6], [sflag:s4] =	dma.local [hbm:s3], $0xF7A  }
0x26: {  	[smem:$0x3F89] =	sst s1;
	(tag) =	ssettag s2;
	_ =	strace s9  }
0x27: {  	s1 =	sld [smem:$0x3F99]  }
0x28: {  	s2 =	sld [smem:$0x3F9A]  }
0x29: {  	s4 =	sld [smem:$0x3F9C]  }
0x2a: {  	p0 =	seq.s32 s5, $0x0;
	s5 =	sld [smem:$0x3F9D]  }
0x2b: {  	s6 =	sld [smem:$0x3F9E]  }
0x2c: {  	s7 =	sld [smem:$0x3F9F]  }
0x2d: {  	s3 =	simm.s32 $0x108;
	s8 =	sld [smem:$0x3FA0]  }
0x2e: {  	s3 =	simm.s32 @!p0 $0x1082;
	s9 =	sld [smem:$0x3FA1]  }
0x2f: {  	lr =	sadd.s32 s0, s3;
	s0 =	sld [smem:$0x3F98]  }
0x30: {  	s3 =	sld [smem:$0x3F9B]  }
0x31: {  	[smem:$0x3FA4] =	sst s10  }
0x32: {  	s10 =	sld [smem:$0x3FA2];
	_ =	sdelay $0x3  }
0x33: {  	p0 =	seq.s32 s10, $0x1;
	s10 =	sld [smem:$0x3FA4];
	_ =	sdelay $0x3  }
0x34: {  	[smem:$0x3FA4] =	sst s10  }
0x35: {  	s10 =	sld [smem:$0x3FA3];
	_ =	sdelay $0x3  }
0x36: {  	p1 =	seq.s32 s10, $0x1;
	s10 =	sld [smem:$0x3FA4];
	_ =	sdelay $0x3  }
0x37: {  	[smem:$0x3FA4] =	sst s10  }
0x38: {  	s10 =	sld [smem:$0x3FA5]  }
0x39: {  	_ = 	snop;
	(pc) =	sbr.ind lr, $3  }
0x3a: {  	_ = 	snop  }
0x3b: {  	_ = 	snop  }
0x3c: {  	p2 =	seq.s32 s10, $0x1;
	s10 =	sld [smem:$0x3FA4]  }
0x3d: {  	_ =	shalt  }
0x3e: {  	_ =	shalt  }
0x3f: {  	_ =	shalt  }
0x40: {  	_ =	shalt  }
0x41: {  	_ =	shalt  }
0x42: {  	_ =	shalt  }
0x43: {  	_ =	shalt  }
0x44: {  	_ =	shalt  }
0x45: {  	_ =	shalt  }
0x46: {  	_ =	shalt  }
0x47: {  	_ =	shalt  }
0x48: {  	_ =	shalt  }
0x49: {  	_ =	shalt  }
0x4a: {  	_ =	shalt  }
0x4b: {  	_ =	shalt  }
0x4c: {  	_ =	shalt  }
0x4d: {  	_ =	shalt  }
0x4e: {  	_ =	shalt  }
0x4f: {  	_ =	shalt  }
0x50: {  	_ =	shalt  }
0x51: {  	_ =	shalt  }
0x52: {  	_ =	shalt  }
0x53: {  	_ =	shalt  }
0x54: {  	_ =	shalt  }
0x55: {  	_ =	shalt  }
0x56: {  	_ =	shalt  }
0x57: {  	_ =	shalt  }
0x58: {  	_ =	shalt  }
0x59: {  	_ =	shalt  }
0x5a: {  	_ =	shalt  }
0x5b: {  	_ =	shalt  }
0x5c: {  	_ =	shalt  }
0x5d: {  	_ =	shalt  }
0x5e: {  	_ =	shalt  }
0x5f: {  	_ =	shalt  }
0x60: {  	_ =	shalt  }
0x61: {  	_ =	shalt  }
0x62: {  	_ =	shalt  }
0x63: {  	_ =	shalt  }
0x64: {  	_ =	shalt  }
0x65: {  	_ =	shalt  }
0x66: {  	_ =	shalt  }
0x67: {  	_ =	shalt  }
0x68: {  	_ =	shalt  }
0x69: {  	_ =	shalt  }
0x6a: {  	_ =	shalt  }
0x6b: {  	_ =	shalt  }
0x6c: {  	_ =	shalt  }
0x6d: {  	_ =	shalt  }
0x6e: {  	_ =	shalt  }
0x6f: {  	_ =	shalt  }
0x70: {  	_ =	shalt  }
0x71: {  	_ =	shalt  }
0x72: {  	_ =	shalt  }
0x73: {  	_ =	shalt  }
0x74: {  	_ =	shalt  }
0x75: {  	_ =	shalt  }
0x76: {  	_ =	shalt  }
0x77: {  	_ =	shalt  }
0x78: {  	_ =	shalt  }
0x79: {  	_ =	shalt  }
0x7a: {  	_ =	shalt  }
0x7b: {  	_ =	shalt  }
0x7c: {  	_ =	shalt  }
0x7d: {  	_ =	shalt  }
0x7e: {  	_ =	shalt  }
0x7f: {  	_ =	shalt  }
0x80: {  	_ =	shalt  }
0x81: {  	_ =	shalt  }
0x82: {  	_ =	shalt  }
0x83: {  	_ =	shalt  }
0x84: {  	_ =	shalt  }
0x85: {  	_ =	shalt  }
0x86: {  	_ =	shalt  }
0x87: {  	_ =	shalt  }
.Lfunc_end0:
.L_simem_size_0:
called_computation.2_lowered:
.L_overlay_start_0:
0x88: {  	s2 =	sld [smem:$0x3FD9]  }
0x89: {  	s3 =	sld [smem:$0x3FFE];
	_ =	sdelay $0x1  }
0x8a: {  	s1 =	srdreg.scid  }
0x8b: {  	s0 =	sand.u32 $0x1, s1  }
0x8c: {  	s16 =	sshll.u32 s0, $0xA;
	s2 =	sadd.s32 s3, s2  }
0x8d: {  	s2 =	sadd.s32 s2, s16  }
0x8e: {  	[smem:$0x3FB0] =	sst s2  }
0x8f: {  	_ = 	snop  }
0x90: {  	(tm) =	ssettm $0x1  }
0x91: {  	s17 =	sld [smem:$0x3FFB];
	_ =	sdelay $0x3  }
0x92: {  	_ =	strace s17  }
0x93: {  	s2 =	sld [smem:$0x3FFC];
	_ =	sdelay $0x3  }
0x94: {  	_ =	strace s2  }
0x95: {  	s2 =	sld [smem:$0x3FFD];
	_ =	sdelay $0x3  }
0x96: {  	_ =	strace s2  }
0x97: {  	_ =	strace $0x8FFFFFFF  }
0x98: {  	s18 =	sld [smem:$0x3FDB];
	_ =	sdelay $0x1  }
0x99: {  	s19 =	simm.s32 $_scs_section_size  }
0x9a: {  	s4 =	simm.s32 $_size__tile_overlayer_lowered;
	s5 =	simm.s32 $_tile_overlayer_lowered  }
0x9b: {  	s22 =	simm.s32 $0x1BFF;
	s21 =	sshll.u32 s5, $0x1;
	s2 =	sadd.s32 s19, s18  }
0x9c: {  	s6 =	simm.s32 $0x0;
	s20 =	sshll.u32 s4, $0x1;
	s4 =	sadd.s32 s21, s2  }
0x9d: {  	[timem:s6], [sflag:s22] =	dma.local [hbm:s4], s20  }
0x9e: {  	_ =	swait.ge [sflag:s22], s20  }
0x9f: {  	s3 =	ssub.s32 $0x0, s20;
	[sflag:s22] =	ssyncset.done $0x0  }
0xa0: {  	[sflag:s22] =	ssyncadd.s32 s3;
	_ =	sdelay $0x1  }
0xa1: {  	s23 =	simm.s32 $0x1B8B  }
0xa2: {  	_ =	swait.ge [sflag:s23], $0x1  }
0xa3: {  	[sflag:s23] =	ssyncset.done $0x0  }
0xa4: {  	s25 =	simm.s32 $0x1B8E;
	s24 =	sld [smem:$0x3FFE];
	[sflag:s23] =	ssyncadd.s32 $0xFFFFFFFF  }
0xa5: {  	s26 =	simm.s32 $execute0_lowered;
	[smem:$0x3FD2] =	sst s25  }
0xa6: {  	s4 =	sshll.u32 s26, $0x1;
	_ =	strace $0x8000004C;
	[dreg:$0x1] =	wrdreg $0xFFFFFFFF  }
0xa7: {  	s28 =	simm.s32 $_size_execute0_lowered;
	s2 =	sadd.s32 s2, s4;
	[dreg:$0x0] =	wrdreg $0x0  }
0xa8: {  	s4 =	sshll.u32 s28, $0x1;
	[dreg:$0x2] =	wrdreg s2  }
0xa9: {  	[dreg:$0x3] =	wrdreg s4  }
0xaa: {  	[dreg:$0x4] =	wrdreg $0xC0  }
0xab: {  	_ =	task [dreg:s6], $0x5FFFF  }
0xac: {  	[dreg:$0x1] =	wrdreg $0xFFFFFFFF  }
0xad: {  	[dreg:$0x0] =	wrdreg $0x60  }
0xae: {  	[dreg:$0x2] =	wrdreg s24  }
0xaf: {  	[dreg:$0x3] =	wrdreg $0xB7800  }
0xb0: {  	[dreg:$0x4] =	wrdreg $0x9  }
0xb1: {  	_ =	task.clear_ibuf [dreg:s6], $0x5FFFF;
	_ =	strace $0x9000004C  }
0xb2: {  	s29 =	simm.s32 $0x9;
	_ =	strace $0x8000004E  }
0xb3: {  	_ =	swait.ge [sflag:s29], $0x1  }
0xb4: {  	[sflag:s29] =	ssyncadd.s32 $0xFFFFFFFF  }
0xb5: {  	_ =	strace $0x9000004E  }
0xb6: {  	_ =	sfence  }
0xb7: {  	s30 =	sld [smem:$0x0];
	_ =	sdelay $0x2  }
0xb8: {  	s31 =	sshll.u32 s1, $0xD;
	s1 =	sshrl.u32 s1, $0x2  }
0xb9: {  	s3 =	sand.u32 $0x4000, s31;
	s1 =	sadd.s32 s1, s30  }
0xba: {  	s0 =	sor.u32 s3, s0;
	s1 =	sshll.u32 s1, $0x11  }
0xbb: {  	s0 =	sor.u32 s1, s0  }
0xbc: {  	s0 =	sadd.s32 $0x8F2B, s0  }
0xbd: {  	[sflag:s0] =	ssyncadd.remote.s32 $0x1  }
0xbe: {  	_ =	sfence.sel $0xFFFF  }
0xbf: {  	[dreg:$0x0] =	wrdreg $0xFFFFFFFF;
	(pc) =	sbr.abs _section_cstart, $3  }
0xc0: {  	[dreg:$0x1] =	wrdreg $0xFFFFFFFF  }
0xc1: {  	_ =	task.clear_ibuf [dreg:s6], $0x2FFFF;
	_ =	strace $0x9FFFFFFF  }
0xc2: {  	(tm) =	ssettm $0x7FFFFFFF  }
0xc3: {  	_ =	shalt  }
tec
execute0_lowered:
.L_overlay_start_1:
0x0: {  	(tag) =	ssettag $0x1  }
0x1: {  	s0 =	srdreg.scid;
	s6 =	rddreg [dreg:$0x0]  }
0x2: {  	s2 =	rddreg [dreg:$0x1];
	s3 =	simm.s32 $0x0;
	s14 =	simm.s32 $0x6780  }
0x3: {  	s15 =	simm.s32 $0x50;
	s16 =	simm.s32 $0x8F80;
	s17 =	simm.s32 $0x1  }
0x4: {  	s18 =	simm.s32 $0x2;
	s19 =	simm.s32 $0x6580;
	s5 =	sand.u32 $0x1, s0  }
0x5: {  	s20 =	simm.s32 $0x0;
	s0 =	stileid.u32;
	s9 =	smul.u32 $0x138800, s5  }
0x6: {  	[smem:$0x7FF] =	sst s3;
	s4 =	sadd.s32 $0x46400, s6;
	s10 =	smul.u32 $0x1F400, s0  }
0x7: {  	s1 =	sshll.u32 s5, $0x4;
	s11 =	smul.u32 $0x3E80, s0;
	s5 =	ssub.s32 $0x2, s5  }
0x8: {  	s29 =	smul.u32 $0x7D000, s0;
	p0 =	sgt.u32 s0, $0x9;
	s7 =	sor.u32 s0, s1  }
0x9: {  	s1 =	rddreg [dreg:$0x2];
	_ =	strace $0x8000004D;
	s30 =	sshrl.u32 s5, $0x1  }
0xa: {  	s8 =	smul.u32 $0x4E2, s7;
	s7 =	sshll.u32 s7, $0xB;
	s9 =	sadd.s32 s10, s9  }
0xb: {  	s11 =	sadd.s32 s11, s6;
	s12 =	ssub.s32 s5, s30;
	s31 =	sshrl.u32 s29, $0x2  }
0xc: {  	s10 =	simm.s32 $0x3;
	s7 =	sadd.s32 s7, s6;
	s9 =	sshrl.u32 s9, $0x3  }
0xd: {  	s13 =	sadd.s32 s31, s2;
	s8 =	sadd.s32 s8, s6;
	s9 =	sadd.s32 s9, s6  }
0xe: {  	s6 =	sadd.s32 $0xF200, s7;
	s7 =	sadd.s32 $0x1F200, s11;
	s5 =	sadd.s32 $0x5400, s8  }
0xf: {  	s8 =	sadd.s32 $0x6D600, s9;
	s9 =	smax.u32 s12, $0x1;
	s12 =	sshll.u32 @!p0 s0, $0x6  }
0x10: {  	s11 =	simm.s32 $0x2780;
	s13 =	sshrl.u32 @!p0 s13, $0x3;
	s12 =	sor.u32 @!p0 $0x1C03, s12  }
.LBB2_1:
0x11: {  	[tilespmem:s3], [sflag:$0x3] =	stream.linear.gather [hbm4b:s5+s3], $0x2710, $0x38;
	[tilespmem:$0x1F000] =	vst v63  }
0x12: {  	_ =	swait.ge [sflag:s10], $0x2710  }
0x13: {  	[sflag:s10] =	ssyncset.done $0x0  }
0x14: {  	[sflag:s10] =	ssyncadd.s32 $0xFFFFD8F0  }
0x15: {  	[tilespmem:s11], [sflag:$0x3] =	stream.linear.gather [hbm4b:s6+s3], $0x3E80, $0x38;
	[tilespmem:$0x1F000] =	vst v63  }
0x16: {  	_ =	swait.ge [sflag:s10], $0x3E80  }
0x17: {  	[sflag:s10] =	ssyncset.done $0x0  }
0x18: {  	s21 =	simm.s32 @!p0 $0x3;
	[sflag:s10] =	ssyncadd.s32 $0xFFFFC180  }
0x19: {  	[spmem:s13], [sflag:s12] =	dma.local @!p0 [hbm:s7], $0x3E80  }
0x1a: {  	_ =	swait.ge @!p0 [sflag:s21], $0x3E80  }
0x1b: {  	[sflag:s21] =	ssyncset.done @!p0 $0x0  }
0x1c: {  	[sflag:s21] =	ssyncadd.s32 @!p0 $0xFFFFC180  }
0x1d: {  	[tilespmem:s14], [sflag:$0x1] =	stream.indirect.gather [hbm4b:s4+s15], $0x80, s3, s15, $0xb8;
	[tilespmem:$0x1F000] =	vst v63  }
0x1e: {  	[bflag:$0x0] =	sbarrier.arrive $0xFFFF  }
0x1f: {  	[tilespmem:s16], [sflag:$0x2] =	stream.indirect.gather [hbm4b:s4+s15], $0x80, s15, s15, $0xb8;
	[tilespmem:$0x1F000] =	vst v63  }
0x20: {  	_ =	swait.ge [sflag:s17], $0x2800  }
0x21: {  	[sflag:s17] =	ssyncset.done $0x0  }
0x22: {  	s29 =	simm.s32 $0x2780;
	[sflag:s17] =	ssyncadd.s32 $0xFFFFD800  }
0x23: {  	[spmem:s2] =	stream.indirect.scatter.add.f32 [tilespmem:s14], [sflag:$0x3], $0x80, s29, s15, $0xb8;
	[tilespmem:$0x1F000] =	vst v63  }
0x24: {  	_ =	swait.ge [sflag:s10], $0x2800  }
0x25: {  	[sflag:s10] =	ssyncset.done $0x0  }
0x26: {  	s30 =	simm.s32 $0xA0;
	[sflag:s10] =	ssyncadd.s32 $0xFFFFD800  }
0x27: {  	[tilespmem:s14], [sflag:$0x1] =	stream.indirect.gather [hbm4b:s4+s15], $0x80, s30, s15, $0xb8;
	[tilespmem:$0x1F000] =	vst v63  }
0x28: {  	_ =	swait.ge [sflag:s18], $0x2800  }
0x29: {  	[sflag:s18] =	ssyncset.done $0x0  }
0x2a: {  	s31 =	simm.s32 $0x2800;
	[sflag:s18] =	ssyncadd.s32 $0xFFFFD800  }
0x2b: {  	[spmem:s2] =	stream.indirect.scatter.add.f32 [tilespmem:s16], [sflag:$0x3], $0x80, s31, s15, $0xb8;
	[tilespmem:$0x1F000] =	vst v63  }
0x2c: {  	_ =	swait.ge [sflag:s10], $0x2800  }
0x2d: {  	s22 =	simm.s32 $0x50;
	s21 =	simm.s32 $0x400;
	[sflag:s10] =	ssyncset.done $0x0  }
.LBB2_2:
0x2e: {  	p1 =	sne.s32 s21, $0xF400;
	[sflag:s10] =	ssyncadd.s32 $0xFFFFD800;
	s22 =	sadd.s32 $0xA0, s22  }
0x2f: {  	[tilespmem:s16], [sflag:$0x2] =	stream.indirect.gather [hbm4b:s4+s15], $0x80, s22, s15, $0xb8;
	[tilespmem:$0x1F000] =	vst v63  }
0x30: {  	s23 =	smov.u32 s21;
	s21 =	sadd.s32 $0x400, s21;
	_ =	swait.ge [sflag:s17], $0x2800  }
0x31: {  	s23 =	sshra.s32 s23, $0x2;
	[sflag:s17] =	ssyncset.done $0x0  }
0x32: {  	s24 =	sadd.s32 $0x2780, s23;
	[sflag:s17] =	ssyncadd.s32 $0xFFFFD800  }
0x33: {  	[spmem:s2] =	stream.indirect.scatter.add.f32 [tilespmem:s14], [sflag:$0x3], $0x80, s24, s15, $0xb8;
	[tilespmem:$0x1F000] =	vst v63  }
0x34: {  	_ =	swait.ge [sflag:s10], $0x2800  }
0x35: {  	[sflag:s10] =	ssyncset.done $0x0  }
0x36: {  	s24 =	sadd.s32 $0x50, s22;
	[sflag:s10] =	ssyncadd.s32 $0xFFFFD800  }
0x37: {  	[tilespmem:s14], [sflag:$0x1] =	stream.indirect.gather [hbm4b:s4+s15], $0x80, s24, s15, $0xb8;
	[tilespmem:$0x1F000] =	vst v63  }
0x38: {  	_ =	swait.ge [sflag:s18], $0x2800  }
.Ltmp0:
0x39: {  	[sflag:s18] =	ssyncset.done $0x0;
	(pc) =	sbr.rel @p1 .LBB2_2-.Ltmp0, $4  }
0x3a: {  	s23 =	sadd.s32 $0x2800, s23;
	[sflag:s18] =	ssyncadd.s32 $0xFFFFD800  }
0x3b: {  	[spmem:s2] =	stream.indirect.scatter.add.f32 [tilespmem:s16], [sflag:$0x3], $0x80, s23, s15, $0xb8;
	[tilespmem:$0x1F000] =	vst v63  }
0x3c: {  	_ =	swait.ge [sflag:s10], $0x2800  }
0x3d: {  	[sflag:s10] =	ssyncset.done $0x0  }
0x3e: {  	[sflag:s10] =	ssyncadd.s32 $0xFFFFD800  }
0x3f: {  	_ =	swait.ge [sflag:s17], $0x2800  }
0x40: {  	[sflag:s17] =	ssyncset.done $0x0  }
0x41: {  	[sflag:s17] =	ssyncadd.s32 $0xFFFFD800  }
0x42: {  	[spmem:s2] =	stream.indirect.scatter.add.f32 [tilespmem:s14], [sflag:$0x3], $0x80, s19, s15, $0xb8;
	[tilespmem:$0x1F000] =	vst v63  }
0x43: {  	_ =	swait.ge [sflag:s10], $0x2800  }
0x44: {  	s20 =	sadd.s32 $0x1, s20;
	[sflag:s10] =	ssyncset.done $0x0  }
0x45: {  	p1 =	sne.s32 s20, s9;
	[sflag:s10] =	ssyncadd.s32 $0xFFFFD800  }
.Ltmp1:
0x46: {  	s21 =	simm.s32 @!p0 $0x3;
	[bflag:$0x0] =	sbarrier.arrive $0xFFFF;
	(pc) =	sbr.rel @p1 .LBB2_1-.Ltmp1, $4  }
0x47: {  	[hbm:s8], [sflag:s12] =	dma.local @!p0 [spmem:s13], $0x3E80  }
0x48: {  	_ =	swait.ge @!p0 [sflag:s21], $0x3E80  }
0x49: {  	[sflag:s21] =	ssyncset.done @!p0 $0x0  }
0x4a: {  	[sflag:s21] =	ssyncadd.s32 @!p0 $0xFFFFC180  }
0x4b: {  	_ =	sfence.sel $0x180000  }
0x4c: {  	[bflag:$0x0] =	sbarrier.arrive $0xFFFF  }
0x4d: {  	p0 =	sne.s32 s0, $0x0;
	_ =	strace $0x9000004D  }
0x4e: {  	s0 =	sadd.s32 @!p0 $0x100000, s1;
	[bflag:$0x2] =	sbarrier.arrive $0xFFFF  }
0x4f: {  	[sflag:s0] =	ssyncadd.tile.s32 @!p0 $0x1;
	_ =	shalt  }
.Lfunc_end2:
_tile_overlayer_lowered:
.L_overlay_start_2:
0x50: {  	(tag) =	ssettag $0x2  }
0x51: {  	s0 =	rddreg [dreg:$0x0];
	s2 =	stileid.u32  }
0x52: {  	s1 =	rddreg [dreg:$0x1];
	p0 =	sne.s32 s2, $0x0  }
0x53: {  	s3 =	rddreg [dreg:$0x2];
	[bflag:$0x3] =	sbarrier.arrive $0xFFFF;
	s2 =	simm.s32 @!p0 $0x1C03  }
0x54: {  	[timem:s3], [sflag:s2] =	dma.local @!p0 [hbm:s0], s1  }
0x55: {  	s0 =	simm.s32 @!p0 $0x3  }
0x56: {  	_ =	swait.ge @!p0 [sflag:s0], s1  }
0x57: {  	s1 =	ssub.s32 @!p0 $0x0, s1;
	[sflag:s0] =	ssyncset.done @!p0 $0x0  }
0x58: {  	[sflag:s0] =	ssyncadd.s32 @!p0 s1  }
0x59: {  	[bflag:$0x3] =	sbarrier.arrive $0xFFFF  }
0x5a: {  	_ =	shalt  }

// kernel: kernel.21.cloned.1.call-start
scs
__scs_entry_jumppad:
0x0: {  	(pc) =	sbr.rel $0x88, $3  }
0x1: {  	(tag) =	ssettag $0x0;
	lr =	simm.s32 $0x1  }
0x2: {  	[smem:$0x3F89] =	sst lr;
	_ =	strace $0xD0000000  }
0x3: {  	_ = 	snop  }
0x4: {  	_ = 	snop  }
0x5: {  	_ = 	snop  }
0x6: {  	_ = 	snop  }
0x7: {  	_ = 	snop  }
__scs_overlays_trampoline_lowered:
0x8: {  	[smem:$0x3F98] =	sst s0  }
0x9: {  	[smem:$0x3F99] =	sst s1  }
0xa: {  	[smem:$0x3F9A] =	sst s2  }
0xb: {  	[smem:$0x3F9B] =	sst s3  }
0xc: {  	[smem:$0x3F9C] =	sst s4  }
0xd: {  	[smem:$0x3F9D] =	sst s5  }
0xe: {  	[smem:$0x3F9E] =	sst s6  }
0xf: {  	[smem:$0x3F9F] =	sst s7  }
0x10: {  	[smem:$0x3FA0] =	sst s8  }
0x11: {  	[smem:$0x3FA1] =	sst s9;
	s0 =	simm.s32 @!p0 $0x0  }
0x12: {  	s1 =	sld [smem:$0x3F87];
	s0 =	simm.s32 @p0 $0x1  }
0x13: {  	[smem:$0x3FA2] =	sst s0;
	s0 =	simm.s32 @!p1 $0x0  }
0x14: {  	s2 =	sld [smem:$0x3F86];
	s0 =	simm.s32 @p1 $0x1  }
0x15: {  	[smem:$0x3FA3] =	sst s0;
	s0 =	simm.s32 @!p2 $0x0  }
0x16: {  	s3 =	sld [smem:$0x3FDB];
	s0 =	simm.s32 @p2 $0x1  }
0x17: {  	s4 =	simm.s32 $0x1BF5;
	[smem:$0x3FA5] =	sst s0  }
0x18: {  	s0 =	sld [smem:$0x3F88];
	_ =	swait.ge [sflag:s4], $0x0  }
0x19: {  	s7 =	sld [smem:$0x3F89]  }
0x1a: {  	s8 =	sadd.s32 $0xFFFFE003, lr  }
0x1b: {  	s9 =	sadd.s32 $0xFFFFFEF7, lr;
	s5 =	simm.s32 $0xFFFFFFFF;
	p2 =	slt.u32 s8, $0xFFFFF086  }
0x1c: {  	p1 =	slt.u32 s9, $0xF7A;
	s5 =	simm.s32 @!p2 $0x0  }
0x1d: {  	s5 =	simm.s32 @p1 $0x1;
	p0 =	seq.s32 s7, s2  }
0x1e: {  	s7 =	smul.u32 @!p0 $0xF7A, s2;
	p2 =	seq.s32 @!p0 s5, $0x0  }
0x1f: {  	s9 =	smul.u32 $0xF7A, s1;
	s8 =	simm.s32 @!p0 $0x1BF5;
	p2 =	por !p2, p0  }
0x20: {  	[sflag:s8] =	ssyncset.s32 @!p0 $0xFFFFF086;
	s6 =	sadd.s32 @!p0 s3, s7;
	s7 =	simm.s32 @!p0 $0x108  }
0x21: {  	s3 =	sadd.s32 s3, s9;
	s6 =	sadd.s32 @!p0 $0x88, s6;
	s7 =	simm.s32 @p2 $0x1082  }
0x22: {  	[simem:s7], [sflag:s8] =	dma.local @!p0 [hbm:s6], $0xF7A  }
0x23: {  	s9 =	sor.u32 $0xD0000000, s2;
	s6 =	simm.s32 $0x108;
	_ =	swait.ge @!p0 [sflag:s8], $0x0  }
0x24: {  	s3 =	sadd.s32 $0x88, s3;
	s6 =	simm.s32 @!p1 $0x1082;
	[sflag:s4] =	ssyncset.s32 $0xFFFFF086  }
0x25: {  	[simem:s6], [sflag:s4] =	dma.local [hbm:s3], $0xF7A  }
0x26: {  	[smem:$0x3F89] =	sst s1;
	(tag) =	ssettag s2;
	_ =	strace s9  }
0x27: {  	s1 =	sld [smem:$0x3F99]  }
0x28: {  	s2 =	sld [smem:$0x3F9A]  }
0x29: {  	s4 =	sld [smem:$0x3F9C]  }
0x2a: {  	p0 =	seq.s32 s5, $0x0;
	s5 =	sld [smem:$0x3F9D]  }
0x2b: {  	s6 =	sld [smem:$0x3F9E]  }
0x2c: {  	s7 =	sld [smem:$0x3F9F]  }
0x2d: {  	s3 =	simm.s32 $0x108;
	s8 =	sld [smem:$0x3FA0]  }
0x2e: {  	s3 =	simm.s32 @!p0 $0x1082;
	s9 =	sld [smem:$0x3FA1]  }
0x2f: {  	lr =	sadd.s32 s0, s3;
	s0 =	sld [smem:$0x3F98]  }
0x30: {  	s3 =	sld [smem:$0x3F9B]  }
0x31: {  	[smem:$0x3FA4] =	sst s10  }
0x32: {  	s10 =	sld [smem:$0x3FA2];
	_ =	sdelay $0x3  }
0x33: {  	p0 =	seq.s32 s10, $0x1;
	s10 =	sld [smem:$0x3FA4];
	_ =	sdelay $0x3  }
0x34: {  	[smem:$0x3FA4] =	sst s10  }
0x35: {  	s10 =	sld [smem:$0x3FA3];
	_ =	sdelay $0x3  }
0x36: {  	p1 =	seq.s32 s10, $0x1;
	s10 =	sld [smem:$0x3FA4];
	_ =	sdelay $0x3  }
0x37: {  	[smem:$0x3FA4] =	sst s10  }
0x38: {  	s10 =	sld [smem:$0x3FA5]  }
0x39: {  	_ = 	snop;
	(pc) =	sbr.ind lr, $3  }
0x3a: {  	_ = 	snop  }
0x3b: {  	_ = 	snop  }
0x3c: {  	p2 =	seq.s32 s10, $0x1;
	s10 =	sld [smem:$0x3FA4]  }
0x3d: {  	_ =	shalt  }
0x3e: {  	_ =	shalt  }
0x3f: {  	_ =	shalt  }
0x40: {  	_ =	shalt  }
0x41: {  	_ =	shalt  }
0x42: {  	_ =	shalt  }
0x43: {  	_ =	shalt  }
0x44: {  	_ =	shalt  }
0x45: {  	_ =	shalt  }
0x46: {  	_ =	shalt  }
0x47: {  	_ =	shalt  }
0x48: {  	_ =	shalt  }
0x49: {  	_ =	shalt  }
0x4a: {  	_ =	shalt  }
0x4b: {  	_ =	shalt  }
0x4c: {  	_ =	shalt  }
0x4d: {  	_ =	shalt  }
0x4e: {  	_ =	shalt  }
0x4f: {  	_ =	shalt  }
0x50: {  	_ =	shalt  }
0x51: {  	_ =	shalt  }
0x52: {  	_ =	shalt  }
0x53: {  	_ =	shalt  }
0x54: {  	_ =	shalt  }
0x55: {  	_ =	shalt  }
0x56: {  	_ =	shalt  }
0x57: {  	_ =	shalt  }
0x58: {  	_ =	shalt  }
0x59: {  	_ =	shalt  }
0x5a: {  	_ =	shalt  }
0x5b: {  	_ =	shalt  }
0x5c: {  	_ =	shalt  }
0x5d: {  	_ =	shalt  }
0x5e: {  	_ =	shalt  }
0x5f: {  	_ =	shalt  }
0x60: {  	_ =	shalt  }
0x61: {  	_ =	shalt  }
0x62: {  	_ =	shalt  }
0x63: {  	_ =	shalt  }
0x64: {  	_ =	shalt  }
0x65: {  	_ =	shalt  }
0x66: {  	_ =	shalt  }
0x67: {  	_ =	shalt  }
0x68: {  	_ =	shalt  }
0x69: {  	_ =	shalt  }
0x6a: {  	_ =	shalt  }
0x6b: {  	_ =	shalt  }
0x6c: {  	_ =	shalt  }
0x6d: {  	_ =	shalt  }
0x6e: {  	_ =	shalt  }
0x6f: {  	_ =	shalt  }
0x70: {  	_ =	shalt  }
0x71: {  	_ =	shalt  }
0x72: {  	_ =	shalt  }
0x73: {  	_ =	shalt  }
0x74: {  	_ =	shalt  }
0x75: {  	_ =	shalt  }
0x76: {  	_ =	shalt  }
0x77: {  	_ =	shalt  }
0x78: {  	_ =	shalt  }
0x79: {  	_ =	shalt  }
0x7a: {  	_ =	shalt  }
0x7b: {  	_ =	shalt  }
0x7c: {  	_ =	shalt  }
0x7d: {  	_ =	shalt  }
0x7e: {  	_ =	shalt  }
0x7f: {  	_ =	shalt  }
0x80: {  	_ =	shalt  }
0x81: {  	_ =	shalt  }
0x82: {  	_ =	shalt  }
0x83: {  	_ =	shalt  }
0x84: {  	_ =	shalt  }
0x85: {  	_ =	shalt  }
0x86: {  	_ =	shalt  }
0x87: {  	_ =	shalt  }
.Lfunc_end0:
.L_simem_size_0:
called_computation.3_lowered:
.L_overlay_start_0:
0x88: {  	s2 =	sld [smem:$0x3FD9]  }
0x89: {  	s3 =	sld [smem:$0x3FFE];
	_ =	sdelay $0x1  }
0x8a: {  	s1 =	srdreg.scid  }
0x8b: {  	s0 =	sand.u32 $0x1, s1  }
0x8c: {  	s16 =	sshll.u32 s0, $0xA;
	s2 =	sadd.s32 s3, s2  }
0x8d: {  	s2 =	sadd.s32 s2, s16  }
0x8e: {  	[smem:$0x3FB0] =	sst s2  }
0x8f: {  	_ = 	snop  }
0x90: {  	(tm) =	ssettm $0x1  }
0x91: {  	s17 =	sld [smem:$0x3FFB];
	_ =	sdelay $0x3  }
0x92: {  	_ =	strace s17  }
0x93: {  	s2 =	sld [smem:$0x3FFC];
	_ =	sdelay $0x3  }
0x94: {  	_ =	strace s2  }
0x95: {  	s2 =	sld [smem:$0x3FFD];
	_ =	sdelay $0x3  }
0x96: {  	_ =	strace s2  }
0x97: {  	_ =	strace $0x8FFFFFFF  }
0x98: {  	s18 =	sld [smem:$0x3FDB];
	_ =	sdelay $0x1  }
0x99: {  	s19 =	simm.s32 $_scs_section_size  }
0x9a: {  	s4 =	simm.s32 $_size__tile_overlayer_lowered;
	s5 =	simm.s32 $_tile_overlayer_lowered  }
0x9b: {  	s22 =	simm.s32 $0x1BFF;
	s21 =	sshll.u32 s5, $0x1;
	s2 =	sadd.s32 s19, s18  }
0x9c: {  	s6 =	simm.s32 $0x0;
	s20 =	sshll.u32 s4, $0x1;
	s4 =	sadd.s32 s21, s2  }
0x9d: {  	[timem:s6], [sflag:s22] =	dma.local [hbm:s4], s20  }
0x9e: {  	_ =	swait.ge [sflag:s22], s20  }
0x9f: {  	s3 =	ssub.s32 $0x0, s20;
	[sflag:s22] =	ssyncset.done $0x0  }
0xa0: {  	[sflag:s22] =	ssyncadd.s32 s3;
	_ =	sdelay $0x1  }
0xa1: {  	s23 =	simm.s32 $0x1B8B  }
0xa2: {  	_ =	swait.ge [sflag:s23], $0x1  }
0xa3: {  	[sflag:s23] =	ssyncset.done $0x0  }
0xa4: {  	s25 =	simm.s32 $0x1B8E;
	s24 =	sld [smem:$0x3FFE];
	[sflag:s23] =	ssyncadd.s32 $0xFFFFFFFF  }
0xa5: {  	s26 =	simm.s32 $execute0_lowered;
	[smem:$0x3FD2] =	sst s25  }
0xa6: {  	s4 =	sshll.u32 s26, $0x1;
	_ =	strace $0x8000004F;
	[dreg:$0x1] =	wrdreg $0xFFFFFFFF  }
0xa7: {  	s28 =	simm.s32 $_size_execute0_lowered;
	s2 =	sadd.s32 s2, s4;
	[dreg:$0x0] =	wrdreg $0x0  }
0xa8: {  	s4 =	sshll.u32 s28, $0x1;
	[dreg:$0x2] =	wrdreg s2  }
0xa9: {  	[dreg:$0x3] =	wrdreg s4  }
0xaa: {  	[dreg:$0x4] =	wrdreg $0xC0  }
0xab: {  	_ =	task [dreg:s6], $0x5FFFF  }
0xac: {  	[dreg:$0x1] =	wrdreg $0xFFFFFFFF  }
0xad: {  	[dreg:$0x0] =	wrdreg $0x60  }
0xae: {  	[dreg:$0x2] =	wrdreg s24  }
0xaf: {  	[dreg:$0x3] =	wrdreg $0xB7800  }
0xb0: {  	[dreg:$0x4] =	wrdreg $0x9  }
0xb1: {  	_ =	task.clear_ibuf [dreg:s6], $0x5FFFF;
	_ =	strace $0x9000004F  }
0xb2: {  	s29 =	simm.s32 $0x9;
	_ =	strace $0x80000051  }
0xb3: {  	_ =	swait.ge [sflag:s29], $0x1  }
0xb4: {  	[sflag:s29] =	ssyncadd.s32 $0xFFFFFFFF  }
0xb5: {  	_ =	strace $0x90000051  }
0xb6: {  	_ =	sfence  }
0xb7: {  	s30 =	sld [smem:$0x0];
	_ =	sdelay $0x2  }
0xb8: {  	s31 =	sshll.u32 s1, $0xD;
	s1 =	sshrl.u32 s1, $0x2  }
0xb9: {  	s3 =	sand.u32 $0x4000, s31;
	s1 =	sadd.s32 s1, s30  }
0xba: {  	s0 =	sor.u32 s3, s0;
	s1 =	sshll.u32 s1, $0x11  }
0xbb: {  	s0 =	sor.u32 s1, s0  }
0xbc: {  	s0 =	sadd.s32 $0x8F2B, s0  }
0xbd: {  	[sflag:s0] =	ssyncadd.remote.s32 $0x1  }
0xbe: {  	_ =	sfence.sel $0xFFFF  }
0xbf: {  	[dreg:$0x0] =	wrdreg $0xFFFFFFFF;
	(pc) =	sbr.abs _section_cstart, $3  }
0xc0: {  	[dreg:$0x1] =	wrdreg $0xFFFFFFFF  }
0xc1: {  	_ =	task.clear_ibuf [dreg:s6], $0x2FFFF;
	_ =	strace $0x9FFFFFFF  }
0xc2: {  	(tm) =	ssettm $0x7FFFFFFF  }
0xc3: {  	_ =	shalt  }
tec
execute0_lowered:
.L_overlay_start_1:
0x0: {  	(tag) =	ssettag $0x1  }
0x1: {  	s0 =	srdreg.scid;
	s6 =	rddreg [dreg:$0x0]  }
0x2: {  	s2 =	rddreg [dreg:$0x1];
	s3 =	simm.s32 $0x0;
	s14 =	simm.s32 $0x6780  }
0x3: {  	s15 =	simm.s32 $0x50;
	s16 =	simm.s32 $0x8F80;
	s17 =	simm.s32 $0x1  }
0x4: {  	s18 =	simm.s32 $0x2;
	s19 =	simm.s32 $0x6580;
	s5 =	sand.u32 $0x1, s0  }
0x5: {  	s20 =	simm.s32 $0x0;
	s0 =	stileid.u32;
	s9 =	smul.u32 $0x138800, s5  }
0x6: {  	[smem:$0x7FF] =	sst s3;
	s4 =	sadd.s32 $0x46400, s6;
	s10 =	smul.u32 $0x1F400, s0  }
0x7: {  	s1 =	sshll.u32 s5, $0x4;
	s11 =	smul.u32 $0x3E80, s0;
	s5 =	ssub.s32 $0x2, s5  }
0x8: {  	s29 =	smul.u32 $0x7D000, s0;
	p0 =	sgt.u32 s0, $0x9;
	s7 =	sor.u32 s0, s1  }
0x9: {  	s1 =	rddreg [dreg:$0x2];
	_ =	strace $0x80000050;
	s30 =	sshrl.u32 s5, $0x1  }
0xa: {  	s8 =	smul.u32 $0x4E2, s7;
	s7 =	sshll.u32 s7, $0xB;
	s9 =	sadd.s32 s10, s9  }
0xb: {  	s11 =	sadd.s32 s11, s6;
	s12 =	ssub.s32 s5, s30;
	s31 =	sshrl.u32 s29, $0x2  }
0xc: {  	s10 =	simm.s32 $0x3;
	s7 =	sadd.s32 s7, s6;
	s9 =	sshrl.u32 s9, $0x3  }
0xd: {  	s13 =	sadd.s32 s31, s2;
	s8 =	sadd.s32 s8, s6;
	s9 =	sadd.s32 s9, s6  }
0xe: {  	s6 =	sadd.s32 $0xF200, s7;
	s7 =	sadd.s32 $0x1F200, s11;
	s5 =	sadd.s32 $0x5400, s8  }
0xf: {  	s8 =	sadd.s32 $0x6D600, s9;
	s9 =	smax.u32 s12, $0x1;
	s12 =	sshll.u32 @!p0 s0, $0x6  }
0x10: {  	s11 =	simm.s32 $0x2780;
	s13 =	sshrl.u32 @!p0 s13, $0x3;
	s12 =	sor.u32 @!p0 $0x1C03, s12  }
.LBB2_1:
0x11: {  	[tilespmem:s3], [sflag:$0x3] =	stream.linear.gather [hbm4b:s5+s3], $0x2710, $0x38;
	[tilespmem:$0x1F000] =	vst v63  }
0x12: {  	_ =	swait.ge [sflag:s10], $0x2710  }
0x13: {  	[sflag:s10] =	ssyncset.done $0x0  }
0x14: {  	[sflag:s10] =	ssyncadd.s32 $0xFFFFD8F0  }
0x15: {  	[tilespmem:s11], [sflag:$0x3] =	stream.linear.gather [hbm4b:s6+s3], $0x3E80, $0x38;
	[tilespmem:$0x1F000] =	vst v63  }
0x16: {  	_ =	swait.ge [sflag:s10], $0x3E80  }
0x17: {  	[sflag:s10] =	ssyncset.done $0x0  }
0x18: {  	s21 =	simm.s32 @!p0 $0x3;
	[sflag:s10] =	ssyncadd.s32 $0xFFFFC180  }
0x19: {  	[spmem:s13], [sflag:s12] =	dma.local @!p0 [hbm:s7], $0x3E80  }
0x1a: {  	_ =	swait.ge @!p0 [sflag:s21], $0x3E80  }
0x1b: {  	[sflag:s21] =	ssyncset.done @!p0 $0x0  }
0x1c: {  	[sflag:s21] =	ssyncadd.s32 @!p0 $0xFFFFC180  }
0x1d: {  	[tilespmem:s14], [sflag:$0x1] =	stream.indirect.gather [hbm4b:s4+s15], $0x80, s3, s15, $0xb8;
	[tilespmem:$0x1F000] =	vst v63  }
0x1e: {  	[bflag:$0x0] =	sbarrier.arrive $0xFFFF  }
0x1f: {  	[tilespmem:s16], [sflag:$0x2] =	stream.indirect.gather [hbm4b:s4+s15], $0x80, s15, s15, $0xb8;
	[tilespmem:$0x1F000] =	vst v63  }
0x20: {  	_ =	swait.ge [sflag:s17], $0x2800  }
0x21: {  	[sflag:s17] =	ssyncset.done $0x0  }
0x22: {  	s29 =	simm.s32 $0x2780;
	[sflag:s17] =	ssyncadd.s32 $0xFFFFD800  }
0x23: {  	[spmem:s2] =	stream.indirect.scatter.add.f32 [tilespmem:s14], [sflag:$0x3], $0x80, s29, s15, $0xb8;
	[tilespmem:$0x1F000] =	vst v63  }
0x24: {  	_ =	swait.ge [sflag:s10], $0x2800  }
0x25: {  	[sflag:s10] =	ssyncset.done $0x0  }
0x26: {  	s30 =	simm.s32 $0xA0;
	[sflag:s10] =	ssyncadd.s32 $0xFFFFD800  }
0x27: {  	[tilespmem:s14], [sflag:$0x1] =	stream.indirect.gather [hbm4b:s4+s15], $0x80, s30, s15, $0xb8;
	[tilespmem:$0x1F000] =	vst v63  }
0x28: {  	_ =	swait.ge [sflag:s18], $0x2800  }
0x29: {  	[sflag:s18] =	ssyncset.done $0x0  }
0x2a: {  	s31 =	simm.s32 $0x2800;
	[sflag:s18] =	ssyncadd.s32 $0xFFFFD800  }
0x2b: {  	[spmem:s2] =	stream.indirect.scatter.add.f32 [tilespmem:s16], [sflag:$0x3], $0x80, s31, s15, $0xb8;
	[tilespmem:$0x1F000] =	vst v63  }
0x2c: {  	_ =	swait.ge [sflag:s10], $0x2800  }
0x2d: {  	s22 =	simm.s32 $0x50;
	s21 =	simm.s32 $0x400;
	[sflag:s10] =	ssyncset.done $0x0  }
.LBB2_2:
0x2e: {  	p1 =	sne.s32 s21, $0xF400;
	[sflag:s10] =	ssyncadd.s32 $0xFFFFD800;
	s22 =	sadd.s32 $0xA0, s22  }
0x2f: {  	[tilespmem:s16], [sflag:$0x2] =	stream.indirect.gather [hbm4b:s4+s15], $0x80, s22, s15, $0xb8;
	[tilespmem:$0x1F000] =	vst v63  }
0x30: {  	s23 =	smov.u32 s21;
	s21 =	sadd.s32 $0x400, s21;
	_ =	swait.ge [sflag:s17], $0x2800  }
0x31: {  	s23 =	sshra.s32 s23, $0x2;
	[sflag:s17] =	ssyncset.done $0x0  }
0x32: {  	s24 =	sadd.s32 $0x2780, s23;
	[sflag:s17] =	ssyncadd.s32 $0xFFFFD800  }
0x33: {  	[spmem:s2] =	stream.indirect.scatter.add.f32 [tilespmem:s14], [sflag:$0x3], $0x80, s24, s15, $0xb8;
	[tilespmem:$0x1F000] =	vst v63  }
0x34: {  	_ =	swait.ge [sflag:s10], $0x2800  }
0x35: {  	[sflag:s10] =	ssyncset.done $0x0  }
0x36: {  	s24 =	sadd.s32 $0x50, s22;
	[sflag:s10] =	ssyncadd.s32 $0xFFFFD800  }
0x37: {  	[tilespmem:s14], [sflag:$0x1] =	stream.indirect.gather [hbm4b:s4+s15], $0x80, s24, s15, $0xb8;
	[tilespmem:$0x1F000] =	vst v63  }
0x38: {  	_ =	swait.ge [sflag:s18], $0x2800  }
.Ltmp0:
0x39: {  	[sflag:s18] =	ssyncset.done $0x0;
	(pc) =	sbr.rel @p1 .LBB2_2-.Ltmp0, $4  }
0x3a: {  	s23 =	sadd.s32 $0x2800, s23;
	[sflag:s18] =	ssyncadd.s32 $0xFFFFD800  }
0x3b: {  	[spmem:s2] =	stream.indirect.scatter.add.f32 [tilespmem:s16], [sflag:$0x3], $0x80, s23, s15, $0xb8;
	[tilespmem:$0x1F000] =	vst v63  }
0x3c: {  	_ =	swait.ge [sflag:s10], $0x2800  }
0x3d: {  	[sflag:s10] =	ssyncset.done $0x0  }
0x3e: {  	[sflag:s10] =	ssyncadd.s32 $0xFFFFD800  }
0x3f: {  	_ =	swait.ge [sflag:s17], $0x2800  }
0x40: {  	[sflag:s17] =	ssyncset.done $0x0  }
0x41: {  	[sflag:s17] =	ssyncadd.s32 $0xFFFFD800  }
0x42: {  	[spmem:s2] =	stream.indirect.scatter.add.f32 [tilespmem:s14], [sflag:$0x3], $0x80, s19, s15, $0xb8;
	[tilespmem:$0x1F000] =	vst v63  }
0x43: {  	_ =	swait.ge [sflag:s10], $0x2800  }
0x44: {  	s20 =	sadd.s32 $0x1, s20;
	[sflag:s10] =	ssyncset.done $0x0  }
0x45: {  	p1 =	sne.s32 s20, s9;
	[sflag:s10] =	ssyncadd.s32 $0xFFFFD800  }
.Ltmp1:
0x46: {  	s21 =	simm.s32 @!p0 $0x3;
	[bflag:$0x0] =	sbarrier.arrive $0xFFFF;
	(pc) =	sbr.rel @p1 .LBB2_1-.Ltmp1, $4  }
0x47: {  	[hbm:s8], [sflag:s12] =	dma.local @!p0 [spmem:s13], $0x3E80  }
0x48: {  	_ =	swait.ge @!p0 [sflag:s21], $0x3E80  }
0x49: {  	[sflag:s21] =	ssyncset.done @!p0 $0x0  }
0x4a: {  	[sflag:s21] =	ssyncadd.s32 @!p0 $0xFFFFC180  }
0x4b: {  	_ =	sfence.sel $0x180000  }
0x4c: {  	[bflag:$0x0] =	sbarrier.arrive $0xFFFF  }
0x4d: {  	p0 =	sne.s32 s0, $0x0;
	_ =	strace $0x90000050  }
0x4e: {  	s0 =	sadd.s32 @!p0 $0x100000, s1;
	[bflag:$0x2] =	sbarrier.arrive $0xFFFF  }
0x4f: {  	[sflag:s0] =	ssyncadd.tile.s32 @!p0 $0x1;
	_ =	shalt  }
.Lfunc_end2:
_tile_overlayer_lowered:
.L_overlay_start_2:
0x50: {  	(tag) =	ssettag $0x2  }
0x51: {  	s0 =	rddreg [dreg:$0x0];
	s2 =	stileid.u32  }
0x52: {  	s1 =	rddreg [dreg:$0x1];
	p0 =	sne.s32 s2, $0x0  }
0x53: {  	s3 =	rddreg [dreg:$0x2];
	[bflag:$0x3] =	sbarrier.arrive $0xFFFF;
	s2 =	simm.s32 @!p0 $0x1C03  }
0x54: {  	[timem:s3], [sflag:s2] =	dma.local @!p0 [hbm:s0], s1  }
0x55: {  	s0 =	simm.s32 @!p0 $0x3  }
0x56: {  	_ =	swait.ge @!p0 [sflag:s0], s1  }
0x57: {  	s1 =	ssub.s32 @!p0 $0x0, s1;
	[sflag:s0] =	ssyncset.done @!p0 $0x0  }
0x58: {  	[sflag:s0] =	ssyncadd.s32 @!p0 s1  }
0x59: {  	[bflag:$0x3] =	sbarrier.arrive $0xFFFF  }
0x5a: {  	_ =	shalt  }

// kernel: kernel.24.cloned.1.call-start
scs
__scs_entry_jumppad:
0x0: {  	(pc) =	sbr.rel $0x88, $3  }
0x1: {  	(tag) =	ssettag $0x0;
	lr =	simm.s32 $0x1  }
0x2: {  	[smem:$0x3F89] =	sst lr;
	_ =	strace $0xD0000000  }
0x3: {  	_ = 	snop  }
0x4: {  	_ = 	snop  }
0x5: {  	_ = 	snop  }
0x6: {  	_ = 	snop  }
0x7: {  	_ = 	snop  }
__scs_overlays_trampoline_lowered:
0x8: {  	[smem:$0x3F98] =	sst s0  }
0x9: {  	[smem:$0x3F99] =	sst s1  }
0xa: {  	[smem:$0x3F9A] =	sst s2  }
0xb: {  	[smem:$0x3F9B] =	sst s3  }
0xc: {  	[smem:$0x3F9C] =	sst s4  }
0xd: {  	[smem:$0x3F9D] =	sst s5  }
0xe: {  	[smem:$0x3F9E] =	sst s6  }
0xf: {  	[smem:$0x3F9F] =	sst s7  }
0x10: {  	[smem:$0x3FA0] =	sst s8  }
0x11: {  	[smem:$0x3FA1] =	sst s9;
	s0 =	simm.s32 @!p0 $0x0  }
0x12: {  	s1 =	sld [smem:$0x3F87];
	s0 =	simm.s32 @p0 $0x1  }
0x13: {  	[smem:$0x3FA2] =	sst s0;
	s0 =	simm.s32 @!p1 $0x0  }
0x14: {  	s2 =	sld [smem:$0x3F86];
	s0 =	simm.s32 @p1 $0x1  }
0x15: {  	[smem:$0x3FA3] =	sst s0;
	s0 =	simm.s32 @!p2 $0x0  }
0x16: {  	s3 =	sld [smem:$0x3FDB];
	s0 =	simm.s32 @p2 $0x1  }
0x17: {  	s4 =	simm.s32 $0x1BF5;
	[smem:$0x3FA5] =	sst s0  }
0x18: {  	s0 =	sld [smem:$0x3F88];
	_ =	swait.ge [sflag:s4], $0x0  }
0x19: {  	s7 =	sld [smem:$0x3F89]  }
0x1a: {  	s8 =	sadd.s32 $0xFFFFE003, lr  }
0x1b: {  	s9 =	sadd.s32 $0xFFFFFEF7, lr;
	s5 =	simm.s32 $0xFFFFFFFF;
	p2 =	slt.u32 s8, $0xFFFFF086  }
0x1c: {  	p1 =	slt.u32 s9, $0xF7A;
	s5 =	simm.s32 @!p2 $0x0  }
0x1d: {  	s5 =	simm.s32 @p1 $0x1;
	p0 =	seq.s32 s7, s2  }
0x1e: {  	s7 =	smul.u32 @!p0 $0xF7A, s2;
	p2 =	seq.s32 @!p0 s5, $0x0  }
0x1f: {  	s9 =	smul.u32 $0xF7A, s1;
	s8 =	simm.s32 @!p0 $0x1BF5;
	p2 =	por !p2, p0  }
0x20: {  	[sflag:s8] =	ssyncset.s32 @!p0 $0xFFFFF086;
	s6 =	sadd.s32 @!p0 s3, s7;
	s7 =	simm.s32 @!p0 $0x108  }
0x21: {  	s3 =	sadd.s32 s3, s9;
	s6 =	sadd.s32 @!p0 $0x88, s6;
	s7 =	simm.s32 @p2 $0x1082  }
0x22: {  	[simem:s7], [sflag:s8] =	dma.local @!p0 [hbm:s6], $0xF7A  }
0x23: {  	s9 =	sor.u32 $0xD0000000, s2;
	s6 =	simm.s32 $0x108;
	_ =	swait.ge @!p0 [sflag:s8], $0x0  }
0x24: {  	s3 =	sadd.s32 $0x88, s3;
	s6 =	simm.s32 @!p1 $0x1082;
	[sflag:s4] =	ssyncset.s32 $0xFFFFF086  }
0x25: {  	[simem:s6], [sflag:s4] =	dma.local [hbm:s3], $0xF7A  }
0x26: {  	[smem:$0x3F89] =	sst s1;
	(tag) =	ssettag s2;
	_ =	strace s9  }
0x27: {  	s1 =	sld [smem:$0x3F99]  }
0x28: {  	s2 =	sld [smem:$0x3F9A]  }
0x29: {  	s4 =	sld [smem:$0x3F9C]  }
0x2a: {  	p0 =	seq.s32 s5, $0x0;
	s5 =	sld [smem:$0x3F9D]  }
0x2b: {  	s6 =	sld [smem:$0x3F9E]  }
0x2c: {  	s7 =	sld [smem:$0x3F9F]  }
0x2d: {  	s3 =	simm.s32 $0x108;
	s8 =	sld [smem:$0x3FA0]  }
0x2e: {  	s3 =	simm.s32 @!p0 $0x1082;
	s9 =	sld [smem:$0x3FA1]  }
0x2f: {  	lr =	sadd.s32 s0, s3;
	s0 =	sld [smem:$0x3F98]  }
0x30: {  	s3 =	sld [smem:$0x3F9B]  }
0x31: {  	[smem:$0x3FA4] =	sst s10  }
0x32: {  	s10 =	sld [smem:$0x3FA2];
	_ =	sdelay $0x3  }
0x33: {  	p0 =	seq.s32 s10, $0x1;
	s10 =	sld [smem:$0x3FA4];
	_ =	sdelay $0x3  }
0x34: {  	[smem:$0x3FA4] =	sst s10  }
0x35: {  	s10 =	sld [smem:$0x3FA3];
	_ =	sdelay $0x3  }
0x36: {  	p1 =	seq.s32 s10, $0x1;
	s10 =	sld [smem:$0x3FA4];
	_ =	sdelay $0x3  }
0x37: {  	[smem:$0x3FA4] =	sst s10  }
0x38: {  	s10 =	sld [smem:$0x3FA5]  }
0x39: {  	_ = 	snop;
	(pc) =	sbr.ind lr, $3  }
0x3a: {  	_ = 	snop  }
0x3b: {  	_ = 	snop  }
0x3c: {  	p2 =	seq.s32 s10, $0x1;
	s10 =	sld [smem:$0x3FA4]  }
0x3d: {  	_ =	shalt  }
0x3e: {  	_ =	shalt  }
0x3f: {  	_ =	shalt  }
0x40: {  	_ =	shalt  }
0x41: {  	_ =	shalt  }
0x42: {  	_ =	shalt  }
0x43: {  	_ =	shalt  }
0x44: {  	_ =	shalt  }
0x45: {  	_ =	shalt  }
0x46: {  	_ =	shalt  }
0x47: {  	_ =	shalt  }
0x48: {  	_ =	shalt  }
0x49: {  	_ =	shalt  }
0x4a: {  	_ =	shalt  }
0x4b: {  	_ =	shalt  }
0x4c: {  	_ =	shalt  }
0x4d: {  	_ =	shalt  }
0x4e: {  	_ =	shalt  }
0x4f: {  	_ =	shalt  }
0x50: {  	_ =	shalt  }
0x51: {  	_ =	shalt  }
0x52: {  	_ =	shalt  }
0x53: {  	_ =	shalt  }
0x54: {  	_ =	shalt  }
0x55: {  	_ =	shalt  }
0x56: {  	_ =	shalt  }
0x57: {  	_ =	shalt  }
0x58: {  	_ =	shalt  }
0x59: {  	_ =	shalt  }
0x5a: {  	_ =	shalt  }
0x5b: {  	_ =	shalt  }
0x5c: {  	_ =	shalt  }
0x5d: {  	_ =	shalt  }
0x5e: {  	_ =	shalt  }
0x5f: {  	_ =	shalt  }
0x60: {  	_ =	shalt  }
0x61: {  	_ =	shalt  }
0x62: {  	_ =	shalt  }
0x63: {  	_ =	shalt  }
0x64: {  	_ =	shalt  }
0x65: {  	_ =	shalt  }
0x66: {  	_ =	shalt  }
0x67: {  	_ =	shalt  }
0x68: {  	_ =	shalt  }
0x69: {  	_ =	shalt  }
0x6a: {  	_ =	shalt  }
0x6b: {  	_ =	shalt  }
0x6c: {  	_ =	shalt  }
0x6d: {  	_ =	shalt  }
0x6e: {  	_ =	shalt  }
0x6f: {  	_ =	shalt  }
0x70: {  	_ =	shalt  }
0x71: {  	_ =	shalt  }
0x72: {  	_ =	shalt  }
0x73: {  	_ =	shalt  }
0x74: {  	_ =	shalt  }
0x75: {  	_ =	shalt  }
0x76: {  	_ =	shalt  }
0x77: {  	_ =	shalt  }
0x78: {  	_ =	shalt  }
0x79: {  	_ =	shalt  }
0x7a: {  	_ =	shalt  }
0x7b: {  	_ =	shalt  }
0x7c: {  	_ =	shalt  }
0x7d: {  	_ =	shalt  }
0x7e: {  	_ =	shalt  }
0x7f: {  	_ =	shalt  }
0x80: {  	_ =	shalt  }
0x81: {  	_ =	shalt  }
0x82: {  	_ =	shalt  }
0x83: {  	_ =	shalt  }
0x84: {  	_ =	shalt  }
0x85: {  	_ =	shalt  }
0x86: {  	_ =	shalt  }
0x87: {  	_ =	shalt  }
.Lfunc_end0:
.L_simem_size_0:
called_computation.4_lowered:
.L_overlay_start_0:
0x88: {  	s2 =	sld [smem:$0x3FD9]  }
0x89: {  	s3 =	sld [smem:$0x3FFE];
	_ =	sdelay $0x1  }
0x8a: {  	s1 =	srdreg.scid  }
0x8b: {  	s0 =	sand.u32 $0x1, s1  }
0x8c: {  	s16 =	sshll.u32 s0, $0xA;
	s2 =	sadd.s32 s3, s2  }
0x8d: {  	s2 =	sadd.s32 s2, s16  }
0x8e: {  	[smem:$0x3FB0] =	sst s2  }
0x8f: {  	_ = 	snop  }
0x90: {  	(tm) =	ssettm $0x1  }
0x91: {  	s17 =	sld [smem:$0x3FFB];
	_ =	sdelay $0x3  }
0x92: {  	_ =	strace s17  }
0x93: {  	s2 =	sld [smem:$0x3FFC];
	_ =	sdelay $0x3  }
0x94: {  	_ =	strace s2  }
0x95: {  	s2 =	sld [smem:$0x3FFD];
	_ =	sdelay $0x3  }
0x96: {  	_ =	strace s2  }
0x97: {  	_ =	strace $0x8FFFFFFF  }
0x98: {  	s18 =	sld [smem:$0x3FDB];
	_ =	sdelay $0x1  }
0x99: {  	s19 =	simm.s32 $_scs_section_size  }
0x9a: {  	s4 =	simm.s32 $_size__tile_overlayer_lowered;
	s5 =	simm.s32 $_tile_overlayer_lowered  }
0x9b: {  	s22 =	simm.s32 $0x1BFF;
	s21 =	sshll.u32 s5, $0x1;
	s2 =	sadd.s32 s19, s18  }
0x9c: {  	s6 =	simm.s32 $0x0;
	s20 =	sshll.u32 s4, $0x1;
	s4 =	sadd.s32 s21, s2  }
0x9d: {  	[timem:s6], [sflag:s22] =	dma.local [hbm:s4], s20  }
0x9e: {  	_ =	swait.ge [sflag:s22], s20  }
0x9f: {  	s3 =	ssub.s32 $0x0, s20;
	[sflag:s22] =	ssyncset.done $0x0  }
0xa0: {  	[sflag:s22] =	ssyncadd.s32 s3;
	_ =	sdelay $0x1  }
0xa1: {  	s23 =	simm.s32 $0x1B8B  }
0xa2: {  	_ =	swait.ge [sflag:s23], $0x1  }
0xa3: {  	[sflag:s23] =	ssyncset.done $0x0  }
0xa4: {  	s25 =	simm.s32 $0x1B8E;
	s24 =	sld [smem:$0x3FFE];
	[sflag:s23] =	ssyncadd.s32 $0xFFFFFFFF  }
0xa5: {  	s26 =	simm.s32 $execute0_lowered;
	[smem:$0x3FD2] =	sst s25  }
0xa6: {  	s4 =	sshll.u32 s26, $0x1;
	_ =	strace $0x80000052;
	[dreg:$0x1] =	wrdreg $0xFFFFFFFF  }
0xa7: {  	s28 =	simm.s32 $_size_execute0_lowered;
	s2 =	sadd.s32 s2, s4;
	[dreg:$0x0] =	wrdreg $0x0  }
0xa8: {  	s4 =	sshll.u32 s28, $0x1;
	[dreg:$0x2] =	wrdreg s2  }
0xa9: {  	[dreg:$0x3] =	wrdreg s4  }
0xaa: {  	[dreg:$0x4] =	wrdreg $0xC0  }
0xab: {  	_ =	task [dreg:s6], $0x5FFFF  }
0xac: {  	[dreg:$0x1] =	wrdreg $0xFFFFFFFF  }
0xad: {  	[dreg:$0x0] =	wrdreg $0x60  }
0xae: {  	[dreg:$0x2] =	wrdreg s24  }
0xaf: {  	[dreg:$0x3] =	wrdreg $0xB7800  }
0xb0: {  	[dreg:$0x4] =	wrdreg $0x9  }
0xb1: {  	_ =	task.clear_ibuf [dreg:s6], $0x5FFFF;
	_ =	strace $0x90000052  }
0xb2: {  	s29 =	simm.s32 $0x9;
	_ =	strace $0x80000054  }
0xb3: {  	_ =	swait.ge [sflag:s29], $0x1  }
0xb4: {  	[sflag:s29] =	ssyncadd.s32 $0xFFFFFFFF  }
0xb5: {  	_ =	strace $0x90000054  }
0xb6: {  	_ =	sfence  }
0xb7: {  	s30 =	sld [smem:$0x0];
	_ =	sdelay $0x2  }
0xb8: {  	s31 =	sshll.u32 s1, $0xD;
	s1 =	sshrl.u32 s1, $0x2  }
0xb9: {  	s3 =	sand.u32 $0x4000, s31;
	s1 =	sadd.s32 s1, s30  }
0xba: {  	s0 =	sor.u32 s3, s0;
	s1 =	sshll.u32 s1, $0x11  }
0xbb: {  	s0 =	sor.u32 s1, s0  }
0xbc: {  	s0 =	sadd.s32 $0x8F2B, s0  }
0xbd: {  	[sflag:s0] =	ssyncadd.remote.s32 $0x1  }
0xbe: {  	_ =	sfence.sel $0xFFFF  }
0xbf: {  	[dreg:$0x0] =	wrdreg $0xFFFFFFFF;
	(pc) =	sbr.abs _section_cstart, $3  }
0xc0: {  	[dreg:$0x1] =	wrdreg $0xFFFFFFFF  }
0xc1: {  	_ =	task.clear_ibuf [dreg:s6], $0x2FFFF;
	_ =	strace $0x9FFFFFFF  }
0xc2: {  	(tm) =	ssettm $0x7FFFFFFF  }
0xc3: {  	_ =	shalt  }
tec
execute0_lowered:
.L_overlay_start_1:
0x0: {  	(tag) =	ssettag $0x1  }
0x1: {  	s0 =	srdreg.scid;
	s6 =	rddreg [dreg:$0x0]  }
0x2: {  	s2 =	rddreg [dreg:$0x1];
	s3 =	simm.s32 $0x0;
	s14 =	simm.s32 $0x6780  }
0x3: {  	s15 =	simm.s32 $0x50;
	s16 =	simm.s32 $0x8F80;
	s17 =	simm.s32 $0x1  }
0x4: {  	s18 =	simm.s32 $0x2;
	s19 =	simm.s32 $0x6580;
	s5 =	sand.u32 $0x1, s0  }
0x5: {  	s20 =	simm.s32 $0x0;
	s0 =	stileid.u32;
	s9 =	smul.u32 $0x138800, s5  }
0x6: {  	[smem:$0x7FF] =	sst s3;
	s4 =	sadd.s32 $0x46400, s6;
	s10 =	smul.u32 $0x1F400, s0  }
0x7: {  	s1 =	sshll.u32 s5, $0x4;
	s11 =	smul.u32 $0x3E80, s0;
	s5 =	ssub.s32 $0x2, s5  }
0x8: {  	s29 =	smul.u32 $0x7D000, s0;
	p0 =	sgt.u32 s0, $0x9;
	s7 =	sor.u32 s0, s1  }
0x9: {  	s1 =	rddreg [dreg:$0x2];
	_ =	strace $0x80000053;
	s30 =	sshrl.u32 s5, $0x1  }
0xa: {  	s8 =	smul.u32 $0x4E2, s7;
	s7 =	sshll.u32 s7, $0xB;
	s9 =	sadd.s32 s10, s9  }
0xb: {  	s11 =	sadd.s32 s11, s6;
	s12 =	ssub.s32 s5, s30;
	s31 =	sshrl.u32 s29, $0x2  }
0xc: {  	s10 =	simm.s32 $0x3;
	s7 =	sadd.s32 s7, s6;
	s9 =	sshrl.u32 s9, $0x3  }
0xd: {  	s13 =	sadd.s32 s31, s2;
	s8 =	sadd.s32 s8, s6;
	s9 =	sadd.s32 s9, s6  }
0xe: {  	s6 =	sadd.s32 $0xF200, s7;
	s7 =	sadd.s32 $0x1F200, s11;
	s5 =	sadd.s32 $0x5400, s8  }
0xf: {  	s8 =	sadd.s32 $0x6D600, s9;
	s9 =	smax.u32 s12, $0x1;
	s12 =	sshll.u32 @!p0 s0, $0x6  }
0x10: {  	s11 =	simm.s32 $0x2780;
	s13 =	sshrl.u32 @!p0 s13, $0x3;
	s12 =	sor.u32 @!p0 $0x1C03, s12  }
.LBB2_1:
0x11: {  	[tilespmem:s3], [sflag:$0x3] =	stream.linear.gather [hbm4b:s5+s3], $0x2710, $0x38;
	[tilespmem:$0x1F000] =	vst v63  }
0x12: {  	_ =	swait.ge [sflag:s10], $0x2710  }
0x13: {  	[sflag:s10] =	ssyncset.done $0x0  }
0x14: {  	[sflag:s10] =	ssyncadd.s32 $0xFFFFD8F0  }
0x15: {  	[tilespmem:s11], [sflag:$0x3] =	stream.linear.gather [hbm4b:s6+s3], $0x3E80, $0x38;
	[tilespmem:$0x1F000] =	vst v63  }
0x16: {  	_ =	swait.ge [sflag:s10], $0x3E80  }
0x17: {  	[sflag:s10] =	ssyncset.done $0x0  }
0x18: {  	s21 =	simm.s32 @!p0 $0x3;
	[sflag:s10] =	ssyncadd.s32 $0xFFFFC180  }
0x19: {  	[spmem:s13], [sflag:s12] =	dma.local @!p0 [hbm:s7], $0x3E80  }
0x1a: {  	_ =	swait.ge @!p0 [sflag:s21], $0x3E80  }
0x1b: {  	[sflag:s21] =	ssyncset.done @!p0 $0x0  }
0x1c: {  	[sflag:s21] =	ssyncadd.s32 @!p0 $0xFFFFC180  }
0x1d: {  	[tilespmem:s14], [sflag:$0x1] =	stream.indirect.gather [hbm4b:s4+s15], $0x80, s3, s15, $0xb8;
	[tilespmem:$0x1F000] =	vst v63  }
0x1e: {  	[bflag:$0x0] =	sbarrier.arrive $0xFFFF  }
0x1f: {  	[tilespmem:s16], [sflag:$0x2] =	stream.indirect.gather [hbm4b:s4+s15], $0x80, s15, s15, $0xb8;
	[tilespmem:$0x1F000] =	vst v63  }
0x20: {  	_ =	swait.ge [sflag:s17], $0x2800  }
0x21: {  	[sflag:s17] =	ssyncset.done $0x0  }
0x22: {  	s29 =	simm.s32 $0x2780;
	[sflag:s17] =	ssyncadd.s32 $0xFFFFD800  }
0x23: {  	[spmem:s2] =	stream.indirect.scatter.add.f32 [tilespmem:s14], [sflag:$0x3], $0x80, s29, s15, $0xb8;
	[tilespmem:$0x1F000] =	vst v63  }
0x24: {  	_ =	swait.ge [sflag:s10], $0x2800  }
0x25: {  	[sflag:s10] =	ssyncset.done $0x0  }
0x26: {  	s30 =	simm.s32 $0xA0;
	[sflag:s10] =	ssyncadd.s32 $0xFFFFD800  }
0x27: {  	[tilespmem:s14], [sflag:$0x1] =	stream.indirect.gather [hbm4b:s4+s15], $0x80, s30, s15, $0xb8;
	[tilespmem:$0x1F000] =	vst v63  }
0x28: {  	_ =	swait.ge [sflag:s18], $0x2800  }
0x29: {  	[sflag:s18] =	ssyncset.done $0x0  }
0x2a: {  	s31 =	simm.s32 $0x2800;
	[sflag:s18] =	ssyncadd.s32 $0xFFFFD800  }
0x2b: {  	[spmem:s2] =	stream.indirect.scatter.add.f32 [tilespmem:s16], [sflag:$0x3], $0x80, s31, s15, $0xb8;
	[tilespmem:$0x1F000] =	vst v63  }
0x2c: {  	_ =	swait.ge [sflag:s10], $0x2800  }
0x2d: {  	s22 =	simm.s32 $0x50;
	s21 =	simm.s32 $0x400;
	[sflag:s10] =	ssyncset.done $0x0  }
.LBB2_2:
0x2e: {  	p1 =	sne.s32 s21, $0xF400;
	[sflag:s10] =	ssyncadd.s32 $0xFFFFD800;
	s22 =	sadd.s32 $0xA0, s22  }
0x2f: {  	[tilespmem:s16], [sflag:$0x2] =	stream.indirect.gather [hbm4b:s4+s15], $0x80, s22, s15, $0xb8;
	[tilespmem:$0x1F000] =	vst v63  }
0x30: {  	s23 =	smov.u32 s21;
	s21 =	sadd.s32 $0x400, s21;
	_ =	swait.ge [sflag:s17], $0x2800  }
0x31: {  	s23 =	sshra.s32 s23, $0x2;
	[sflag:s17] =	ssyncset.done $0x0  }
0x32: {  	s24 =	sadd.s32 $0x2780, s23;
	[sflag:s17] =	ssyncadd.s32 $0xFFFFD800  }
0x33: {  	[spmem:s2] =	stream.indirect.scatter.add.f32 [tilespmem:s14], [sflag:$0x3], $0x80, s24, s15, $0xb8;
	[tilespmem:$0x1F000] =	vst v63  }
0x34: {  	_ =	swait.ge [sflag:s10], $0x2800  }
0x35: {  	[sflag:s10] =	ssyncset.done $0x0  }
0x36: {  	s24 =	sadd.s32 $0x50, s22;
	[sflag:s10] =	ssyncadd.s32 $0xFFFFD800  }
0x37: {  	[tilespmem:s14], [sflag:$0x1] =	stream.indirect.gather [hbm4b:s4+s15], $0x80, s24, s15, $0xb8;
	[tilespmem:$0x1F000] =	vst v63  }
0x38: {  	_ =	swait.ge [sflag:s18], $0x2800  }
.Ltmp0:
0x39: {  	[sflag:s18] =	ssyncset.done $0x0;
	(pc) =	sbr.rel @p1 .LBB2_2-.Ltmp0, $4  }
0x3a: {  	s23 =	sadd.s32 $0x2800, s23;
	[sflag:s18] =	ssyncadd.s32 $0xFFFFD800  }
0x3b: {  	[spmem:s2] =	stream.indirect.scatter.add.f32 [tilespmem:s16], [sflag:$0x3], $0x80, s23, s15, $0xb8;
	[tilespmem:$0x1F000] =	vst v63  }
0x3c: {  	_ =	swait.ge [sflag:s10], $0x2800  }
0x3d: {  	[sflag:s10] =	ssyncset.done $0x0  }
0x3e: {  	[sflag:s10] =	ssyncadd.s32 $0xFFFFD800  }
0x3f: {  	_ =	swait.ge [sflag:s17], $0x2800  }
0x40: {  	[sflag:s17] =	ssyncset.done $0x0  }
0x41: {  	[sflag:s17] =	ssyncadd.s32 $0xFFFFD800  }
0x42: {  	[spmem:s2] =	stream.indirect.scatter.add.f32 [tilespmem:s14], [sflag:$0x3], $0x80, s19, s15, $0xb8;
	[tilespmem:$0x1F000] =	vst v63  }
0x43: {  	_ =	swait.ge [sflag:s10], $0x2800  }
0x44: {  	s20 =	sadd.s32 $0x1, s20;
	[sflag:s10] =	ssyncset.done $0x0  }
0x45: {  	p1 =	sne.s32 s20, s9;
	[sflag:s10] =	ssyncadd.s32 $0xFFFFD800  }
.Ltmp1:
0x46: {  	s21 =	simm.s32 @!p0 $0x3;
	[bflag:$0x0] =	sbarrier.arrive $0xFFFF;
	(pc) =	sbr.rel @p1 .LBB2_1-.Ltmp1, $4  }
0x47: {  	[hbm:s8], [sflag:s12] =	dma.local @!p0 [spmem:s13], $0x3E80  }
0x48: {  	_ =	swait.ge @!p0 [sflag:s21], $0x3E80  }
0x49: {  	[sflag:s21] =	ssyncset.done @!p0 $0x0  }
0x4a: {  	[sflag:s21] =	ssyncadd.s32 @!p0 $0xFFFFC180  }
0x4b: {  	_ =	sfence.sel $0x180000  }
0x4c: {  	[bflag:$0x0] =	sbarrier.arrive $0xFFFF  }
0x4d: {  	p0 =	sne.s32 s0, $0x0;
	_ =	strace $0x90000053  }
0x4e: {  	s0 =	sadd.s32 @!p0 $0x100000, s1;
	[bflag:$0x2] =	sbarrier.arrive $0xFFFF  }
0x4f: {  	[sflag:s0] =	ssyncadd.tile.s32 @!p0 $0x1;
	_ =	shalt  }
.Lfunc_end2:
_tile_overlayer_lowered:
.L_overlay_start_2:
0x50: {  	(tag) =	ssettag $0x2  }
0x51: {  	s0 =	rddreg [dreg:$0x0];
	s2 =	stileid.u32  }
0x52: {  	s1 =	rddreg [dreg:$0x1];
	p0 =	sne.s32 s2, $0x0  }
0x53: {  	s3 =	rddreg [dreg:$0x2];
	[bflag:$0x3] =	sbarrier.arrive $0xFFFF;
	s2 =	simm.s32 @!p0 $0x1C03  }
0x54: {  	[timem:s3], [sflag:s2] =	dma.local @!p0 [hbm:s0], s1  }
0x55: {  	s0 =	simm.s32 @!p0 $0x3  }
0x56: {  	_ =	swait.ge @!p0 [sflag:s0], s1  }
0x57: {  	s1 =	ssub.s32 @!p0 $0x0, s1;
	[sflag:s0] =	ssyncset.done @!p0 $0x0  }
0x58: {  	[sflag:s0] =	ssyncadd.s32 @!p0 s1  }
0x59: {  	[bflag:$0x3] =	sbarrier.arrive $0xFFFF  }
0x5a: {  	_ =	shalt  }

</sc_bundles>
